<compile_context>
chip_gen: v7x
topology: tpu7x:2x2x1
jax: 0.10.2.dev20260603
libtpu: 0.0.44.dev20260713+nightly
codegen_flags: <defaults>
</compile_context>

<pallas_src>
import jax
import jax.numpy as jnp
from jax import lax
from jax.experimental import pallas as pl
from jax.experimental.pallas import tpu as pltpu
from jax.experimental.pallas import tpu_sc as plsc

N = 10000
E = 320000
D_IN = 128
D_HID = 16
D_OUT = 40

NROWS = 10240
CHUNK = 2000
CPT32 = 5
EPT = CHUNK * CPT32
RPT = NROWS // 16

_mesh = plsc.VectorSubcoreMesh(core_axis_name="c", subcore_axis_name="s")


def _deg_body(dst_hbm, zero_hbm, deg_hbm, idx_v, acc_v, part_sh, col_v):
    c = lax.axis_index("c")
    s = lax.axis_index("s")
    w = c * 16 + s
    pltpu.sync_copy(dst_hbm.at[pl.ds(w * EPT, EPT)], idx_v)
    pltpu.sync_copy(zero_hbm, acc_v)

    ones16 = jnp.full((16,), 1.0, jnp.float32)

    def cloop(r, carry):
        for k in range(8):
            idx = idx_v[pl.ds(r * 128 + k * 16, 16)]
            plsc.addupdate_scatter(acc_v, [idx], ones16)
        return carry

    lax.fori_loop(0, EPT // 128, cloop, None)

    pltpu.sync_copy(acc_v, part_sh.at[s])
    plsc.subcore_barrier()
    for r in range(16):
        pltpu.sync_copy(part_sh.at[r, pl.ds(s * RPT, RPT)], col_v.at[r])

    def sloop(i, carry):
        tot = jnp.zeros((16,), jnp.float32)
        for r in range(16):
            tot = tot + col_v[r, pl.ds(i * 16, 16)]
        acc_v[pl.ds(i * 16, 16)] = tot
        return carry

    lax.fori_loop(0, RPT // 16, sloop, None)
    pltpu.sync_copy(acc_v.at[pl.ds(0, RPT)], deg_hbm.at[c, pl.ds(s * RPT, RPT)])


_deg_call = pl.kernel(
    _deg_body,
    out_type=jax.ShapeDtypeStruct((2, NROWS), jnp.float32),
    mesh=_mesh,
    compiler_params=pltpu.CompilerParams(needs_layout_passes=False, use_tc_tiling_on_sc=False),
    scratch_types=[
        pltpu.VMEM((EPT,), jnp.int32),
        pltpu.VMEM((NROWS,), jnp.float32),
        pltpu.VMEM_SHARED((16, NROWS), jnp.float32),
        pltpu.VMEM((16, RPT), jnp.float32),
    ],
)


NBUF = 4


def _make_agg(scale):

    def body(h_hbm, deg_hbm, src_hbm, dst_hbm, zero_hbm, out_hbm, dis_hbm,
             sidx, didx, b0, b1, stage, disv, dbuf, ybuf, table_sh, acc_sh,
             g0, g1, s0, s1):
        c = lax.axis_index("c")
        s = lax.axis_index("s")
        w = c * 16 + s
        pltpu.sync_copy(src_hbm.at[pl.ds(w * EPT, EPT)], sidx)
        pltpu.sync_copy(dst_hbm.at[pl.ds(w * EPT, EPT)], didx)

        pltpu.sync_copy(h_hbm.at[pl.ds(s * RPT, RPT)], stage)
        if scale:
            pltpu.sync_copy(deg_hbm.at[0, pl.ds(s * RPT, RPT)],
                            dbuf.at[0])
            pltpu.sync_copy(deg_hbm.at[1, pl.ds(s * RPT, RPT)],
                            dbuf.at[1])

            def dloop(i, carry):
                deg = jnp.full((16,), 1.0, jnp.float32)
                deg = deg + dbuf[0, pl.ds(i * 16, 16)]
                deg = deg + dbuf[1, pl.ds(i * 16, 16)]
                bi = plsc.bitcast(deg, jnp.int32)
                bi = 0x5F3759DF - lax.shift_right_arithmetic(bi, 1)
                y = plsc.bitcast(bi, jnp.float32)
                for _n in range(3):
                    y = y * (1.5 - 0.5 * deg * y * y)
                ybuf[...] = y
                for u in range(16):
                    d = plsc.load_gather(ybuf, [jnp.full((16,), u, jnp.int32)])
                    disv[2 * i + (u // 8), pl.ds((u % 8) * 16, 16)] = d
                    r = i * 16 + u
                    stage[r] = stage[r] * d
                return carry

            lax.fori_loop(0, RPT // 16, dloop, None)

            @pl.when(c == 0)
            def _():
                pltpu.sync_copy(disv, dis_hbm.at[pl.ds(s * (RPT // 8),
                                                       RPT // 8)])
        pltpu.sync_copy(stage, table_sh.at[pl.ds(s * RPT, RPT)])

        @pl.when(c != 0)
        def _():
            pltpu.sync_copy(zero_hbm, stage)

        pltpu.sync_copy(stage, acc_sh.at[pl.ds(s * RPT, RPT)])
        plsc.subcore_barrier()

        bufs = (b0, b1)
        gsems = (g0, g1)
        ssems = (s0, s1)

        def idx_g(m):
            return sidx.at[pl.ds(m * CHUNK, CHUNK)]

        def idx_s(m):
            return didx.at[pl.ds(m * CHUNK, CHUNK)]

        def fire_g(m, u):
            pltpu.async_copy(table_sh.at[idx_g(m)], bufs[u], gsems[u])

        def wait_g(m, u):
            pltpu.make_async_copy(table_sh.at[idx_g(m)], bufs[u],
                                  gsems[u]).wait()

        def fire_s(m, u):
            pltpu.async_copy(bufs[u], acc_sh.at[idx_s(m)], ssems[u],
                             add=True)

        def wait_s(m, u):
            pltpu.make_async_copy(bufs[u], acc_sh.at[idx_s(m)],
                                  ssems[u]).wait()

        fire_g(0, 0)
        fire_g(1, 1)
        for m in range(CPT32):
            u = m % 2
            wait_g(m, u)
            fire_s(m, u)
            if m + 2 < CPT32:
                wait_s(m, u)
                fire_g(m + 2, u)
        for m in range(CPT32 - 2, CPT32):
            wait_s(m, m % 2)

        plsc.subcore_barrier()
        pltpu.sync_copy(acc_sh.at[pl.ds(s * RPT, RPT)], stage)
        pltpu.sync_copy(stage, out_hbm.at[c, pl.ds(s * RPT, RPT)])

    outs = (jax.ShapeDtypeStruct((2, NROWS, D_HID), jnp.float32),
            jax.ShapeDtypeStruct((NROWS // 8, 128), jnp.float32))
    if not scale:
        outs = (jax.ShapeDtypeStruct((2, NROWS, D_HID), jnp.float32),
                jax.ShapeDtypeStruct((8, 128), jnp.float32))
    return pl.kernel(
        body,
        out_type=outs,
        mesh=_mesh,
        compiler_params=pltpu.CompilerParams(needs_layout_passes=False,
                                             use_tc_tiling_on_sc=False),
        scratch_types=[
            pltpu.VMEM((EPT,), jnp.int32),
            pltpu.VMEM((EPT,), jnp.int32),
            pltpu.VMEM((CHUNK, D_HID), jnp.float32),
            pltpu.VMEM((CHUNK, D_HID), jnp.float32),
            pltpu.VMEM((RPT, D_HID), jnp.float32),
            pltpu.VMEM((RPT // 8, 128), jnp.float32),
            pltpu.VMEM((2, RPT), jnp.float32),
            pltpu.VMEM((16,), jnp.float32),
            pltpu.VMEM_SHARED((NROWS, D_HID), jnp.float32),
            pltpu.VMEM_SHARED((NROWS, D_HID), jnp.float32),
            pltpu.SemaphoreType.DMA,
            pltpu.SemaphoreType.DMA,
            pltpu.SemaphoreType.DMA,
            pltpu.SemaphoreType.DMA,
        ],
    )


_agg_scaled_call = _make_agg(True)
_agg_plain_call = _make_agg(False)


def _k2_body(x_ref, w_ref, o_ref):
    o_ref[pl.ds(0, N), :] = jnp.dot(x_ref[...], w_ref[...],
                                    preferred_element_type=jnp.float32)
    o_ref[pl.ds(N, NROWS - N), :] = jnp.zeros((NROWS - N, D_HID), jnp.float32)


def _k4_body(parts_ref, dis_ref, b_ref, o_ref):
    agg = parts_ref[0] + parts_ref[1]
    z = jnp.maximum(agg * dis_ref[...] + b_ref[...], 0.0)
    o_ref[...] = z * dis_ref[...]


def _k6_body(parts_ref, dis_ref, w_ref, b_ref, o_ref):
    u = (parts_ref[0] + parts_ref[1]) * dis_ref[...]
    o = jnp.dot(u, w_ref[...], preferred_element_type=jnp.float32) + b_ref[...]
    o3 = o.reshape(o.shape[0], 8, D_OUT)
    m = jnp.max(o3, axis=2, keepdims=True)
    e = o3 - m
    lse = jnp.log(jnp.sum(jnp.exp(e), axis=2, keepdims=True))
    o_ref[...] = (e - lse).reshape(o.shape[0], 8 * D_OUT)


NRV = NROWS // 8

_k2_call = pl.pallas_call(
    _k2_body, out_shape=jax.ShapeDtypeStruct((NROWS, D_HID), jnp.float32))

_K4R = 320
_k4_call = pl.pallas_call(
    _k4_body,
    grid=(NRV // _K4R,),
    in_specs=[
        pl.BlockSpec((2, _K4R, 128), lambda i: (0, i, 0)),
        pl.BlockSpec((_K4R, 128), lambda i: (i, 0)),
        pl.BlockSpec((1, 128), lambda i: (0, 0)),
    ],
    out_specs=pl.BlockSpec((_K4R, 128), lambda i: (i, 0)),
    out_shape=jax.ShapeDtypeStruct((NRV, 128), jnp.float32))

_K6R = 320
_k6_call = pl.pallas_call(
    _k6_body,
    grid=(NRV // _K6R,),
    in_specs=[
        pl.BlockSpec((2, _K6R, 128), lambda i: (0, i, 0)),
        pl.BlockSpec((_K6R, 128), lambda i: (i, 0)),
        pl.BlockSpec((128, 8 * D_OUT), lambda i: (0, 0)),
        pl.BlockSpec((1, 8 * D_OUT), lambda i: (0, 0)),
    ],
    out_specs=pl.BlockSpec((_K6R, 8 * D_OUT), lambda i: (i, 0)),
    out_shape=jax.ShapeDtypeStruct((NRV, 8 * D_OUT), jnp.float32))


@jax.jit
def kernel(x, edge_index, W1, b1, W2, b2):
    h1 = _k2_call(x, W1)
    zdeg = jnp.zeros((NROWS,), jnp.float32)
    srcv = edge_index[0]
    dstv = edge_index[1]
    deg2 = _deg_call(dstv, zdeg)
    zrows = jnp.zeros((RPT, D_HID), jnp.float32)
    parts1, dis16 = _agg_scaled_call(h1, deg2, srcv, dstv, zrows)
    b1t = jnp.tile(b1, (8,)).reshape(1, 128)
    zp = _k4_call(parts1.reshape(2, NRV, 128), dis16, b1t)
    parts2, _unused = _agg_plain_call(zp.reshape(NROWS, D_HID), deg2,
                                      srcv, dstv, zrows)
    w2rep = jnp.kron(jnp.eye(8, dtype=jnp.float32), W2)
    b2t = jnp.tile(b2, (8,)).reshape(1, 8 * D_OUT)
    out320 = _k6_call(parts2.reshape(2, NRV, 128), dis16, w2rep, b2t)
    return out320[:N // 8].reshape(N, D_OUT)

# --- scband reference (transcript-rebuilt; emitter-appended) ---
"""Pipeline reference for scband-gcn-1838246003236 (READ-ONLY COPY).

The authoritative reference and input builder live on the scoring server;
editing this copy changes nothing except your own understanding.
"""

import jax, jax.numpy as jnp
import numpy as np

N = 10000
E = 320000
D_IN = 128
D_HID = 16
D_OUT = 40


def _gcn_conv(x, edge_index, W, b, n):
    # PyG GCNConv: add self-loops, symmetric degree normalization, linear transform, scatter-add aggregate
    src = edge_index[0]
    dst = edge_index[1]
    loop = jnp.arange(n, dtype=src.dtype)
    src = jnp.concatenate([src, loop])
    dst = jnp.concatenate([dst, loop])
    deg = jnp.zeros((n,), dtype=x.dtype).at[dst].add(1.0)
    deg_inv_sqrt = jnp.where(deg > 0, jax.lax.rsqrt(jnp.maximum(deg, 1e-12)), 0.0)
    norm = deg_inv_sqrt[src] * deg_inv_sqrt[dst]
    h = x @ W
    msg = jnp.take(h, src, axis=0) * norm[:, None]
    out = jnp.zeros((n, h.shape[1]), dtype=h.dtype).at[dst].add(msg)
    return out + b


def setup_inputs(seed: int = 0):
    key = jax.random.key(seed)
    ks = jax.random.split(key, 6)
    x = jax.random.normal(ks[0], (N, D_IN), dtype=jnp.float32)
    edge_index = jax.random.randint(ks[1], (2, E), 0, N, dtype=jnp.int32)
    W1 = jax.random.normal(ks[2], (D_IN, D_HID), dtype=jnp.float32) * (1.0 / np.sqrt(D_IN))
    b1 = jnp.zeros((D_HID,), dtype=jnp.float32)
    W2 = jax.random.normal(ks[3], (D_HID, D_OUT), dtype=jnp.float32) * (1.0 / np.sqrt(D_HID))
    b2 = jnp.zeros((D_OUT,), dtype=jnp.float32)
    return {"x": x, "edge_index": edge_index, "W1": W1, "b1": b1, "W2": W2, "b2": b2}


def reference(x, edge_index, W1, b1, W2, b2):
    n = x.shape[0]
    h = _gcn_conv(x, edge_index, W1, b1, n)
    h = jax.nn.relu(h)
    # dropout is identity in eval mode (training=False)
    out = _gcn_conv(h, edge_index, W2, b2, n)
    return jax.nn.log_softmax(out, axis=1)

if __name__ == "__main__":
    import jax
    _d = setup_inputs()
    print(jax.jit(kernel)(*tuple(_d.values())))

</pallas_src>

<mosaic_0001>
#map = affine_map<(d0, d1) -> (0, 0)>
#map1 = affine_map<(d0, d1) -> (0)>
#map2 = affine_map<(d0, d1) -> (0, 0, 0)>
module attributes {stable_mosaic.version = 14 : i64} {
  func.func @body(%arg0: i32, %arg1: i32, %arg2: memref<10240x16xf32, #tpu.memory_space<hbm>>, %arg3: memref<2x10240xf32, #tpu.memory_space<hbm>>, %arg4: memref<320000xi32, #tpu.memory_space<hbm>>, %arg5: memref<320000xi32, #tpu.memory_space<hbm>>, %arg6: memref<640x16xf32, #tpu.memory_space<hbm>>, %arg7: memref<2x10240x16xf32, #tpu.memory_space<hbm>>, %arg8: memref<8x128xf32, #tpu.memory_space<hbm>>, %arg9: memref<10000xi32, #tpu.memory_space<vmem>>, %arg10: memref<10000xi32, #tpu.memory_space<vmem>>, %arg11: memref<2000x16xf32, #tpu.memory_space<vmem>>, %arg12: memref<2000x16xf32, #tpu.memory_space<vmem>>, %arg13: memref<640x16xf32, #tpu.memory_space<vmem>>, %arg14: memref<80x128xf32, #tpu.memory_space<vmem>>, %arg15: memref<2x640xf32, #tpu.memory_space<vmem>>, %arg16: memref<16xf32, #tpu.memory_space<vmem>>, %arg17: memref<10240x16xf32, #tpu.memory_space<vmem_shared>>, %arg18: memref<10240x16xf32, #tpu.memory_space<vmem_shared>>, %arg19: memref<!tpu.dma_semaphore, #tpu.memory_space<semaphore_mem>>, %arg20: memref<!tpu.dma_semaphore, #tpu.memory_space<semaphore_mem>>, %arg21: memref<!tpu.dma_semaphore, #tpu.memory_space<semaphore_mem>>, %arg22: memref<!tpu.dma_semaphore, #tpu.memory_space<semaphore_mem>>) attributes {dimension_semantics = [#tpu.dimension_semantics<core_parallel>, #tpu.dimension_semantics<subcore_parallel>], iteration_bounds = array<i64: 2, 16>, scalar_prefetch = 0 : i64, scratch_operands = 14 : i64, tpu.core_type = #tpu.core_type<sc_vector_subcore>, window_params = [{transform_indices = #map}, {transform_indices = #map}, {transform_indices = #map1}, {transform_indices = #map1}, {transform_indices = #map}, {transform_indices = #map2}, {transform_indices = #map}]} {
    %mul3A = arith.constant 16 : i32
    %mul3A_0 = arith.muli %arg0, %mul3A : i32
    %add3A = arith.addi %mul3A_0, %arg1 : i32
    %mul3A_1 = arith.constant 10000 : i32
    %mul3A_2 = arith.muli %add3A, %mul3A_1 : i32
    "tpu.region"() ({
      %run_scoped3A = tpu.sem_alloc : memref<!tpu.dma_semaphore, #tpu.memory_space<semaphore_mem>>
      %dma_start3A_116 = tpu.memref_slice %arg4[%mul3A_2] : memref<320000xi32, #tpu.memory_space<hbm>> -> memref<10000xi32, #tpu.memory_space<hbm>>
      %dma_start3A_117 = tpu.memref_slice %arg4[%mul3A_2] : memref<320000xi32, #tpu.memory_space<hbm>> -> memref<10000xi32, #tpu.memory_space<hbm>>
      tpu.enqueue_dma source(%dma_start3A_117 : memref<10000xi32, #tpu.memory_space<hbm>>) target(%arg9 : memref<10000xi32, #tpu.memory_space<vmem>>) target_semaphore(%run_scoped3A : memref<!tpu.dma_semaphore, #tpu.memory_space<semaphore_mem>>)
      %dma_wait3A_118 = tpu.memref_slice %arg4[%mul3A_2] : memref<320000xi32, #tpu.memory_space<hbm>> -> memref<10000xi32, #tpu.memory_space<hbm>>
      %dma_wait3A_119 = tpu.memref_slice %arg4[%mul3A_2] : memref<320000xi32, #tpu.memory_space<hbm>> -> memref<10000xi32, #tpu.memory_space<hbm>>
      tpu.wait_dma2 semaphore(%run_scoped3A : memref<!tpu.dma_semaphore, #tpu.memory_space<semaphore_mem>>) src(%dma_wait3A_119 : memref<10000xi32, #tpu.memory_space<hbm>>) dst(%arg9 : memref<10000xi32, #tpu.memory_space<vmem>>)
      tpu.yield
    }) : () -> ()
    %mul3A_3 = arith.constant 10000 : i32
    %mul3A_4 = arith.muli %add3A, %mul3A_3 : i32
    "tpu.region"() ({
      %run_scoped3A = tpu.sem_alloc : memref<!tpu.dma_semaphore, #tpu.memory_space<semaphore_mem>>
      %dma_start3A_116 = tpu.memref_slice %arg5[%mul3A_4] : memref<320000xi32, #tpu.memory_space<hbm>> -> memref<10000xi32, #tpu.memory_space<hbm>>
      %dma_start3A_117 = tpu.memref_slice %arg5[%mul3A_4] : memref<320000xi32, #tpu.memory_space<hbm>> -> memref<10000xi32, #tpu.memory_space<hbm>>
      tpu.enqueue_dma source(%dma_start3A_117 : memref<10000xi32, #tpu.memory_space<hbm>>) target(%arg10 : memref<10000xi32, #tpu.memory_space<vmem>>) target_semaphore(%run_scoped3A : memref<!tpu.dma_semaphore, #tpu.memory_space<semaphore_mem>>)
      %dma_wait3A_118 = tpu.memref_slice %arg5[%mul3A_4] : memref<320000xi32, #tpu.memory_space<hbm>> -> memref<10000xi32, #tpu.memory_space<hbm>>
      %dma_wait3A_119 = tpu.memref_slice %arg5[%mul3A_4] : memref<320000xi32, #tpu.memory_space<hbm>> -> memref<10000xi32, #tpu.memory_space<hbm>>
      tpu.wait_dma2 semaphore(%run_scoped3A : memref<!tpu.dma_semaphore, #tpu.memory_space<semaphore_mem>>) src(%dma_wait3A_119 : memref<10000xi32, #tpu.memory_space<hbm>>) dst(%arg10 : memref<10000xi32, #tpu.memory_space<vmem>>)
      tpu.yield
    }) : () -> ()
    %mul3A_5 = arith.constant 640 : i32
    %mul3A_6 = arith.muli %arg1, %mul3A_5 : i32
    "tpu.region"() ({
      %run_scoped3A = tpu.sem_alloc : memref<!tpu.dma_semaphore, #tpu.memory_space<semaphore_mem>>
      %dma_start3A_116 = arith.constant 0 : i32
      %dma_start3A_117 = tpu.memref_slice %arg2[%mul3A_6, %dma_start3A_116] : memref<10240x16xf32, #tpu.memory_space<hbm>> -> memref<640x16xf32, #tpu.memory_space<hbm>>
      %dma_start3A_118 = arith.constant 0 : i32
      %dma_start3A_119 = tpu.memref_slice %arg2[%mul3A_6, %dma_start3A_118] : memref<10240x16xf32, #tpu.memory_space<hbm>> -> memref<640x16xf32, #tpu.memory_space<hbm>>
      tpu.enqueue_dma source(%dma_start3A_119 : memref<640x16xf32, #tpu.memory_space<hbm>>) target(%arg13 : memref<640x16xf32, #tpu.memory_space<vmem>>) target_semaphore(%run_scoped3A : memref<!tpu.dma_semaphore, #tpu.memory_space<semaphore_mem>>)
      %dma_wait3A_120 = arith.constant 0 : i32
      %dma_wait3A_121 = tpu.memref_slice %arg2[%mul3A_6, %dma_wait3A_120] : memref<10240x16xf32, #tpu.memory_space<hbm>> -> memref<640x16xf32, #tpu.memory_space<hbm>>
      %dma_wait3A_122 = arith.constant 0 : i32
      %dma_wait3A_123 = tpu.memref_slice %arg2[%mul3A_6, %dma_wait3A_122] : memref<10240x16xf32, #tpu.memory_space<hbm>> -> memref<640x16xf32, #tpu.memory_space<hbm>>
      tpu.wait_dma2 semaphore(%run_scoped3A : memref<!tpu.dma_semaphore, #tpu.memory_space<semaphore_mem>>) src(%dma_wait3A_123 : memref<640x16xf32, #tpu.memory_space<hbm>>) dst(%arg13 : memref<640x16xf32, #tpu.memory_space<vmem>>)
      tpu.yield
    }) : () -> ()
    %mul3A_7 = arith.constant 640 : i32
    %mul3A_8 = arith.muli %arg1, %mul3A_7 : i32
    "tpu.region"() ({
      %run_scoped3A = tpu.sem_alloc : memref<!tpu.dma_semaphore, #tpu.memory_space<semaphore_mem>>
      %dma_start3A_116 = arith.constant 0 : i32
      %dma_start3A_117 = tpu.memref_slice %arg17[%mul3A_8, %dma_start3A_116] : memref<10240x16xf32, #tpu.memory_space<vmem_shared>> -> memref<640x16xf32, #tpu.memory_space<vmem_shared>>
      %dma_start3A_118 = arith.constant 0 : i32
      %dma_start3A_119 = tpu.memref_slice %arg17[%mul3A_8, %dma_start3A_118] : memref<10240x16xf32, #tpu.memory_space<vmem_shared>> -> memref<640x16xf32, #tpu.memory_space<vmem_shared>>
      tpu.enqueue_dma source(%arg13 : memref<640x16xf32, #tpu.memory_space<vmem>>) target(%dma_start3A_119 : memref<640x16xf32, #tpu.memory_space<vmem_shared>>) target_semaphore(%run_scoped3A : memref<!tpu.dma_semaphore, #tpu.memory_space<semaphore_mem>>)
      %dma_wait3A_120 = arith.constant 0 : i32
      %dma_wait3A_121 = tpu.memref_slice %arg17[%mul3A_8, %dma_wait3A_120] : memref<10240x16xf32, #tpu.memory_space<vmem_shared>> -> memref<640x16xf32, #tpu.memory_space<vmem_shared>>
      %dma_wait3A_122 = arith.constant 0 : i32
      %dma_wait3A_123 = tpu.memref_slice %arg17[%mul3A_8, %dma_wait3A_122] : memref<10240x16xf32, #tpu.memory_space<vmem_shared>> -> memref<640x16xf32, #tpu.memory_space<vmem_shared>>
      tpu.wait_dma2 semaphore(%run_scoped3A : memref<!tpu.dma_semaphore, #tpu.memory_space<semaphore_mem>>) src(%arg13 : memref<640x16xf32, #tpu.memory_space<vmem>>) dst(%dma_wait3A_123 : memref<640x16xf32, #tpu.memory_space<vmem_shared>>)
      tpu.yield
    }) : () -> ()
    %ne3A = arith.constant 0 : i32
    %ne3A_9 = arith.cmpi ne, %arg0, %ne3A : i32
    %convert_element_type3A = arith.extui %ne3A_9 : i1 to i32
    %cond3A = arith.constant 0 : i32
    %cond3A_10 = arith.cmpi ne, %convert_element_type3A, %cond3A : i32
    scf.if %cond3A_10 {
      "tpu.region"() ({
        %run_scoped3A = tpu.sem_alloc : memref<!tpu.dma_semaphore, #tpu.memory_space<semaphore_mem>>
        tpu.enqueue_dma source(%arg6 : memref<640x16xf32, #tpu.memory_space<hbm>>) target(%arg13 : memref<640x16xf32, #tpu.memory_space<vmem>>) target_semaphore(%run_scoped3A : memref<!tpu.dma_semaphore, #tpu.memory_space<semaphore_mem>>)
        tpu.wait_dma2 semaphore(%run_scoped3A : memref<!tpu.dma_semaphore, #tpu.memory_space<semaphore_mem>>) src(%arg6 : memref<640x16xf32, #tpu.memory_space<hbm>>) dst(%arg13 : memref<640x16xf32, #tpu.memory_space<vmem>>)
        tpu.yield
      }) : () -> ()
    } else {
    }
    %mul3A_11 = arith.constant 640 : i32
    %mul3A_12 = arith.muli %arg1, %mul3A_11 : i32
    "tpu.region"() ({
      %run_scoped3A = tpu.sem_alloc : memref<!tpu.dma_semaphore, #tpu.memory_space<semaphore_mem>>
      %dma_start3A_116 = arith.constant 0 : i32
      %dma_start3A_117 = tpu.memref_slice %arg18[%mul3A_12, %dma_start3A_116] : memref<10240x16xf32, #tpu.memory_space<vmem_shared>> -> memref<640x16xf32, #tpu.memory_space<vmem_shared>>
      %dma_start3A_118 = arith.constant 0 : i32
      %dma_start3A_119 = tpu.memref_slice %arg18[%mul3A_12, %dma_start3A_118] : memref<10240x16xf32, #tpu.memory_space<vmem_shared>> -> memref<640x16xf32, #tpu.memory_space<vmem_shared>>
      tpu.enqueue_dma source(%arg13 : memref<640x16xf32, #tpu.memory_space<vmem>>) target(%dma_start3A_119 : memref<640x16xf32, #tpu.memory_space<vmem_shared>>) target_semaphore(%run_scoped3A : memref<!tpu.dma_semaphore, #tpu.memory_space<semaphore_mem>>)
      %dma_wait3A_120 = arith.constant 0 : i32
      %dma_wait3A_121 = tpu.memref_slice %arg18[%mul3A_12, %dma_wait3A_120] : memref<10240x16xf32, #tpu.memory_space<vmem_shared>> -> memref<640x16xf32, #tpu.memory_space<vmem_shared>>
      %dma_wait3A_122 = arith.constant 0 : i32
      %dma_wait3A_123 = tpu.memref_slice %arg18[%mul3A_12, %dma_wait3A_122] : memref<10240x16xf32, #tpu.memory_space<vmem_shared>> -> memref<640x16xf32, #tpu.memory_space<vmem_shared>>
      tpu.wait_dma2 semaphore(%run_scoped3A : memref<!tpu.dma_semaphore, #tpu.memory_space<semaphore_mem>>) src(%arg13 : memref<640x16xf32, #tpu.memory_space<vmem>>) dst(%dma_wait3A_123 : memref<640x16xf32, #tpu.memory_space<vmem_shared>>)
      tpu.yield
    }) : () -> ()
    %barrier3A = arith.constant 0 : index
    tpu.barrier barrier_id(%barrier3A)
    %dma_start3A = arith.constant 0 : i32
    %dma_start3A_13 = tpu.memref_slice %arg9[%dma_start3A] : memref<10000xi32, #tpu.memory_space<vmem>> -> memref<2000xi32, #tpu.memory_space<vmem>>
    %dma_start3A_14 = arith.constant 0 : i32
    %dma_start3A_15 = arith.constant 0 : i32
    %dma_start3A_16 = tpu.memref_slice %arg17[%dma_start3A_14, %dma_start3A_15] : memref<10240x16xf32, #tpu.memory_space<vmem_shared>> -> memref<10240x16xf32, #tpu.memory_space<vmem_shared>>
    tpu.enqueue_indirect_dma source(%dma_start3A_16 : memref<10240x16xf32, #tpu.memory_space<vmem_shared>>) target(%arg11 : memref<2000x16xf32, #tpu.memory_space<vmem>>) offsets(%dma_start3A_13 : memref<2000xi32, #tpu.memory_space<vmem>>) semaphore(%arg19 : memref<!tpu.dma_semaphore, #tpu.memory_space<semaphore_mem>>)
    %dma_start3A_17 = arith.constant 2000 : i32
    %dma_start3A_18 = tpu.memref_slice %arg9[%dma_start3A_17] : memref<10000xi32, #tpu.memory_space<vmem>> -> memref<2000xi32, #tpu.memory_space<vmem>>
    %dma_start3A_19 = arith.constant 0 : i32
    %dma_start3A_20 = arith.constant 0 : i32
    %dma_start3A_21 = tpu.memref_slice %arg17[%dma_start3A_19, %dma_start3A_20] : memref<10240x16xf32, #tpu.memory_space<vmem_shared>> -> memref<10240x16xf32, #tpu.memory_space<vmem_shared>>
    tpu.enqueue_indirect_dma source(%dma_start3A_21 : memref<10240x16xf32, #tpu.memory_space<vmem_shared>>) target(%arg12 : memref<2000x16xf32, #tpu.memory_space<vmem>>) offsets(%dma_start3A_18 : memref<2000xi32, #tpu.memory_space<vmem>>) semaphore(%arg20 : memref<!tpu.dma_semaphore, #tpu.memory_space<semaphore_mem>>)
    %dma_wait3A = arith.constant 0 : i32
    %dma_wait3A_22 = tpu.memref_slice %arg9[%dma_wait3A] : memref<10000xi32, #tpu.memory_space<vmem>> -> memref<2000xi32, #tpu.memory_space<vmem>>
    %dma_wait3A_23 = arith.constant 0 : i32
    %dma_wait3A_24 = arith.constant 0 : i32
    %dma_wait3A_25 = tpu.memref_slice %arg17[%dma_wait3A_23, %dma_wait3A_24] : memref<10240x16xf32, #tpu.memory_space<vmem_shared>> -> memref<10240x16xf32, #tpu.memory_space<vmem_shared>>
    tpu.wait_indirect_dma semaphore(%arg19 : memref<!tpu.dma_semaphore, #tpu.memory_space<semaphore_mem>>) src(%dma_wait3A_25 : memref<10240x16xf32, #tpu.memory_space<vmem_shared>>) dst(%arg11 : memref<2000x16xf32, #tpu.memory_space<vmem>>)
    %dma_start3A_26 = arith.constant 0 : i32
    %dma_start3A_27 = tpu.memref_slice %arg10[%dma_start3A_26] : memref<10000xi32, #tpu.memory_space<vmem>> -> memref<2000xi32, #tpu.memory_space<vmem>>
    %dma_start3A_28 = arith.constant 0 : i32
    %dma_start3A_29 = arith.constant 0 : i32
    %dma_start3A_30 = tpu.memref_slice %arg18[%dma_start3A_28, %dma_start3A_29] : memref<10240x16xf32, #tpu.memory_space<vmem_shared>> -> memref<10240x16xf32, #tpu.memory_space<vmem_shared>>
    tpu.enqueue_indirect_dma source(%arg11 : memref<2000x16xf32, #tpu.memory_space<vmem>>) target(%dma_start3A_30 : memref<10240x16xf32, #tpu.memory_space<vmem_shared>>) offsets(%dma_start3A_27 : memref<2000xi32, #tpu.memory_space<vmem>>) semaphore(%arg21 : memref<!tpu.dma_semaphore, #tpu.memory_space<semaphore_mem>>) {add = true}
    %dma_wait3A_31 = arith.constant 0 : i32
    %dma_wait3A_32 = tpu.memref_slice %arg10[%dma_wait3A_31] : memref<10000xi32, #tpu.memory_space<vmem>> -> memref<2000xi32, #tpu.memory_space<vmem>>
    %dma_wait3A_33 = arith.constant 0 : i32
    %dma_wait3A_34 = arith.constant 0 : i32
    %dma_wait3A_35 = tpu.memref_slice %arg18[%dma_wait3A_33, %dma_wait3A_34] : memref<10240x16xf32, #tpu.memory_space<vmem_shared>> -> memref<10240x16xf32, #tpu.memory_space<vmem_shared>>
    tpu.wait_indirect_dma semaphore(%arg21 : memref<!tpu.dma_semaphore, #tpu.memory_space<semaphore_mem>>) src(%arg11 : memref<2000x16xf32, #tpu.memory_space<vmem>>) dst(%dma_wait3A_35 : memref<10240x16xf32, #tpu.memory_space<vmem_shared>>)
    %dma_start3A_36 = arith.constant 4000 : i32
    %dma_start3A_37 = tpu.memref_slice %arg9[%dma_start3A_36] : memref<10000xi32, #tpu.memory_space<vmem>> -> memref<2000xi32, #tpu.memory_space<vmem>>
    %dma_start3A_38 = arith.constant 0 : i32
    %dma_start3A_39 = arith.constant 0 : i32
    %dma_start3A_40 = tpu.memref_slice %arg17[%dma_start3A_38, %dma_start3A_39] : memref<10240x16xf32, #tpu.memory_space<vmem_shared>> -> memref<10240x16xf32, #tpu.memory_space<vmem_shared>>
    tpu.enqueue_indirect_dma source(%dma_start3A_40 : memref<10240x16xf32, #tpu.memory_space<vmem_shared>>) target(%arg11 : memref<2000x16xf32, #tpu.memory_space<vmem>>) offsets(%dma_start3A_37 : memref<2000xi32, #tpu.memory_space<vmem>>) semaphore(%arg19 : memref<!tpu.dma_semaphore, #tpu.memory_space<semaphore_mem>>)
    %dma_wait3A_41 = arith.constant 2000 : i32
    %dma_wait3A_42 = tpu.memref_slice %arg9[%dma_wait3A_41] : memref<10000xi32, #tpu.memory_space<vmem>> -> memref<2000xi32, #tpu.memory_space<vmem>>
    %dma_wait3A_43 = arith.constant 0 : i32
    %dma_wait3A_44 = arith.constant 0 : i32
    %dma_wait3A_45 = tpu.memref_slice %arg17[%dma_wait3A_43, %dma_wait3A_44] : memref<10240x16xf32, #tpu.memory_space<vmem_shared>> -> memref<10240x16xf32, #tpu.memory_space<vmem_shared>>
    tpu.wait_indirect_dma semaphore(%arg20 : memref<!tpu.dma_semaphore, #tpu.memory_space<semaphore_mem>>) src(%dma_wait3A_45 : memref<10240x16xf32, #tpu.memory_space<vmem_shared>>) dst(%arg12 : memref<2000x16xf32, #tpu.memory_space<vmem>>)
    %dma_start3A_46 = arith.constant 2000 : i32
    %dma_start3A_47 = tpu.memref_slice %arg10[%dma_start3A_46] : memref<10000xi32, #tpu.memory_space<vmem>> -> memref<2000xi32, #tpu.memory_space<vmem>>
    %dma_start3A_48 = arith.constant 0 : i32
    %dma_start3A_49 = arith.constant 0 : i32
    %dma_start3A_50 = tpu.memref_slice %arg18[%dma_start3A_48, %dma_start3A_49] : memref<10240x16xf32, #tpu.memory_space<vmem_shared>> -> memref<10240x16xf32, #tpu.memory_space<vmem_shared>>
    tpu.enqueue_indirect_dma source(%arg12 : memref<2000x16xf32, #tpu.memory_space<vmem>>) target(%dma_start3A_50 : memref<10240x16xf32, #tpu.memory_space<vmem_shared>>) offsets(%dma_start3A_47 : memref<2000xi32, #tpu.memory_space<vmem>>) semaphore(%arg22 : memref<!tpu.dma_semaphore, #tpu.memory_space<semaphore_mem>>) {add = true}
    %dma_wait3A_51 = arith.constant 2000 : i32
    %dma_wait3A_52 = tpu.memref_slice %arg10[%dma_wait3A_51] : memref<10000xi32, #tpu.memory_space<vmem>> -> memref<2000xi32, #tpu.memory_space<vmem>>
    %dma_wait3A_53 = arith.constant 0 : i32
    %dma_wait3A_54 = arith.constant 0 : i32
    %dma_wait3A_55 = tpu.memref_slice %arg18[%dma_wait3A_53, %dma_wait3A_54] : memref<10240x16xf32, #tpu.memory_space<vmem_shared>> -> memref<10240x16xf32, #tpu.memory_space<vmem_shared>>
    tpu.wait_indirect_dma semaphore(%arg22 : memref<!tpu.dma_semaphore, #tpu.memory_space<semaphore_mem>>) src(%arg12 : memref<2000x16xf32, #tpu.memory_space<vmem>>) dst(%dma_wait3A_55 : memref<10240x16xf32, #tpu.memory_space<vmem_shared>>)
    %dma_start3A_56 = arith.constant 6000 : i32
    %dma_start3A_57 = tpu.memref_slice %arg9[%dma_start3A_56] : memref<10000xi32, #tpu.memory_space<vmem>> -> memref<2000xi32, #tpu.memory_space<vmem>>
    %dma_start3A_58 = arith.constant 0 : i32
    %dma_start3A_59 = arith.constant 0 : i32
    %dma_start3A_60 = tpu.memref_slice %arg17[%dma_start3A_58, %dma_start3A_59] : memref<10240x16xf32, #tpu.memory_space<vmem_shared>> -> memref<10240x16xf32, #tpu.memory_space<vmem_shared>>
    tpu.enqueue_indirect_dma source(%dma_start3A_60 : memref<10240x16xf32, #tpu.memory_space<vmem_shared>>) target(%arg12 : memref<2000x16xf32, #tpu.memory_space<vmem>>) offsets(%dma_start3A_57 : memref<2000xi32, #tpu.memory_space<vmem>>) semaphore(%arg20 : memref<!tpu.dma_semaphore, #tpu.memory_space<semaphore_mem>>)
    %dma_wait3A_61 = arith.constant 4000 : i32
    %dma_wait3A_62 = tpu.memref_slice %arg9[%dma_wait3A_61] : memref<10000xi32, #tpu.memory_space<vmem>> -> memref<2000xi32, #tpu.memory_space<vmem>>
    %dma_wait3A_63 = arith.constant 0 : i32
    %dma_wait3A_64 = arith.constant 0 : i32
    %dma_wait3A_65 = tpu.memref_slice %arg17[%dma_wait3A_63, %dma_wait3A_64] : memref<10240x16xf32, #tpu.memory_space<vmem_shared>> -> memref<10240x16xf32, #tpu.memory_space<vmem_shared>>
    tpu.wait_indirect_dma semaphore(%arg19 : memref<!tpu.dma_semaphore, #tpu.memory_space<semaphore_mem>>) src(%dma_wait3A_65 : memref<10240x16xf32, #tpu.memory_space<vmem_shared>>) dst(%arg11 : memref<2000x16xf32, #tpu.memory_space<vmem>>)
    %dma_start3A_66 = arith.constant 4000 : i32
    %dma_start3A_67 = tpu.memref_slice %arg10[%dma_start3A_66] : memref<10000xi32, #tpu.memory_space<vmem>> -> memref<2000xi32, #tpu.memory_space<vmem>>
    %dma_start3A_68 = arith.constant 0 : i32
    %dma_start3A_69 = arith.constant 0 : i32
    %dma_start3A_70 = tpu.memref_slice %arg18[%dma_start3A_68, %dma_start3A_69] : memref<10240x16xf32, #tpu.memory_space<vmem_shared>> -> memref<10240x16xf32, #tpu.memory_space<vmem_shared>>
    tpu.enqueue_indirect_dma source(%arg11 : memref<2000x16xf32, #tpu.memory_space<vmem>>) target(%dma_start3A_70 : memref<10240x16xf32, #tpu.memory_space<vmem_shared>>) offsets(%dma_start3A_67 : memref<2000xi32, #tpu.memory_space<vmem>>) semaphore(%arg21 : memref<!tpu.dma_semaphore, #tpu.memory_space<semaphore_mem>>) {add = true}
    %dma_wait3A_71 = arith.constant 4000 : i32
    %dma_wait3A_72 = tpu.memref_slice %arg10[%dma_wait3A_71] : memref<10000xi32, #tpu.memory_space<vmem>> -> memref<2000xi32, #tpu.memory_space<vmem>>
    %dma_wait3A_73 = arith.constant 0 : i32
    %dma_wait3A_74 = arith.constant 0 : i32
    %dma_wait3A_75 = tpu.memref_slice %arg18[%dma_wait3A_73, %dma_wait3A_74] : memref<10240x16xf32, #tpu.memory_space<vmem_shared>> -> memref<10240x16xf32, #tpu.memory_space<vmem_shared>>
    tpu.wait_indirect_dma semaphore(%arg21 : memref<!tpu.dma_semaphore, #tpu.memory_space<semaphore_mem>>) src(%arg11 : memref<2000x16xf32, #tpu.memory_space<vmem>>) dst(%dma_wait3A_75 : memref<10240x16xf32, #tpu.memory_space<vmem_shared>>)
    %dma_start3A_76 = arith.constant 8000 : i32
    %dma_start3A_77 = tpu.memref_slice %arg9[%dma_start3A_76] : memref<10000xi32, #tpu.memory_space<vmem>> -> memref<2000xi32, #tpu.memory_space<vmem>>
    %dma_start3A_78 = arith.constant 0 : i32
    %dma_start3A_79 = arith.constant 0 : i32
    %dma_start3A_80 = tpu.memref_slice %arg17[%dma_start3A_78, %dma_start3A_79] : memref<10240x16xf32, #tpu.memory_space<vmem_shared>> -> memref<10240x16xf32, #tpu.memory_space<vmem_shared>>
    tpu.enqueue_indirect_dma source(%dma_start3A_80 : memref<10240x16xf32, #tpu.memory_space<vmem_shared>>) target(%arg11 : memref<2000x16xf32, #tpu.memory_space<vmem>>) offsets(%dma_start3A_77 : memref<2000xi32, #tpu.memory_space<vmem>>) semaphore(%arg19 : memref<!tpu.dma_semaphore, #tpu.memory_space<semaphore_mem>>)
    %dma_wait3A_81 = arith.constant 6000 : i32
    %dma_wait3A_82 = tpu.memref_slice %arg9[%dma_wait3A_81] : memref<10000xi32, #tpu.memory_space<vmem>> -> memref<2000xi32, #tpu.memory_space<vmem>>
    %dma_wait3A_83 = arith.constant 0 : i32
    %dma_wait3A_84 = arith.constant 0 : i32
    %dma_wait3A_85 = tpu.memref_slice %arg17[%dma_wait3A_83, %dma_wait3A_84] : memref<10240x16xf32, #tpu.memory_space<vmem_shared>> -> memref<10240x16xf32, #tpu.memory_space<vmem_shared>>
    tpu.wait_indirect_dma semaphore(%arg20 : memref<!tpu.dma_semaphore, #tpu.memory_space<semaphore_mem>>) src(%dma_wait3A_85 : memref<10240x16xf32, #tpu.memory_space<vmem_shared>>) dst(%arg12 : memref<2000x16xf32, #tpu.memory_space<vmem>>)
    %dma_start3A_86 = arith.constant 6000 : i32
    %dma_start3A_87 = tpu.memref_slice %arg10[%dma_start3A_86] : memref<10000xi32, #tpu.memory_space<vmem>> -> memref<2000xi32, #tpu.memory_space<vmem>>
    %dma_start3A_88 = arith.constant 0 : i32
    %dma_start3A_89 = arith.constant 0 : i32
    %dma_start3A_90 = tpu.memref_slice %arg18[%dma_start3A_88, %dma_start3A_89] : memref<10240x16xf32, #tpu.memory_space<vmem_shared>> -> memref<10240x16xf32, #tpu.memory_space<vmem_shared>>
    tpu.enqueue_indirect_dma source(%arg12 : memref<2000x16xf32, #tpu.memory_space<vmem>>) target(%dma_start3A_90 : memref<10240x16xf32, #tpu.memory_space<vmem_shared>>) offsets(%dma_start3A_87 : memref<2000xi32, #tpu.memory_space<vmem>>) semaphore(%arg22 : memref<!tpu.dma_semaphore, #tpu.memory_space<semaphore_mem>>) {add = true}
    %dma_wait3A_91 = arith.constant 8000 : i32
    %dma_wait3A_92 = tpu.memref_slice %arg9[%dma_wait3A_91] : memref<10000xi32, #tpu.memory_space<vmem>> -> memref<2000xi32, #tpu.memory_space<vmem>>
    %dma_wait3A_93 = arith.constant 0 : i32
    %dma_wait3A_94 = arith.constant 0 : i32
    %dma_wait3A_95 = tpu.memref_slice %arg17[%dma_wait3A_93, %dma_wait3A_94] : memref<10240x16xf32, #tpu.memory_space<vmem_shared>> -> memref<10240x16xf32, #tpu.memory_space<vmem_shared>>
    tpu.wait_indirect_dma semaphore(%arg19 : memref<!tpu.dma_semaphore, #tpu.memory_space<semaphore_mem>>) src(%dma_wait3A_95 : memref<10240x16xf32, #tpu.memory_space<vmem_shared>>) dst(%arg11 : memref<2000x16xf32, #tpu.memory_space<vmem>>)
    %dma_start3A_96 = arith.constant 8000 : i32
    %dma_start3A_97 = tpu.memref_slice %arg10[%dma_start3A_96] : memref<10000xi32, #tpu.memory_space<vmem>> -> memref<2000xi32, #tpu.memory_space<vmem>>
    %dma_start3A_98 = arith.constant 0 : i32
    %dma_start3A_99 = arith.constant 0 : i32
    %dma_start3A_100 = tpu.memref_slice %arg18[%dma_start3A_98, %dma_start3A_99] : memref<10240x16xf32, #tpu.memory_space<vmem_shared>> -> memref<10240x16xf32, #tpu.memory_space<vmem_shared>>
    tpu.enqueue_indirect_dma source(%arg11 : memref<2000x16xf32, #tpu.memory_space<vmem>>) target(%dma_start3A_100 : memref<10240x16xf32, #tpu.memory_space<vmem_shared>>) offsets(%dma_start3A_97 : memref<2000xi32, #tpu.memory_space<vmem>>) semaphore(%arg21 : memref<!tpu.dma_semaphore, #tpu.memory_space<semaphore_mem>>) {add = true}
    %dma_wait3A_101 = arith.constant 6000 : i32
    %dma_wait3A_102 = tpu.memref_slice %arg10[%dma_wait3A_101] : memref<10000xi32, #tpu.memory_space<vmem>> -> memref<2000xi32, #tpu.memory_space<vmem>>
    %dma_wait3A_103 = arith.constant 0 : i32
    %dma_wait3A_104 = arith.constant 0 : i32
    %dma_wait3A_105 = tpu.memref_slice %arg18[%dma_wait3A_103, %dma_wait3A_104] : memref<10240x16xf32, #tpu.memory_space<vmem_shared>> -> memref<10240x16xf32, #tpu.memory_space<vmem_shared>>
    tpu.wait_indirect_dma semaphore(%arg22 : memref<!tpu.dma_semaphore, #tpu.memory_space<semaphore_mem>>) src(%arg12 : memref<2000x16xf32, #tpu.memory_space<vmem>>) dst(%dma_wait3A_105 : memref<10240x16xf32, #tpu.memory_space<vmem_shared>>)
    %dma_wait3A_106 = arith.constant 8000 : i32
    %dma_wait3A_107 = tpu.memref_slice %arg10[%dma_wait3A_106] : memref<10000xi32, #tpu.memory_space<vmem>> -> memref<2000xi32, #tpu.memory_space<vmem>>
    %dma_wait3A_108 = arith.constant 0 : i32
    %dma_wait3A_109 = arith.constant 0 : i32
    %dma_wait3A_110 = tpu.memref_slice %arg18[%dma_wait3A_108, %dma_wait3A_109] : memref<10240x16xf32, #tpu.memory_space<vmem_shared>> -> memref<10240x16xf32, #tpu.memory_space<vmem_shared>>
    tpu.wait_indirect_dma semaphore(%arg21 : memref<!tpu.dma_semaphore, #tpu.memory_space<semaphore_mem>>) src(%arg11 : memref<2000x16xf32, #tpu.memory_space<vmem>>) dst(%dma_wait3A_110 : memref<10240x16xf32, #tpu.memory_space<vmem_shared>>)
    %barrier3A_111 = arith.constant 0 : index
    tpu.barrier barrier_id(%barrier3A_111)
    %mul3A_112 = arith.constant 640 : i32
    %mul3A_113 = arith.muli %arg1, %mul3A_112 : i32
    "tpu.region"() ({
      %run_scoped3A = tpu.sem_alloc : memref<!tpu.dma_semaphore, #tpu.memory_space<semaphore_mem>>
      %dma_start3A_116 = arith.constant 0 : i32
      %dma_start3A_117 = tpu.memref_slice %arg18[%mul3A_113, %dma_start3A_116] : memref<10240x16xf32, #tpu.memory_space<vmem_shared>> -> memref<640x16xf32, #tpu.memory_space<vmem_shared>>
      %dma_start3A_118 = arith.constant 0 : i32
      %dma_start3A_119 = tpu.memref_slice %arg18[%mul3A_113, %dma_start3A_118] : memref<10240x16xf32, #tpu.memory_space<vmem_shared>> -> memref<640x16xf32, #tpu.memory_space<vmem_shared>>
      tpu.enqueue_dma source(%dma_start3A_119 : memref<640x16xf32, #tpu.memory_space<vmem_shared>>) target(%arg13 : memref<640x16xf32, #tpu.memory_space<vmem>>) target_semaphore(%run_scoped3A : memref<!tpu.dma_semaphore, #tpu.memory_space<semaphore_mem>>)
      %dma_wait3A_120 = arith.constant 0 : i32
      %dma_wait3A_121 = tpu.memref_slice %arg18[%mul3A_113, %dma_wait3A_120] : memref<10240x16xf32, #tpu.memory_space<vmem_shared>> -> memref<640x16xf32, #tpu.memory_space<vmem_shared>>
      %dma_wait3A_122 = arith.constant 0 : i32
      %dma_wait3A_123 = tpu.memref_slice %arg18[%mul3A_113, %dma_wait3A_122] : memref<10240x16xf32, #tpu.memory_space<vmem_shared>> -> memref<640x16xf32, #tpu.memory_space<vmem_shared>>
      tpu.wait_dma2 semaphore(%run_scoped3A : memref<!tpu.dma_semaphore, #tpu.memory_space<semaphore_mem>>) src(%dma_wait3A_123 : memref<640x16xf32, #tpu.memory_space<vmem_shared>>) dst(%arg13 : memref<640x16xf32, #tpu.memory_space<vmem>>)
      tpu.yield
    }) : () -> ()
    %mul3A_114 = arith.constant 640 : i32
    %mul3A_115 = arith.muli %arg1, %mul3A_114 : i32
    "tpu.region"() ({
      %run_scoped3A = tpu.sem_alloc : memref<!tpu.dma_semaphore, #tpu.memory_space<semaphore_mem>>
      %dma_start3A_116 = arith.constant 0 : i32
      %dma_start3A_117 = tpu.memref_slice %arg7[%arg0, %mul3A_115, %dma_start3A_116] : memref<2x10240x16xf32, #tpu.memory_space<hbm>> -> memref<1x640x16xf32, #tpu.memory_space<hbm>>
      %dma_start3A_118 = tpu.memref_squeeze %dma_start3A_117 : memref<1x640x16xf32, #tpu.memory_space<hbm>> -> memref<640x16xf32, #tpu.memory_space<hbm>>
      %dma_start3A_119 = arith.constant 0 : i32
      %dma_start3A_120 = tpu.memref_slice %arg7[%arg0, %mul3A_115, %dma_start3A_119] : memref<2x10240x16xf32, #tpu.memory_space<hbm>> -> memref<1x640x16xf32, #tpu.memory_space<hbm>>
      %dma_start3A_121 = tpu.memref_squeeze %dma_start3A_120 : memref<1x640x16xf32, #tpu.memory_space<hbm>> -> memref<640x16xf32, #tpu.memory_space<hbm>>
      tpu.enqueue_dma source(%arg13 : memref<640x16xf32, #tpu.memory_space<vmem>>) target(%dma_start3A_121 : memref<640x16xf32, #tpu.memory_space<hbm>>) target_semaphore(%run_scoped3A : memref<!tpu.dma_semaphore, #tpu.memory_space<semaphore_mem>>)
      %dma_wait3A_122 = arith.constant 0 : i32
      %dma_wait3A_123 = tpu.memref_slice %arg7[%arg0, %mul3A_115, %dma_wait3A_122] : memref<2x10240x16xf32, #tpu.memory_space<hbm>> -> memref<1x640x16xf32, #tpu.memory_space<hbm>>
      %dma_wait3A_124 = tpu.memref_squeeze %dma_wait3A_123 : memref<1x640x16xf32, #tpu.memory_space<hbm>> -> memref<640x16xf32, #tpu.memory_space<hbm>>
      %dma_wait3A_125 = arith.constant 0 : i32
      %dma_wait3A_126 = tpu.memref_slice %arg7[%arg0, %mul3A_115, %dma_wait3A_125] : memref<2x10240x16xf32, #tpu.memory_space<hbm>> -> memref<1x640x16xf32, #tpu.memory_space<hbm>>
      %dma_wait3A_127 = tpu.memref_squeeze %dma_wait3A_126 : memref<1x640x16xf32, #tpu.memory_space<hbm>> -> memref<640x16xf32, #tpu.memory_space<hbm>>
      tpu.wait_dma2 semaphore(%run_scoped3A : memref<!tpu.dma_semaphore, #tpu.memory_space<semaphore_mem>>) src(%arg13 : memref<640x16xf32, #tpu.memory_space<vmem>>) dst(%dma_wait3A_127 : memref<640x16xf32, #tpu.memory_space<hbm>>)
      tpu.yield
    }) : () -> ()
    return
  }
}

#map = affine_map<(d0, d1) -> (0)>
#map1 = affine_map<(d0, d1) -> (0, 0)>
module attributes {stable_mosaic.version = 14 : i64} {
  func.func @_deg_body(%arg0: i32, %arg1: i32, %arg2: memref<320000xi32, #tpu.memory_space<hbm>>, %arg3: memref<10240xf32, #tpu.memory_space<hbm>>, %arg4: memref<2x10240xf32, #tpu.memory_space<hbm>>, %arg5: memref<10000xi32, #tpu.memory_space<vmem>>, %arg6: memref<10240xf32, #tpu.memory_space<vmem>>, %arg7: memref<16x10240xf32, #tpu.memory_space<vmem_shared>>, %arg8: memref<16x640xf32, #tpu.memory_space<vmem>>) attributes {dimension_semantics = [#tpu.dimension_semantics<core_parallel>, #tpu.dimension_semantics<subcore_parallel>], iteration_bounds = array<i64: 2, 16>, scalar_prefetch = 0 : i64, scratch_operands = 4 : i64, tpu.core_type = #tpu.core_type<sc_vector_subcore>, window_params = [{transform_indices = #map}, {transform_indices = #map}, {transform_indices = #map1}]} {
    %mul3A = arith.constant 16 : i32
    %mul3A_0 = arith.muli %arg0, %mul3A : i32
    %add3A = arith.addi %mul3A_0, %arg1 : i32
    %mul3A_1 = arith.constant 10000 : i32
    %mul3A_2 = arith.muli %add3A, %mul3A_1 : i32
    "tpu.region"() ({
      %run_scoped3A_78 = tpu.sem_alloc : memref<!tpu.dma_semaphore, #tpu.memory_space<semaphore_mem>>
      %dma_start3A = tpu.memref_slice %arg2[%mul3A_2] : memref<320000xi32, #tpu.memory_space<hbm>> -> memref<10000xi32, #tpu.memory_space<hbm>>
      %dma_start3A_79 = tpu.memref_slice %arg2[%mul3A_2] : memref<320000xi32, #tpu.memory_space<hbm>> -> memref<10000xi32, #tpu.memory_space<hbm>>
      tpu.enqueue_dma source(%dma_start3A_79 : memref<10000xi32, #tpu.memory_space<hbm>>) target(%arg5 : memref<10000xi32, #tpu.memory_space<vmem>>) target_semaphore(%run_scoped3A_78 : memref<!tpu.dma_semaphore, #tpu.memory_space<semaphore_mem>>)
      %dma_wait3A = tpu.memref_slice %arg2[%mul3A_2] : memref<320000xi32, #tpu.memory_space<hbm>> -> memref<10000xi32, #tpu.memory_space<hbm>>
      %dma_wait3A_80 = tpu.memref_slice %arg2[%mul3A_2] : memref<320000xi32, #tpu.memory_space<hbm>> -> memref<10000xi32, #tpu.memory_space<hbm>>
      tpu.wait_dma2 semaphore(%run_scoped3A_78 : memref<!tpu.dma_semaphore, #tpu.memory_space<semaphore_mem>>) src(%dma_wait3A_80 : memref<10000xi32, #tpu.memory_space<hbm>>) dst(%arg5 : memref<10000xi32, #tpu.memory_space<vmem>>)
      tpu.yield
    }) : () -> ()
    "tpu.region"() ({
      %run_scoped3A_78 = tpu.sem_alloc : memref<!tpu.dma_semaphore, #tpu.memory_space<semaphore_mem>>
      tpu.enqueue_dma source(%arg3 : memref<10240xf32, #tpu.memory_space<hbm>>) target(%arg6 : memref<10240xf32, #tpu.memory_space<vmem>>) target_semaphore(%run_scoped3A_78 : memref<!tpu.dma_semaphore, #tpu.memory_space<semaphore_mem>>)
      tpu.wait_dma2 semaphore(%run_scoped3A_78 : memref<!tpu.dma_semaphore, #tpu.memory_space<semaphore_mem>>) src(%arg3 : memref<10240xf32, #tpu.memory_space<hbm>>) dst(%arg6 : memref<10240xf32, #tpu.memory_space<vmem>>)
      tpu.yield
    }) : () -> ()
    %broadcast_in_dim3A = arith.constant 1.000000e+00 : f32
    %broadcast_in_dim3A_3 = vector.broadcast %broadcast_in_dim3A : f32 to vector<16xf32>
    %scan3A = arith.constant 0 : i32
    %scan3A_4 = arith.constant 78 : i32
    %scan3A_5 = arith.addi %scan3A, %scan3A_4 : i32
    %scan3A_6 = arith.constant 1 : i32
    scf.for %scan3A_78 = %scan3A to %scan3A_5 step %scan3A_6  : i32 {
      %mul3A_79 = arith.constant 128 : i32
      %mul3A_80 = arith.muli %scan3A_78, %mul3A_79 : i32
      %add3A_81 = arith.constant 0 : i32
      %add3A_82 = arith.addi %mul3A_80, %add3A_81 : i32
      %get3A = arith.index_cast %add3A_82 : i32 to index
      %get3A_83 = tpu.vector_load %arg5[%get3A] {strides = array<i32>} : memref<10000xi32, #tpu.memory_space<vmem>>, vector<16xi32>,
      tpu.vector_store_idx %arg6[%get3A_83], %broadcast_in_dim3A_3 {add = true} : memref<10240xf32, #tpu.memory_space<vmem>>[vector<16xi32>], vector<16xf32>,
      %mul3A_84 = arith.constant 128 : i32
      %mul3A_85 = arith.muli %scan3A_78, %mul3A_84 : i32
      %add3A_86 = arith.constant 16 : i32
      %add3A_87 = arith.addi %mul3A_85, %add3A_86 : i32
      %get3A_88 = arith.index_cast %add3A_87 : i32 to index
      %get3A_89 = tpu.vector_load %arg5[%get3A_88] {strides = array<i32>} : memref<10000xi32, #tpu.memory_space<vmem>>, vector<16xi32>,
      tpu.vector_store_idx %arg6[%get3A_89], %broadcast_in_dim3A_3 {add = true} : memref<10240xf32, #tpu.memory_space<vmem>>[vector<16xi32>], vector<16xf32>,
      %mul3A_90 = arith.constant 128 : i32
      %mul3A_91 = arith.muli %scan3A_78, %mul3A_90 : i32
      %add3A_92 = arith.constant 32 : i32
      %add3A_93 = arith.addi %mul3A_91, %add3A_92 : i32
      %get3A_94 = arith.index_cast %add3A_93 : i32 to index
      %get3A_95 = tpu.vector_load %arg5[%get3A_94] {strides = array<i32>} : memref<10000xi32, #tpu.memory_space<vmem>>, vector<16xi32>,
      tpu.vector_store_idx %arg6[%get3A_95], %broadcast_in_dim3A_3 {add = true} : memref<10240xf32, #tpu.memory_space<vmem>>[vector<16xi32>], vector<16xf32>,
      %mul3A_96 = arith.constant 128 : i32
      %mul3A_97 = arith.muli %scan3A_78, %mul3A_96 : i32
      %add3A_98 = arith.constant 48 : i32
      %add3A_99 = arith.addi %mul3A_97, %add3A_98 : i32
      %get3A_100 = arith.index_cast %add3A_99 : i32 to index
      %get3A_101 = tpu.vector_load %arg5[%get3A_100] {strides = array<i32>} : memref<10000xi32, #tpu.memory_space<vmem>>, vector<16xi32>,
      tpu.vector_store_idx %arg6[%get3A_101], %broadcast_in_dim3A_3 {add = true} : memref<10240xf32, #tpu.memory_space<vmem>>[vector<16xi32>], vector<16xf32>,
      %mul3A_102 = arith.constant 128 : i32
      %mul3A_103 = arith.muli %scan3A_78, %mul3A_102 : i32
      %add3A_104 = arith.constant 64 : i32
      %add3A_105 = arith.addi %mul3A_103, %add3A_104 : i32
      %get3A_106 = arith.index_cast %add3A_105 : i32 to index
      %get3A_107 = tpu.vector_load %arg5[%get3A_106] {strides = array<i32>} : memref<10000xi32, #tpu.memory_space<vmem>>, vector<16xi32>,
      tpu.vector_store_idx %arg6[%get3A_107], %broadcast_in_dim3A_3 {add = true} : memref<10240xf32, #tpu.memory_space<vmem>>[vector<16xi32>], vector<16xf32>,
      %mul3A_108 = arith.constant 128 : i32
      %mul3A_109 = arith.muli %scan3A_78, %mul3A_108 : i32
      %add3A_110 = arith.constant 80 : i32
      %add3A_111 = arith.addi %mul3A_109, %add3A_110 : i32
      %get3A_112 = arith.index_cast %add3A_111 : i32 to index
      %get3A_113 = tpu.vector_load %arg5[%get3A_112] {strides = array<i32>} : memref<10000xi32, #tpu.memory_space<vmem>>, vector<16xi32>,
      tpu.vector_store_idx %arg6[%get3A_113], %broadcast_in_dim3A_3 {add = true} : memref<10240xf32, #tpu.memory_space<vmem>>[vector<16xi32>], vector<16xf32>,
      %mul3A_114 = arith.constant 128 : i32
      %mul3A_115 = arith.muli %scan3A_78, %mul3A_114 : i32
      %add3A_116 = arith.constant 96 : i32
      %add3A_117 = arith.addi %mul3A_115, %add3A_116 : i32
      %get3A_118 = arith.index_cast %add3A_117 : i32 to index
      %get3A_119 = tpu.vector_load %arg5[%get3A_118] {strides = array<i32>} : memref<10000xi32, #tpu.memory_space<vmem>>, vector<16xi32>,
      tpu.vector_store_idx %arg6[%get3A_119], %broadcast_in_dim3A_3 {add = true} : memref<10240xf32, #tpu.memory_space<vmem>>[vector<16xi32>], vector<16xf32>,
      %mul3A_120 = arith.constant 128 : i32
      %mul3A_121 = arith.muli %scan3A_78, %mul3A_120 : i32
      %add3A_122 = arith.constant 112 : i32
      %add3A_123 = arith.addi %mul3A_121, %add3A_122 : i32
      %get3A_124 = arith.index_cast %add3A_123 : i32 to index
      %get3A_125 = tpu.vector_load %arg5[%get3A_124] {strides = array<i32>} : memref<10000xi32, #tpu.memory_space<vmem>>, vector<16xi32>,
      tpu.vector_store_idx %arg6[%get3A_125], %broadcast_in_dim3A_3 {add = true} : memref<10240xf32, #tpu.memory_space<vmem>>[vector<16xi32>], vector<16xf32>,
    }
    %scan3A_7 = arith.constant 78 : i32
    "tpu.region"() ({
      %run_scoped3A_78 = tpu.sem_alloc : memref<!tpu.dma_semaphore, #tpu.memory_space<semaphore_mem>>
      %dma_start3A = arith.constant 0 : i32
      %dma_start3A_79 = tpu.memref_slice %arg7[%arg1, %dma_start3A] : memref<16x10240xf32, #tpu.memory_space<vmem_shared>> -> memref<1x10240xf32, #tpu.memory_space<vmem_shared>>
      %dma_start3A_80 = tpu.memref_squeeze %dma_start3A_79 : memref<1x10240xf32, #tpu.memory_space<vmem_shared>> -> memref<10240xf32, #tpu.memory_space<vmem_shared>>
      %dma_start3A_81 = arith.constant 0 : i32
      %dma_start3A_82 = tpu.memref_slice %arg7[%arg1, %dma_start3A_81] : memref<16x10240xf32, #tpu.memory_space<vmem_shared>> -> memref<1x10240xf32, #tpu.memory_space<vmem_shared>>
      %dma_start3A_83 = tpu.memref_squeeze %dma_start3A_82 : memref<1x10240xf32, #tpu.memory_space<vmem_shared>> -> memref<10240xf32, #tpu.memory_space<vmem_shared>>
      tpu.enqueue_dma source(%arg6 : memref<10240xf32, #tpu.memory_space<vmem>>) target(%dma_start3A_83 : memref<10240xf32, #tpu.memory_space<vmem_shared>>) target_semaphore(%run_scoped3A_78 : memref<!tpu.dma_semaphore, #tpu.memory_space<semaphore_mem>>)
      %dma_wait3A = arith.constant 0 : i32
      %dma_wait3A_84 = tpu.memref_slice %arg7[%arg1, %dma_wait3A] : memref<16x10240xf32, #tpu.memory_space<vmem_shared>> -> memref<1x10240xf32, #tpu.memory_space<vmem_shared>>
      %dma_wait3A_85 = tpu.memref_squeeze %dma_wait3A_84 : memref<1x10240xf32, #tpu.memory_space<vmem_shared>> -> memref<10240xf32, #tpu.memory_space<vmem_shared>>
      %dma_wait3A_86 = arith.constant 0 : i32
      %dma_wait3A_87 = tpu.memref_slice %arg7[%arg1, %dma_wait3A_86] : memref<16x10240xf32, #tpu.memory_space<vmem_shared>> -> memref<1x10240xf32, #tpu.memory_space<vmem_shared>>
      %dma_wait3A_88 = tpu.memref_squeeze %dma_wait3A_87 : memref<1x10240xf32, #tpu.memory_space<vmem_shared>> -> memref<10240xf32, #tpu.memory_space<vmem_shared>>
      tpu.wait_dma2 semaphore(%run_scoped3A_78 : memref<!tpu.dma_semaphore, #tpu.memory_space<semaphore_mem>>) src(%arg6 : memref<10240xf32, #tpu.memory_space<vmem>>) dst(%dma_wait3A_88 : memref<10240xf32, #tpu.memory_space<vmem_shared>>)
      tpu.yield
    }) : () -> ()
    %barrier3A = arith.constant 0 : index
    tpu.barrier barrier_id(%barrier3A)
    %mul3A_8 = arith.constant 640 : i32
    %mul3A_9 = arith.muli %arg1, %mul3A_8 : i32
    %run_scoped3A = arith.constant 0 : i32
    %run_scoped3A_10 = arith.constant 0 : i32
    "tpu.region"() ({
      %run_scoped3A_78 = tpu.sem_alloc : memref<!tpu.dma_semaphore, #tpu.memory_space<semaphore_mem>>
      %dma_start3A = arith.constant 0 : i32
      %dma_start3A_79 = tpu.memref_slice %arg8[%run_scoped3A_10, %dma_start3A] : memref<16x640xf32, #tpu.memory_space<vmem>> -> memref<1x640xf32, #tpu.memory_space<vmem>>
      %dma_start3A_80 = tpu.memref_squeeze %dma_start3A_79 : memref<1x640xf32, #tpu.memory_space<vmem>> -> memref<640xf32, #tpu.memory_space<vmem>>
      %dma_start3A_81 = tpu.memref_slice %arg7[%run_scoped3A, %mul3A_9] : memref<16x10240xf32, #tpu.memory_space<vmem_shared>> -> memref<1x640xf32, #tpu.memory_space<vmem_shared>>
      %dma_start3A_82 = tpu.memref_squeeze %dma_start3A_81 : memref<1x640xf32, #tpu.memory_space<vmem_shared>> -> memref<640xf32, #tpu.memory_space<vmem_shared>>
      %dma_start3A_83 = arith.constant 0 : i32
      %dma_start3A_84 = tpu.memref_slice %arg8[%run_scoped3A_10, %dma_start3A_83] : memref<16x640xf32, #tpu.memory_space<vmem>> -> memref<1x640xf32, #tpu.memory_space<vmem>>
      %dma_start3A_85 = tpu.memref_squeeze %dma_start3A_84 : memref<1x640xf32, #tpu.memory_space<vmem>> -> memref<640xf32, #tpu.memory_space<vmem>>
      %dma_start3A_86 = tpu.memref_slice %arg7[%run_scoped3A, %mul3A_9] : memref<16x10240xf32, #tpu.memory_space<vmem_shared>> -> memref<1x640xf32, #tpu.memory_space<vmem_shared>>
      %dma_start3A_87 = tpu.memref_squeeze %dma_start3A_86 : memref<1x640xf32, #tpu.memory_space<vmem_shared>> -> memref<640xf32, #tpu.memory_space<vmem_shared>>
      tpu.enqueue_dma source(%dma_start3A_87 : memref<640xf32, #tpu.memory_space<vmem_shared>>) target(%dma_start3A_85 : memref<640xf32, #tpu.memory_space<vmem>>) target_semaphore(%run_scoped3A_78 : memref<!tpu.dma_semaphore, #tpu.memory_space<semaphore_mem>>)
      %dma_wait3A = arith.constant 0 : i32
      %dma_wait3A_88 = tpu.memref_slice %arg8[%run_scoped3A_10, %dma_wait3A] : memref<16x640xf32, #tpu.memory_space<vmem>> -> memref<1x640xf32, #tpu.memory_space<vmem>>
      %dma_wait3A_89 = tpu.memref_squeeze %dma_wait3A_88 : memref<1x640xf32, #tpu.memory_space<vmem>> -> memref<640xf32, #tpu.memory_space<vmem>>
      %dma_wait3A_90 = tpu.memref_slice %arg7[%run_scoped3A, %mul3A_9] : memref<16x10240xf32, #tpu.memory_space<vmem_shared>> -> memref<1x640xf32, #tpu.memory_space<vmem_shared>>
      %dma_wait3A_91 = tpu.memref_squeeze %dma_wait3A_90 : memref<1x640xf32, #tpu.memory_space<vmem_shared>> -> memref<640xf32, #tpu.memory_space<vmem_shared>>
      %dma_wait3A_92 = arith.constant 0 : i32
      %dma_wait3A_93 = tpu.memref_slice %arg8[%run_scoped3A_10, %dma_wait3A_92] : memref<16x640xf32, #tpu.memory_space<vmem>> -> memref<1x640xf32, #tpu.memory_space<vmem>>
      %dma_wait3A_94 = tpu.memref_squeeze %dma_wait3A_93 : memref<1x640xf32, #tpu.memory_space<vmem>> -> memref<640xf32, #tpu.memory_space<vmem>>
      %dma_wait3A_95 = tpu.memref_slice %arg7[%run_scoped3A, %mul3A_9] : memref<16x10240xf32, #tpu.memory_space<vmem_shared>> -> memref<1x640xf32, #tpu.memory_space<vmem_shared>>
      %dma_wait3A_96 = tpu.memref_squeeze %dma_wait3A_95 : memref<1x640xf32, #tpu.memory_space<vmem_shared>> -> memref<640xf32, #tpu.memory_space<vmem_shared>>
      tpu.wait_dma2 semaphore(%run_scoped3A_78 : memref<!tpu.dma_semaphore, #tpu.memory_space<semaphore_mem>>) src(%dma_wait3A_96 : memref<640xf32, #tpu.memory_space<vmem_shared>>) dst(%dma_wait3A_94 : memref<640xf32, #tpu.memory_space<vmem>>)
      tpu.yield
    }) : () -> ()
    %mul3A_11 = arith.constant 640 : i32
    %mul3A_12 = arith.muli %arg1, %mul3A_11 : i32
    %run_scoped3A_13 = arith.constant 1 : i32
    %run_scoped3A_14 = arith.constant 1 : i32
    "tpu.region"() ({
      %run_scoped3A_78 = tpu.sem_alloc : memref<!tpu.dma_semaphore, #tpu.memory_space<semaphore_mem>>
      %dma_start3A = arith.constant 0 : i32
      %dma_start3A_79 = tpu.memref_slice %arg8[%run_scoped3A_14, %dma_start3A] : memref<16x640xf32, #tpu.memory_space<vmem>> -> memref<1x640xf32, #tpu.memory_space<vmem>>
      %dma_start3A_80 = tpu.memref_squeeze %dma_start3A_79 : memref<1x640xf32, #tpu.memory_space<vmem>> -> memref<640xf32, #tpu.memory_space<vmem>>
      %dma_start3A_81 = tpu.memref_slice %arg7[%run_scoped3A_13, %mul3A_12] : memref<16x10240xf32, #tpu.memory_space<vmem_shared>> -> memref<1x640xf32, #tpu.memory_space<vmem_shared>>
      %dma_start3A_82 = tpu.memref_squeeze %dma_start3A_81 : memref<1x640xf32, #tpu.memory_space<vmem_shared>> -> memref<640xf32, #tpu.memory_space<vmem_shared>>
      %dma_start3A_83 = arith.constant 0 : i32
      %dma_start3A_84 = tpu.memref_slice %arg8[%run_scoped3A_14, %dma_start3A_83] : memref<16x640xf32, #tpu.memory_space<vmem>> -> memref<1x640xf32, #tpu.memory_space<vmem>>
      %dma_start3A_85 = tpu.memref_squeeze %dma_start3A_84 : memref<1x640xf32, #tpu.memory_space<vmem>> -> memref<640xf32, #tpu.memory_space<vmem>>
      %dma_start3A_86 = tpu.memref_slice %arg7[%run_scoped3A_13, %mul3A_12] : memref<16x10240xf32, #tpu.memory_space<vmem_shared>> -> memref<1x640xf32, #tpu.memory_space<vmem_shared>>
      %dma_start3A_87 = tpu.memref_squeeze %dma_start3A_86 : memref<1x640xf32, #tpu.memory_space<vmem_shared>> -> memref<640xf32, #tpu.memory_space<vmem_shared>>
      tpu.enqueue_dma source(%dma_start3A_87 : memref<640xf32, #tpu.memory_space<vmem_shared>>) target(%dma_start3A_85 : memref<640xf32, #tpu.memory_space<vmem>>) target_semaphore(%run_scoped3A_78 : memref<!tpu.dma_semaphore, #tpu.memory_space<semaphore_mem>>)
      %dma_wait3A = arith.constant 0 : i32
      %dma_wait3A_88 = tpu.memref_slice %arg8[%run_scoped3A_14, %dma_wait3A] : memref<16x640xf32, #tpu.memory_space<vmem>> -> memref<1x640xf32, #tpu.memory_space<vmem>>
      %dma_wait3A_89 = tpu.memref_squeeze %dma_wait3A_88 : memref<1x640xf32, #tpu.memory_space<vmem>> -> memref<640xf32, #tpu.memory_space<vmem>>
      %dma_wait3A_90 = tpu.memref_slice %arg7[%run_scoped3A_13, %mul3A_12] : memref<16x10240xf32, #tpu.memory_space<vmem_shared>> -> memref<1x640xf32, #tpu.memory_space<vmem_shared>>
      %dma_wait3A_91 = tpu.memref_squeeze %dma_wait3A_90 : memref<1x640xf32, #tpu.memory_space<vmem_shared>> -> memref<640xf32, #tpu.memory_space<vmem_shared>>
      %dma_wait3A_92 = arith.constant 0 : i32
      %dma_wait3A_93 = tpu.memref_slice %arg8[%run_scoped3A_14, %dma_wait3A_92] : memref<16x640xf32, #tpu.memory_space<vmem>> -> memref<1x640xf32, #tpu.memory_space<vmem>>
      %dma_wait3A_94 = tpu.memref_squeeze %dma_wait3A_93 : memref<1x640xf32, #tpu.memory_space<vmem>> -> memref<640xf32, #tpu.memory_space<vmem>>
      %dma_wait3A_95 = tpu.memref_slice %arg7[%run_scoped3A_13, %mul3A_12] : memref<16x10240xf32, #tpu.memory_space<vmem_shared>> -> memref<1x640xf32, #tpu.memory_space<vmem_shared>>
      %dma_wait3A_96 = tpu.memref_squeeze %dma_wait3A_95 : memref<1x640xf32, #tpu.memory_space<vmem_shared>> -> memref<640xf32, #tpu.memory_space<vmem_shared>>
      tpu.wait_dma2 semaphore(%run_scoped3A_78 : memref<!tpu.dma_semaphore, #tpu.memory_space<semaphore_mem>>) src(%dma_wait3A_96 : memref<640xf32, #tpu.memory_space<vmem_shared>>) dst(%dma_wait3A_94 : memref<640xf32, #tpu.memory_space<vmem>>)
      tpu.yield
    }) : () -> ()
    %mul3A_15 = arith.constant 640 : i32
    %mul3A_16 = arith.muli %arg1, %mul3A_15 : i32
    %run_scoped3A_17 = arith.constant 2 : i32
    %run_scoped3A_18 = arith.constant 2 : i32
    "tpu.region"() ({
      %run_scoped3A_78 = tpu.sem_alloc : memref<!tpu.dma_semaphore, #tpu.memory_space<semaphore_mem>>
      %dma_start3A = arith.constant 0 : i32
      %dma_start3A_79 = tpu.memref_slice %arg8[%run_scoped3A_18, %dma_start3A] : memref<16x640xf32, #tpu.memory_space<vmem>> -> memref<1x640xf32, #tpu.memory_space<vmem>>
      %dma_start3A_80 = tpu.memref_squeeze %dma_start3A_79 : memref<1x640xf32, #tpu.memory_space<vmem>> -> memref<640xf32, #tpu.memory_space<vmem>>
      %dma_start3A_81 = tpu.memref_slice %arg7[%run_scoped3A_17, %mul3A_16] : memref<16x10240xf32, #tpu.memory_space<vmem_shared>> -> memref<1x640xf32, #tpu.memory_space<vmem_shared>>
      %dma_start3A_82 = tpu.memref_squeeze %dma_start3A_81 : memref<1x640xf32, #tpu.memory_space<vmem_shared>> -> memref<640xf32, #tpu.memory_space<vmem_shared>>
      %dma_start3A_83 = arith.constant 0 : i32
      %dma_start3A_84 = tpu.memref_slice %arg8[%run_scoped3A_18, %dma_start3A_83] : memref<16x640xf32, #tpu.memory_space<vmem>> -> memref<1x640xf32, #tpu.memory_space<vmem>>
      %dma_start3A_85 = tpu.memref_squeeze %dma_start3A_84 : memref<1x640xf32, #tpu.memory_space<vmem>> -> memref<640xf32, #tpu.memory_space<vmem>>
      %dma_start3A_86 = tpu.memref_slice %arg7[%run_scoped3A_17, %mul3A_16] : memref<16x10240xf32, #tpu.memory_space<vmem_shared>> -> memref<1x640xf32, #tpu.memory_space<vmem_shared>>
      %dma_start3A_87 = tpu.memref_squeeze %dma_start3A_86 : memref<1x640xf32, #tpu.memory_space<vmem_shared>> -> memref<640xf32, #tpu.memory_space<vmem_shared>>
      tpu.enqueue_dma source(%dma_start3A_87 : memref<640xf32, #tpu.memory_space<vmem_shared>>) target(%dma_start3A_85 : memref<640xf32, #tpu.memory_space<vmem>>) target_semaphore(%run_scoped3A_78 : memref<!tpu.dma_semaphore, #tpu.memory_space<semaphore_mem>>)
      %dma_wait3A = arith.constant 0 : i32
      %dma_wait3A_88 = tpu.memref_slice %arg8[%run_scoped3A_18, %dma_wait3A] : memref<16x640xf32, #tpu.memory_space<vmem>> -> memref<1x640xf32, #tpu.memory_space<vmem>>
      %dma_wait3A_89 = tpu.memref_squeeze %dma_wait3A_88 : memref<1x640xf32, #tpu.memory_space<vmem>> -> memref<640xf32, #tpu.memory_space<vmem>>
      %dma_wait3A_90 = tpu.memref_slice %arg7[%run_scoped3A_17, %mul3A_16] : memref<16x10240xf32, #tpu.memory_space<vmem_shared>> -> memref<1x640xf32, #tpu.memory_space<vmem_shared>>
      %dma_wait3A_91 = tpu.memref_squeeze %dma_wait3A_90 : memref<1x640xf32, #tpu.memory_space<vmem_shared>> -> memref<640xf32, #tpu.memory_space<vmem_shared>>
      %dma_wait3A_92 = arith.constant 0 : i32
      %dma_wait3A_93 = tpu.memref_slice %arg8[%run_scoped3A_18, %dma_wait3A_92] : memref<16x640xf32, #tpu.memory_space<vmem>> -> memref<1x640xf32, #tpu.memory_space<vmem>>
      %dma_wait3A_94 = tpu.memref_squeeze %dma_wait3A_93 : memref<1x640xf32, #tpu.memory_space<vmem>> -> memref<640xf32, #tpu.memory_space<vmem>>
      %dma_wait3A_95 = tpu.memref_slice %arg7[%run_scoped3A_17, %mul3A_16] : memref<16x10240xf32, #tpu.memory_space<vmem_shared>> -> memref<1x640xf32, #tpu.memory_space<vmem_shared>>
      %dma_wait3A_96 = tpu.memref_squeeze %dma_wait3A_95 : memref<1x640xf32, #tpu.memory_space<vmem_shared>> -> memref<640xf32, #tpu.memory_space<vmem_shared>>
      tpu.wait_dma2 semaphore(%run_scoped3A_78 : memref<!tpu.dma_semaphore, #tpu.memory_space<semaphore_mem>>) src(%dma_wait3A_96 : memref<640xf32, #tpu.memory_space<vmem_shared>>) dst(%dma_wait3A_94 : memref<640xf32, #tpu.memory_space<vmem>>)
      tpu.yield
    }) : () -> ()
    %mul3A_19 = arith.constant 640 : i32
    %mul3A_20 = arith.muli %arg1, %mul3A_19 : i32
    %run_scoped3A_21 = arith.constant 3 : i32
    %run_scoped3A_22 = arith.constant 3 : i32
    "tpu.region"() ({
      %run_scoped3A_78 = tpu.sem_alloc : memref<!tpu.dma_semaphore, #tpu.memory_space<semaphore_mem>>
      %dma_start3A = arith.constant 0 : i32
      %dma_start3A_79 = tpu.memref_slice %arg8[%run_scoped3A_22, %dma_start3A] : memref<16x640xf32, #tpu.memory_space<vmem>> -> memref<1x640xf32, #tpu.memory_space<vmem>>
      %dma_start3A_80 = tpu.memref_squeeze %dma_start3A_79 : memref<1x640xf32, #tpu.memory_space<vmem>> -> memref<640xf32, #tpu.memory_space<vmem>>
      %dma_start3A_81 = tpu.memref_slice %arg7[%run_scoped3A_21, %mul3A_20] : memref<16x10240xf32, #tpu.memory_space<vmem_shared>> -> memref<1x640xf32, #tpu.memory_space<vmem_shared>>
      %dma_start3A_82 = tpu.memref_squeeze %dma_start3A_81 : memref<1x640xf32, #tpu.memory_space<vmem_shared>> -> memref<640xf32, #tpu.memory_space<vmem_shared>>
      %dma_start3A_83 = arith.constant 0 : i32
      %dma_start3A_84 = tpu.memref_slice %arg8[%run_scoped3A_22, %dma_start3A_83] : memref<16x640xf32, #tpu.memory_space<vmem>> -> memref<1x640xf32, #tpu.memory_space<vmem>>
      %dma_start3A_85 = tpu.memref_squeeze %dma_start3A_84 : memref<1x640xf32, #tpu.memory_space<vmem>> -> memref<640xf32, #tpu.memory_space<vmem>>
      %dma_start3A_86 = tpu.memref_slice %arg7[%run_scoped3A_21, %mul3A_20] : memref<16x10240xf32, #tpu.memory_space<vmem_shared>> -> memref<1x640xf32, #tpu.memory_space<vmem_shared>>
      %dma_start3A_87 = tpu.memref_squeeze %dma_start3A_86 : memref<1x640xf32, #tpu.memory_space<vmem_shared>> -> memref<640xf32, #tpu.memory_space<vmem_shared>>
      tpu.enqueue_dma source(%dma_start3A_87 : memref<640xf32, #tpu.memory_space<vmem_shared>>) target(%dma_start3A_85 : memref<640xf32, #tpu.memory_space<vmem>>) target_semaphore(%run_scoped3A_78 : memref<!tpu.dma_semaphore, #tpu.memory_space<semaphore_mem>>)
      %dma_wait3A = arith.constant 0 : i32
      %dma_wait3A_88 = tpu.memref_slice %arg8[%run_scoped3A_22, %dma_wait3A] : memref<16x640xf32, #tpu.memory_space<vmem>> -> memref<1x640xf32, #tpu.memory_space<vmem>>
      %dma_wait3A_89 = tpu.memref_squeeze %dma_wait3A_88 : memref<1x640xf32, #tpu.memory_space<vmem>> -> memref<640xf32, #tpu.memory_space<vmem>>
      %dma_wait3A_90 = tpu.memref_slice %arg7[%run_scoped3A_21, %mul3A_20] : memref<16x10240xf32, #tpu.memory_space<vmem_shared>> -> memref<1x640xf32, #tpu.memory_space<vmem_shared>>
      %dma_wait3A_91 = tpu.memref_squeeze %dma_wait3A_90 : memref<1x640xf32, #tpu.memory_space<vmem_shared>> -> memref<640xf32, #tpu.memory_space<vmem_shared>>
      %dma_wait3A_92 = arith.constant 0 : i32
      %dma_wait3A_93 = tpu.memref_slice %arg8[%run_scoped3A_22, %dma_wait3A_92] : memref<16x640xf32, #tpu.memory_space<vmem>> -> memref<1x640xf32, #tpu.memory_space<vmem>>
      %dma_wait3A_94 = tpu.memref_squeeze %dma_wait3A_93 : memref<1x640xf32, #tpu.memory_space<vmem>> -> memref<640xf32, #tpu.memory_space<vmem>>
      %dma_wait3A_95 = tpu.memref_slice %arg7[%run_scoped3A_21, %mul3A_20] : memref<16x10240xf32, #tpu.memory_space<vmem_shared>> -> memref<1x640xf32, #tpu.memory_space<vmem_shared>>
      %dma_wait3A_96 = tpu.memref_squeeze %dma_wait3A_95 : memref<1x640xf32, #tpu.memory_space<vmem_shared>> -> memref<640xf32, #tpu.memory_space<vmem_shared>>
      tpu.wait_dma2 semaphore(%run_scoped3A_78 : memref<!tpu.dma_semaphore, #tpu.memory_space<semaphore_mem>>) src(%dma_wait3A_96 : memref<640xf32, #tpu.memory_space<vmem_shared>>) dst(%dma_wait3A_94 : memref<640xf32, #tpu.memory_space<vmem>>)
      tpu.yield
    }) : () -> ()
    %mul3A_23 = arith.constant 640 : i32
    %mul3A_24 = arith.muli %arg1, %mul3A_23 : i32
    %run_scoped3A_25 = arith.constant 4 : i32
    %run_scoped3A_26 = arith.constant 4 : i32
    "tpu.region"() ({
      %run_scoped3A_78 = tpu.sem_alloc : memref<!tpu.dma_semaphore, #tpu.memory_space<semaphore_mem>>
      %dma_start3A = arith.constant 0 : i32
      %dma_start3A_79 = tpu.memref_slice %arg8[%run_scoped3A_26, %dma_start3A] : memref<16x640xf32, #tpu.memory_space<vmem>> -> memref<1x640xf32, #tpu.memory_space<vmem>>
      %dma_start3A_80 = tpu.memref_squeeze %dma_start3A_79 : memref<1x640xf32, #tpu.memory_space<vmem>> -> memref<640xf32, #tpu.memory_space<vmem>>
      %dma_start3A_81 = tpu.memref_slice %arg7[%run_scoped3A_25, %mul3A_24] : memref<16x10240xf32, #tpu.memory_space<vmem_shared>> -> memref<1x640xf32, #tpu.memory_space<vmem_shared>>
      %dma_start3A_82 = tpu.memref_squeeze %dma_start3A_81 : memref<1x640xf32, #tpu.memory_space<vmem_shared>> -> memref<640xf32, #tpu.memory_space<vmem_shared>>
      %dma_start3A_83 = arith.constant 0 : i32
      %dma_start3A_84 = tpu.memref_slice %arg8[%run_scoped3A_26, %dma_start3A_83] : memref<16x640xf32, #tpu.memory_space<vmem>> -> memref<1x640xf32, #tpu.memory_space<vmem>>
      %dma_start3A_85 = tpu.memref_squeeze %dma_start3A_84 : memref<1x640xf32, #tpu.memory_space<vmem>> -> memref<640xf32, #tpu.memory_space<vmem>>
      %dma_start3A_86 = tpu.memref_slice %arg7[%run_scoped3A_25, %mul3A_24] : memref<16x10240xf32, #tpu.memory_space<vmem_shared>> -> memref<1x640xf32, #tpu.memory_space<vmem_shared>>
      %dma_start3A_87 = tpu.memref_squeeze %dma_start3A_86 : memref<1x640xf32, #tpu.memory_space<vmem_shared>> -> memref<640xf32, #tpu.memory_space<vmem_shared>>
      tpu.enqueue_dma source(%dma_start3A_87 : memref<640xf32, #tpu.memory_space<vmem_shared>>) target(%dma_start3A_85 : memref<640xf32, #tpu.memory_space<vmem>>) target_semaphore(%run_scoped3A_78 : memref<!tpu.dma_semaphore, #tpu.memory_space<semaphore_mem>>)
      %dma_wait3A = arith.constant 0 : i32
      %dma_wait3A_88 = tpu.memref_slice %arg8[%run_scoped3A_26, %dma_wait3A] : memref<16x640xf32, #tpu.memory_space<vmem>> -> memref<1x640xf32, #tpu.memory_space<vmem>>
      %dma_wait3A_89 = tpu.memref_squeeze %dma_wait3A_88 : memref<1x640xf32, #tpu.memory_space<vmem>> -> memref<640xf32, #tpu.memory_space<vmem>>
      %dma_wait3A_90 = tpu.memref_slice %arg7[%run_scoped3A_25, %mul3A_24] : memref<16x10240xf32, #tpu.memory_space<vmem_shared>> -> memref<1x640xf32, #tpu.memory_space<vmem_shared>>
      %dma_wait3A_91 = tpu.memref_squeeze %dma_wait3A_90 : memref<1x640xf32, #tpu.memory_space<vmem_shared>> -> memref<640xf32, #tpu.memory_space<vmem_shared>>
      %dma_wait3A_92 = arith.constant 0 : i32
      %dma_wait3A_93 = tpu.memref_slice %arg8[%run_scoped3A_26, %dma_wait3A_92] : memref<16x640xf32, #tpu.memory_space<vmem>> -> memref<1x640xf32, #tpu.memory_space<vmem>>
      %dma_wait3A_94 = tpu.memref_squeeze %dma_wait3A_93 : memref<1x640xf32, #tpu.memory_space<vmem>> -> memref<640xf32, #tpu.memory_space<vmem>>
      %dma_wait3A_95 = tpu.memref_slice %arg7[%run_scoped3A_25, %mul3A_24] : memref<16x10240xf32, #tpu.memory_space<vmem_shared>> -> memref<1x640xf32, #tpu.memory_space<vmem_shared>>
      %dma_wait3A_96 = tpu.memref_squeeze %dma_wait3A_95 : memref<1x640xf32, #tpu.memory_space<vmem_shared>> -> memref<640xf32, #tpu.memory_space<vmem_shared>>
      tpu.wait_dma2 semaphore(%run_scoped3A_78 : memref<!tpu.dma_semaphore, #tpu.memory_space<semaphore_mem>>) src(%dma_wait3A_96 : memref<640xf32, #tpu.memory_space<vmem_shared>>) dst(%dma_wait3A_94 : memref<640xf32, #tpu.memory_space<vmem>>)
      tpu.yield
    }) : () -> ()
    %mul3A_27 = arith.constant 640 : i32
    %mul3A_28 = arith.muli %arg1, %mul3A_27 : i32
    %run_scoped3A_29 = arith.constant 5 : i32
    %run_scoped3A_30 = arith.constant 5 : i32
    "tpu.region"() ({
      %run_scoped3A_78 = tpu.sem_alloc : memref<!tpu.dma_semaphore, #tpu.memory_space<semaphore_mem>>
      %dma_start3A = arith.constant 0 : i32
      %dma_start3A_79 = tpu.memref_slice %arg8[%run_scoped3A_30, %dma_start3A] : memref<16x640xf32, #tpu.memory_space<vmem>> -> memref<1x640xf32, #tpu.memory_space<vmem>>
      %dma_start3A_80 = tpu.memref_squeeze %dma_start3A_79 : memref<1x640xf32, #tpu.memory_space<vmem>> -> memref<640xf32, #tpu.memory_space<vmem>>
      %dma_start3A_81 = tpu.memref_slice %arg7[%run_scoped3A_29, %mul3A_28] : memref<16x10240xf32, #tpu.memory_space<vmem_shared>> -> memref<1x640xf32, #tpu.memory_space<vmem_shared>>
      %dma_start3A_82 = tpu.memref_squeeze %dma_start3A_81 : memref<1x640xf32, #tpu.memory_space<vmem_shared>> -> memref<640xf32, #tpu.memory_space<vmem_shared>>
      %dma_start3A_83 = arith.constant 0 : i32
      %dma_start3A_84 = tpu.memref_slice %arg8[%run_scoped3A_30, %dma_start3A_83] : memref<16x640xf32, #tpu.memory_space<vmem>> -> memref<1x640xf32, #tpu.memory_space<vmem>>
      %dma_start3A_85 = tpu.memref_squeeze %dma_start3A_84 : memref<1x640xf32, #tpu.memory_space<vmem>> -> memref<640xf32, #tpu.memory_space<vmem>>
      %dma_start3A_86 = tpu.memref_slice %arg7[%run_scoped3A_29, %mul3A_28] : memref<16x10240xf32, #tpu.memory_space<vmem_shared>> -> memref<1x640xf32, #tpu.memory_space<vmem_shared>>
      %dma_start3A_87 = tpu.memref_squeeze %dma_start3A_86 : memref<1x640xf32, #tpu.memory_space<vmem_shared>> -> memref<640xf32, #tpu.memory_space<vmem_shared>>
      tpu.enqueue_dma source(%dma_start3A_87 : memref<640xf32, #tpu.memory_space<vmem_shared>>) target(%dma_start3A_85 : memref<640xf32, #tpu.memory_space<vmem>>) target_semaphore(%run_scoped3A_78 : memref<!tpu.dma_semaphore, #tpu.memory_space<semaphore_mem>>)
      %dma_wait3A = arith.constant 0 : i32
      %dma_wait3A_88 = tpu.memref_slice %arg8[%run_scoped3A_30, %dma_wait3A] : memref<16x640xf32, #tpu.memory_space<vmem>> -> memref<1x640xf32, #tpu.memory_space<vmem>>
      %dma_wait3A_89 = tpu.memref_squeeze %dma_wait3A_88 : memref<1x640xf32, #tpu.memory_space<vmem>> -> memref<640xf32, #tpu.memory_space<vmem>>
      %dma_wait3A_90 = tpu.memref_slice %arg7[%run_scoped3A_29, %mul3A_28] : memref<16x10240xf32, #tpu.memory_space<vmem_shared>> -> memref<1x640xf32, #tpu.memory_space<vmem_shared>>
      %dma_wait3A_91 = tpu.memref_squeeze %dma_wait3A_90 : memref<1x640xf32, #tpu.memory_space<vmem_shared>> -> memref<640xf32, #tpu.memory_space<vmem_shared>>
      %dma_wait3A_92 = arith.constant 0 : i32
      %dma_wait3A_93 = tpu.memref_slice %arg8[%run_scoped3A_30, %dma_wait3A_92] : memref<16x640xf32, #tpu.memory_space<vmem>> -> memref<1x640xf32, #tpu.memory_space<vmem>>
      %dma_wait3A_94 = tpu.memref_squeeze %dma_wait3A_93 : memref<1x640xf32, #tpu.memory_space<vmem>> -> memref<640xf32, #tpu.memory_space<vmem>>
      %dma_wait3A_95 = tpu.memref_slice %arg7[%run_scoped3A_29, %mul3A_28] : memref<16x10240xf32, #tpu.memory_space<vmem_shared>> -> memref<1x640xf32, #tpu.memory_space<vmem_shared>>
      %dma_wait3A_96 = tpu.memref_squeeze %dma_wait3A_95 : memref<1x640xf32, #tpu.memory_space<vmem_shared>> -> memref<640xf32, #tpu.memory_space<vmem_shared>>
      tpu.wait_dma2 semaphore(%run_scoped3A_78 : memref<!tpu.dma_semaphore, #tpu.memory_space<semaphore_mem>>) src(%dma_wait3A_96 : memref<640xf32, #tpu.memory_space<vmem_shared>>) dst(%dma_wait3A_94 : memref<640xf32, #tpu.memory_space<vmem>>)
      tpu.yield
    }) : () -> ()
    %mul3A_31 = arith.constant 640 : i32
    %mul3A_32 = arith.muli %arg1, %mul3A_31 : i32
    %run_scoped3A_33 = arith.constant 6 : i32
    %run_scoped3A_34 = arith.constant 6 : i32
    "tpu.region"() ({
      %run_scoped3A_78 = tpu.sem_alloc : memref<!tpu.dma_semaphore, #tpu.memory_space<semaphore_mem>>
      %dma_start3A = arith.constant 0 : i32
      %dma_start3A_79 = tpu.memref_slice %arg8[%run_scoped3A_34, %dma_start3A] : memref<16x640xf32, #tpu.memory_space<vmem>> -> memref<1x640xf32, #tpu.memory_space<vmem>>
      %dma_start3A_80 = tpu.memref_squeeze %dma_start3A_79 : memref<1x640xf32, #tpu.memory_space<vmem>> -> memref<640xf32, #tpu.memory_space<vmem>>
      %dma_start3A_81 = tpu.memref_slice %arg7[%run_scoped3A_33, %mul3A_32] : memref<16x10240xf32, #tpu.memory_space<vmem_shared>> -> memref<1x640xf32, #tpu.memory_space<vmem_shared>>
      %dma_start3A_82 = tpu.memref_squeeze %dma_start3A_81 : memref<1x640xf32, #tpu.memory_space<vmem_shared>> -> memref<640xf32, #tpu.memory_space<vmem_shared>>
      %dma_start3A_83 = arith.constant 0 : i32
      %dma_start3A_84 = tpu.memref_slice %arg8[%run_scoped3A_34, %dma_start3A_83] : memref<16x640xf32, #tpu.memory_space<vmem>> -> memref<1x640xf32, #tpu.memory_space<vmem>>
      %dma_start3A_85 = tpu.memref_squeeze %dma_start3A_84 : memref<1x640xf32, #tpu.memory_space<vmem>> -> memref<640xf32, #tpu.memory_space<vmem>>
      %dma_start3A_86 = tpu.memref_slice %arg7[%run_scoped3A_33, %mul3A_32] : memref<16x10240xf32, #tpu.memory_space<vmem_shared>> -> memref<1x640xf32, #tpu.memory_space<vmem_shared>>
      %dma_start3A_87 = tpu.memref_squeeze %dma_start3A_86 : memref<1x640xf32, #tpu.memory_space<vmem_shared>> -> memref<640xf32, #tpu.memory_space<vmem_shared>>
      tpu.enqueue_dma source(%dma_start3A_87 : memref<640xf32, #tpu.memory_space<vmem_shared>>) target(%dma_start3A_85 : memref<640xf32, #tpu.memory_space<vmem>>) target_semaphore(%run_scoped3A_78 : memref<!tpu.dma_semaphore, #tpu.memory_space<semaphore_mem>>)
      %dma_wait3A = arith.constant 0 : i32
      %dma_wait3A_88 = tpu.memref_slice %arg8[%run_scoped3A_34, %dma_wait3A] : memref<16x640xf32, #tpu.memory_space<vmem>> -> memref<1x640xf32, #tpu.memory_space<vmem>>
      %dma_wait3A_89 = tpu.memref_squeeze %dma_wait3A_88 : memref<1x640xf32, #tpu.memory_space<vmem>> -> memref<640xf32, #tpu.memory_space<vmem>>
      %dma_wait3A_90 = tpu.memref_slice %arg7[%run_scoped3A_33, %mul3A_32] : memref<16x10240xf32, #tpu.memory_space<vmem_shared>> -> memref<1x640xf32, #tpu.memory_space<vmem_shared>>
      %dma_wait3A_91 = tpu.memref_squeeze %dma_wait3A_90 : memref<1x640xf32, #tpu.memory_space<vmem_shared>> -> memref<640xf32, #tpu.memory_space<vmem_shared>>
      %dma_wait3A_92 = arith.constant 0 : i32
      %dma_wait3A_93 = tpu.memref_slice %arg8[%run_scoped3A_34, %dma_wait3A_92] : memref<16x640xf32, #tpu.memory_space<vmem>> -> memref<1x640xf32, #tpu.memory_space<vmem>>
      %dma_wait3A_94 = tpu.memref_squeeze %dma_wait3A_93 : memref<1x640xf32, #tpu.memory_space<vmem>> -> memref<640xf32, #tpu.memory_space<vmem>>
      %dma_wait3A_95 = tpu.memref_slice %arg7[%run_scoped3A_33, %mul3A_32] : memref<16x10240xf32, #tpu.memory_space<vmem_shared>> -> memref<1x640xf32, #tpu.memory_space<vmem_shared>>
      %dma_wait3A_96 = tpu.memref_squeeze %dma_wait3A_95 : memref<1x640xf32, #tpu.memory_space<vmem_shared>> -> memref<640xf32, #tpu.memory_space<vmem_shared>>
      tpu.wait_dma2 semaphore(%run_scoped3A_78 : memref<!tpu.dma_semaphore, #tpu.memory_space<semaphore_mem>>) src(%dma_wait3A_96 : memref<640xf32, #tpu.memory_space<vmem_shared>>) dst(%dma_wait3A_94 : memref<640xf32, #tpu.memory_space<vmem>>)
      tpu.yield
    }) : () -> ()
    %mul3A_35 = arith.constant 640 : i32
    %mul3A_36 = arith.muli %arg1, %mul3A_35 : i32
    %run_scoped3A_37 = arith.constant 7 : i32
    %run_scoped3A_38 = arith.constant 7 : i32
    "tpu.region"() ({
      %run_scoped3A_78 = tpu.sem_alloc : memref<!tpu.dma_semaphore, #tpu.memory_space<semaphore_mem>>
      %dma_start3A = arith.constant 0 : i32
      %dma_start3A_79 = tpu.memref_slice %arg8[%run_scoped3A_38, %dma_start3A] : memref<16x640xf32, #tpu.memory_space<vmem>> -> memref<1x640xf32, #tpu.memory_space<vmem>>
      %dma_start3A_80 = tpu.memref_squeeze %dma_start3A_79 : memref<1x640xf32, #tpu.memory_space<vmem>> -> memref<640xf32, #tpu.memory_space<vmem>>
      %dma_start3A_81 = tpu.memref_slice %arg7[%run_scoped3A_37, %mul3A_36] : memref<16x10240xf32, #tpu.memory_space<vmem_shared>> -> memref<1x640xf32, #tpu.memory_space<vmem_shared>>
      %dma_start3A_82 = tpu.memref_squeeze %dma_start3A_81 : memref<1x640xf32, #tpu.memory_space<vmem_shared>> -> memref<640xf32, #tpu.memory_space<vmem_shared>>
      %dma_start3A_83 = arith.constant 0 : i32
      %dma_start3A_84 = tpu.memref_slice %arg8[%run_scoped3A_38, %dma_start3A_83] : memref<16x640xf32, #tpu.memory_space<vmem>> -> memref<1x640xf32, #tpu.memory_space<vmem>>
      %dma_start3A_85 = tpu.memref_squeeze %dma_start3A_84 : memref<1x640xf32, #tpu.memory_space<vmem>> -> memref<640xf32, #tpu.memory_space<vmem>>
      %dma_start3A_86 = tpu.memref_slice %arg7[%run_scoped3A_37, %mul3A_36] : memref<16x10240xf32, #tpu.memory_space<vmem_shared>> -> memref<1x640xf32, #tpu.memory_space<vmem_shared>>
      %dma_start3A_87 = tpu.memref_squeeze %dma_start3A_86 : memref<1x640xf32, #tpu.memory_space<vmem_shared>> -> memref<640xf32, #tpu.memory_space<vmem_shared>>
      tpu.enqueue_dma source(%dma_start3A_87 : memref<640xf32, #tpu.memory_space<vmem_shared>>) target(%dma_start3A_85 : memref<640xf32, #tpu.memory_space<vmem>>) target_semaphore(%run_scoped3A_78 : memref<!tpu.dma_semaphore, #tpu.memory_space<semaphore_mem>>)
      %dma_wait3A = arith.constant 0 : i32
      %dma_wait3A_88 = tpu.memref_slice %arg8[%run_scoped3A_38, %dma_wait3A] : memref<16x640xf32, #tpu.memory_space<vmem>> -> memref<1x640xf32, #tpu.memory_space<vmem>>
      %dma_wait3A_89 = tpu.memref_squeeze %dma_wait3A_88 : memref<1x640xf32, #tpu.memory_space<vmem>> -> memref<640xf32, #tpu.memory_space<vmem>>
      %dma_wait3A_90 = tpu.memref_slice %arg7[%run_scoped3A_37, %mul3A_36] : memref<16x10240xf32, #tpu.memory_space<vmem_shared>> -> memref<1x640xf32, #tpu.memory_space<vmem_shared>>
      %dma_wait3A_91 = tpu.memref_squeeze %dma_wait3A_90 : memref<1x640xf32, #tpu.memory_space<vmem_shared>> -> memref<640xf32, #tpu.memory_space<vmem_shared>>
      %dma_wait3A_92 = arith.constant 0 : i32
      %dma_wait3A_93 = tpu.memref_slice %arg8[%run_scoped3A_38, %dma_wait3A_92] : memref<16x640xf32, #tpu.memory_space<vmem>> -> memref<1x640xf32, #tpu.memory_space<vmem>>
      %dma_wait3A_94 = tpu.memref_squeeze %dma_wait3A_93 : memref<1x640xf32, #tpu.memory_space<vmem>> -> memref<640xf32, #tpu.memory_space<vmem>>
      %dma_wait3A_95 = tpu.memref_slice %arg7[%run_scoped3A_37, %mul3A_36] : memref<16x10240xf32, #tpu.memory_space<vmem_shared>> -> memref<1x640xf32, #tpu.memory_space<vmem_shared>>
      %dma_wait3A_96 = tpu.memref_squeeze %dma_wait3A_95 : memref<1x640xf32, #tpu.memory_space<vmem_shared>> -> memref<640xf32, #tpu.memory_space<vmem_shared>>
      tpu.wait_dma2 semaphore(%run_scoped3A_78 : memref<!tpu.dma_semaphore, #tpu.memory_space<semaphore_mem>>) src(%dma_wait3A_96 : memref<640xf32, #tpu.memory_space<vmem_shared>>) dst(%dma_wait3A_94 : memref<640xf32, #tpu.memory_space<vmem>>)
      tpu.yield
    }) : () -> ()
    %mul3A_39 = arith.constant 640 : i32
    %mul3A_40 = arith.muli %arg1, %mul3A_39 : i32
    %run_scoped3A_41 = arith.constant 8 : i32
    %run_scoped3A_42 = arith.constant 8 : i32
    "tpu.region"() ({
      %run_scoped3A_78 = tpu.sem_alloc : memref<!tpu.dma_semaphore, #tpu.memory_space<semaphore_mem>>
      %dma_start3A = arith.constant 0 : i32
      %dma_start3A_79 = tpu.memref_slice %arg8[%run_scoped3A_42, %dma_start3A] : memref<16x640xf32, #tpu.memory_space<vmem>> -> memref<1x640xf32, #tpu.memory_space<vmem>>
      %dma_start3A_80 = tpu.memref_squeeze %dma_start3A_79 : memref<1x640xf32, #tpu.memory_space<vmem>> -> memref<640xf32, #tpu.memory_space<vmem>>
      %dma_start3A_81 = tpu.memref_slice %arg7[%run_scoped3A_41, %mul3A_40] : memref<16x10240xf32, #tpu.memory_space<vmem_shared>> -> memref<1x640xf32, #tpu.memory_space<vmem_shared>>
      %dma_start3A_82 = tpu.memref_squeeze %dma_start3A_81 : memref<1x640xf32, #tpu.memory_space<vmem_shared>> -> memref<640xf32, #tpu.memory_space<vmem_shared>>
      %dma_start3A_83 = arith.constant 0 : i32
      %dma_start3A_84 = tpu.memref_slice %arg8[%run_scoped3A_42, %dma_start3A_83] : memref<16x640xf32, #tpu.memory_space<vmem>> -> memref<1x640xf32, #tpu.memory_space<vmem>>
      %dma_start3A_85 = tpu.memref_squeeze %dma_start3A_84 : memref<1x640xf32, #tpu.memory_space<vmem>> -> memref<640xf32, #tpu.memory_space<vmem>>
      %dma_start3A_86 = tpu.memref_slice %arg7[%run_scoped3A_41, %mul3A_40] : memref<16x10240xf32, #tpu.memory_space<vmem_shared>> -> memref<1x640xf32, #tpu.memory_space<vmem_shared>>
      %dma_start3A_87 = tpu.memref_squeeze %dma_start3A_86 : memref<1x640xf32, #tpu.memory_space<vmem_shared>> -> memref<640xf32, #tpu.memory_space<vmem_shared>>
      tpu.enqueue_dma source(%dma_start3A_87 : memref<640xf32, #tpu.memory_space<vmem_shared>>) target(%dma_start3A_85 : memref<640xf32, #tpu.memory_space<vmem>>) target_semaphore(%run_scoped3A_78 : memref<!tpu.dma_semaphore, #tpu.memory_space<semaphore_mem>>)
      %dma_wait3A = arith.constant 0 : i32
      %dma_wait3A_88 = tpu.memref_slice %arg8[%run_scoped3A_42, %dma_wait3A] : memref<16x640xf32, #tpu.memory_space<vmem>> -> memref<1x640xf32, #tpu.memory_space<vmem>>
      %dma_wait3A_89 = tpu.memref_squeeze %dma_wait3A_88 : memref<1x640xf32, #tpu.memory_space<vmem>> -> memref<640xf32, #tpu.memory_space<vmem>>
      %dma_wait3A_90 = tpu.memref_slice %arg7[%run_scoped3A_41, %mul3A_40] : memref<16x10240xf32, #tpu.memory_space<vmem_shared>> -> memref<1x640xf32, #tpu.memory_space<vmem_shared>>
      %dma_wait3A_91 = tpu.memref_squeeze %dma_wait3A_90 : memref<1x640xf32, #tpu.memory_space<vmem_shared>> -> memref<640xf32, #tpu.memory_space<vmem_shared>>
      %dma_wait3A_92 = arith.constant 0 : i32
      %dma_wait3A_93 = tpu.memref_slice %arg8[%run_scoped3A_42, %dma_wait3A_92] : memref<16x640xf32, #tpu.memory_space<vmem>> -> memref<1x640xf32, #tpu.memory_space<vmem>>
      %dma_wait3A_94 = tpu.memref_squeeze %dma_wait3A_93 : memref<1x640xf32, #tpu.memory_space<vmem>> -> memref<640xf32, #tpu.memory_space<vmem>>
      %dma_wait3A_95 = tpu.memref_slice %arg7[%run_scoped3A_41, %mul3A_40] : memref<16x10240xf32, #tpu.memory_space<vmem_shared>> -> memref<1x640xf32, #tpu.memory_space<vmem_shared>>
      %dma_wait3A_96 = tpu.memref_squeeze %dma_wait3A_95 : memref<1x640xf32, #tpu.memory_space<vmem_shared>> -> memref<640xf32, #tpu.memory_space<vmem_shared>>
      tpu.wait_dma2 semaphore(%run_scoped3A_78 : memref<!tpu.dma_semaphore, #tpu.memory_space<semaphore_mem>>) src(%dma_wait3A_96 : memref<640xf32, #tpu.memory_space<vmem_shared>>) dst(%dma_wait3A_94 : memref<640xf32, #tpu.memory_space<vmem>>)
      tpu.yield
    }) : () -> ()
    %mul3A_43 = arith.constant 640 : i32
    %mul3A_44 = arith.muli %arg1, %mul3A_43 : i32
    %run_scoped3A_45 = arith.constant 9 : i32
    %run_scoped3A_46 = arith.constant 9 : i32
    "tpu.region"() ({
      %run_scoped3A_78 = tpu.sem_alloc : memref<!tpu.dma_semaphore, #tpu.memory_space<semaphore_mem>>
      %dma_start3A = arith.constant 0 : i32
      %dma_start3A_79 = tpu.memref_slice %arg8[%run_scoped3A_46, %dma_start3A] : memref<16x640xf32, #tpu.memory_space<vmem>> -> memref<1x640xf32, #tpu.memory_space<vmem>>
      %dma_start3A_80 = tpu.memref_squeeze %dma_start3A_79 : memref<1x640xf32, #tpu.memory_space<vmem>> -> memref<640xf32, #tpu.memory_space<vmem>>
      %dma_start3A_81 = tpu.memref_slice %arg7[%run_scoped3A_45, %mul3A_44] : memref<16x10240xf32, #tpu.memory_space<vmem_shared>> -> memref<1x640xf32, #tpu.memory_space<vmem_shared>>
      %dma_start3A_82 = tpu.memref_squeeze %dma_start3A_81 : memref<1x640xf32, #tpu.memory_space<vmem_shared>> -> memref<640xf32, #tpu.memory_space<vmem_shared>>
      %dma_start3A_83 = arith.constant 0 : i32
      %dma_start3A_84 = tpu.memref_slice %arg8[%run_scoped3A_46, %dma_start3A_83] : memref<16x640xf32, #tpu.memory_space<vmem>> -> memref<1x640xf32, #tpu.memory_space<vmem>>
      %dma_start3A_85 = tpu.memref_squeeze %dma_start3A_84 : memref<1x640xf32, #tpu.memory_space<vmem>> -> memref<640xf32, #tpu.memory_space<vmem>>
      %dma_start3A_86 = tpu.memref_slice %arg7[%run_scoped3A_45, %mul3A_44] : memref<16x10240xf32, #tpu.memory_space<vmem_shared>> -> memref<1x640xf32, #tpu.memory_space<vmem_shared>>
      %dma_start3A_87 = tpu.memref_squeeze %dma_start3A_86 : memref<1x640xf32, #tpu.memory_space<vmem_shared>> -> memref<640xf32, #tpu.memory_space<vmem_shared>>
      tpu.enqueue_dma source(%dma_start3A_87 : memref<640xf32, #tpu.memory_space<vmem_shared>>) target(%dma_start3A_85 : memref<640xf32, #tpu.memory_space<vmem>>) target_semaphore(%run_scoped3A_78 : memref<!tpu.dma_semaphore, #tpu.memory_space<semaphore_mem>>)
      %dma_wait3A = arith.constant 0 : i32
      %dma_wait3A_88 = tpu.memref_slice %arg8[%run_scoped3A_46, %dma_wait3A] : memref<16x640xf32, #tpu.memory_space<vmem>> -> memref<1x640xf32, #tpu.memory_space<vmem>>
      %dma_wait3A_89 = tpu.memref_squeeze %dma_wait3A_88 : memref<1x640xf32, #tpu.memory_space<vmem>> -> memref<640xf32, #tpu.memory_space<vmem>>
      %dma_wait3A_90 = tpu.memref_slice %arg7[%run_scoped3A_45, %mul3A_44] : memref<16x10240xf32, #tpu.memory_space<vmem_shared>> -> memref<1x640xf32, #tpu.memory_space<vmem_shared>>
      %dma_wait3A_91 = tpu.memref_squeeze %dma_wait3A_90 : memref<1x640xf32, #tpu.memory_space<vmem_shared>> -> memref<640xf32, #tpu.memory_space<vmem_shared>>
      %dma_wait3A_92 = arith.constant 0 : i32
      %dma_wait3A_93 = tpu.memref_slice %arg8[%run_scoped3A_46, %dma_wait3A_92] : memref<16x640xf32, #tpu.memory_space<vmem>> -> memref<1x640xf32, #tpu.memory_space<vmem>>
      %dma_wait3A_94 = tpu.memref_squeeze %dma_wait3A_93 : memref<1x640xf32, #tpu.memory_space<vmem>> -> memref<640xf32, #tpu.memory_space<vmem>>
      %dma_wait3A_95 = tpu.memref_slice %arg7[%run_scoped3A_45, %mul3A_44] : memref<16x10240xf32, #tpu.memory_space<vmem_shared>> -> memref<1x640xf32, #tpu.memory_space<vmem_shared>>
      %dma_wait3A_96 = tpu.memref_squeeze %dma_wait3A_95 : memref<1x640xf32, #tpu.memory_space<vmem_shared>> -> memref<640xf32, #tpu.memory_space<vmem_shared>>
      tpu.wait_dma2 semaphore(%run_scoped3A_78 : memref<!tpu.dma_semaphore, #tpu.memory_space<semaphore_mem>>) src(%dma_wait3A_96 : memref<640xf32, #tpu.memory_space<vmem_shared>>) dst(%dma_wait3A_94 : memref<640xf32, #tpu.memory_space<vmem>>)
      tpu.yield
    }) : () -> ()
    %mul3A_47 = arith.constant 640 : i32
    %mul3A_48 = arith.muli %arg1, %mul3A_47 : i32
    %run_scoped3A_49 = arith.constant 10 : i32
    %run_scoped3A_50 = arith.constant 10 : i32
    "tpu.region"() ({
      %run_scoped3A_78 = tpu.sem_alloc : memref<!tpu.dma_semaphore, #tpu.memory_space<semaphore_mem>>
      %dma_start3A = arith.constant 0 : i32
      %dma_start3A_79 = tpu.memref_slice %arg8[%run_scoped3A_50, %dma_start3A] : memref<16x640xf32, #tpu.memory_space<vmem>> -> memref<1x640xf32, #tpu.memory_space<vmem>>
      %dma_start3A_80 = tpu.memref_squeeze %dma_start3A_79 : memref<1x640xf32, #tpu.memory_space<vmem>> -> memref<640xf32, #tpu.memory_space<vmem>>
      %dma_start3A_81 = tpu.memref_slice %arg7[%run_scoped3A_49, %mul3A_48] : memref<16x10240xf32, #tpu.memory_space<vmem_shared>> -> memref<1x640xf32, #tpu.memory_space<vmem_shared>>
      %dma_start3A_82 = tpu.memref_squeeze %dma_start3A_81 : memref<1x640xf32, #tpu.memory_space<vmem_shared>> -> memref<640xf32, #tpu.memory_space<vmem_shared>>
      %dma_start3A_83 = arith.constant 0 : i32
      %dma_start3A_84 = tpu.memref_slice %arg8[%run_scoped3A_50, %dma_start3A_83] : memref<16x640xf32, #tpu.memory_space<vmem>> -> memref<1x640xf32, #tpu.memory_space<vmem>>
      %dma_start3A_85 = tpu.memref_squeeze %dma_start3A_84 : memref<1x640xf32, #tpu.memory_space<vmem>> -> memref<640xf32, #tpu.memory_space<vmem>>
      %dma_start3A_86 = tpu.memref_slice %arg7[%run_scoped3A_49, %mul3A_48] : memref<16x10240xf32, #tpu.memory_space<vmem_shared>> -> memref<1x640xf32, #tpu.memory_space<vmem_shared>>
      %dma_start3A_87 = tpu.memref_squeeze %dma_start3A_86 : memref<1x640xf32, #tpu.memory_space<vmem_shared>> -> memref<640xf32, #tpu.memory_space<vmem_shared>>
      tpu.enqueue_dma source(%dma_start3A_87 : memref<640xf32, #tpu.memory_space<vmem_shared>>) target(%dma_start3A_85 : memref<640xf32, #tpu.memory_space<vmem>>) target_semaphore(%run_scoped3A_78 : memref<!tpu.dma_semaphore, #tpu.memory_space<semaphore_mem>>)
      %dma_wait3A = arith.constant 0 : i32
      %dma_wait3A_88 = tpu.memref_slice %arg8[%run_scoped3A_50, %dma_wait3A] : memref<16x640xf32, #tpu.memory_space<vmem>> -> memref<1x640xf32, #tpu.memory_space<vmem>>
      %dma_wait3A_89 = tpu.memref_squeeze %dma_wait3A_88 : memref<1x640xf32, #tpu.memory_space<vmem>> -> memref<640xf32, #tpu.memory_space<vmem>>
      %dma_wait3A_90 = tpu.memref_slice %arg7[%run_scoped3A_49, %mul3A_48] : memref<16x10240xf32, #tpu.memory_space<vmem_shared>> -> memref<1x640xf32, #tpu.memory_space<vmem_shared>>
      %dma_wait3A_91 = tpu.memref_squeeze %dma_wait3A_90 : memref<1x640xf32, #tpu.memory_space<vmem_shared>> -> memref<640xf32, #tpu.memory_space<vmem_shared>>
      %dma_wait3A_92 = arith.constant 0 : i32
      %dma_wait3A_93 = tpu.memref_slice %arg8[%run_scoped3A_50, %dma_wait3A_92] : memref<16x640xf32, #tpu.memory_space<vmem>> -> memref<1x640xf32, #tpu.memory_space<vmem>>
      %dma_wait3A_94 = tpu.memref_squeeze %dma_wait3A_93 : memref<1x640xf32, #tpu.memory_space<vmem>> -> memref<640xf32, #tpu.memory_space<vmem>>
      %dma_wait3A_95 = tpu.memref_slice %arg7[%run_scoped3A_49, %mul3A_48] : memref<16x10240xf32, #tpu.memory_space<vmem_shared>> -> memref<1x640xf32, #tpu.memory_space<vmem_shared>>
      %dma_wait3A_96 = tpu.memref_squeeze %dma_wait3A_95 : memref<1x640xf32, #tpu.memory_space<vmem_shared>> -> memref<640xf32, #tpu.memory_space<vmem_shared>>
      tpu.wait_dma2 semaphore(%run_scoped3A_78 : memref<!tpu.dma_semaphore, #tpu.memory_space<semaphore_mem>>) src(%dma_wait3A_96 : memref<640xf32, #tpu.memory_space<vmem_shared>>) dst(%dma_wait3A_94 : memref<640xf32, #tpu.memory_space<vmem>>)
      tpu.yield
    }) : () -> ()
    %mul3A_51 = arith.constant 640 : i32
    %mul3A_52 = arith.muli %arg1, %mul3A_51 : i32
    %run_scoped3A_53 = arith.constant 11 : i32
    %run_scoped3A_54 = arith.constant 11 : i32
    "tpu.region"() ({
      %run_scoped3A_78 = tpu.sem_alloc : memref<!tpu.dma_semaphore, #tpu.memory_space<semaphore_mem>>
      %dma_start3A = arith.constant 0 : i32
      %dma_start3A_79 = tpu.memref_slice %arg8[%run_scoped3A_54, %dma_start3A] : memref<16x640xf32, #tpu.memory_space<vmem>> -> memref<1x640xf32, #tpu.memory_space<vmem>>
      %dma_start3A_80 = tpu.memref_squeeze %dma_start3A_79 : memref<1x640xf32, #tpu.memory_space<vmem>> -> memref<640xf32, #tpu.memory_space<vmem>>
      %dma_start3A_81 = tpu.memref_slice %arg7[%run_scoped3A_53, %mul3A_52] : memref<16x10240xf32, #tpu.memory_space<vmem_shared>> -> memref<1x640xf32, #tpu.memory_space<vmem_shared>>
      %dma_start3A_82 = tpu.memref_squeeze %dma_start3A_81 : memref<1x640xf32, #tpu.memory_space<vmem_shared>> -> memref<640xf32, #tpu.memory_space<vmem_shared>>
      %dma_start3A_83 = arith.constant 0 : i32
      %dma_start3A_84 = tpu.memref_slice %arg8[%run_scoped3A_54, %dma_start3A_83] : memref<16x640xf32, #tpu.memory_space<vmem>> -> memref<1x640xf32, #tpu.memory_space<vmem>>
      %dma_start3A_85 = tpu.memref_squeeze %dma_start3A_84 : memref<1x640xf32, #tpu.memory_space<vmem>> -> memref<640xf32, #tpu.memory_space<vmem>>
      %dma_start3A_86 = tpu.memref_slice %arg7[%run_scoped3A_53, %mul3A_52] : memref<16x10240xf32, #tpu.memory_space<vmem_shared>> -> memref<1x640xf32, #tpu.memory_space<vmem_shared>>
      %dma_start3A_87 = tpu.memref_squeeze %dma_start3A_86 : memref<1x640xf32, #tpu.memory_space<vmem_shared>> -> memref<640xf32, #tpu.memory_space<vmem_shared>>
      tpu.enqueue_dma source(%dma_start3A_87 : memref<640xf32, #tpu.memory_space<vmem_shared>>) target(%dma_start3A_85 : memref<640xf32, #tpu.memory_space<vmem>>) target_semaphore(%run_scoped3A_78 : memref<!tpu.dma_semaphore, #tpu.memory_space<semaphore_mem>>)
      %dma_wait3A = arith.constant 0 : i32
      %dma_wait3A_88 = tpu.memref_slice %arg8[%run_scoped3A_54, %dma_wait3A] : memref<16x640xf32, #tpu.memory_space<vmem>> -> memref<1x640xf32, #tpu.memory_space<vmem>>
      %dma_wait3A_89 = tpu.memref_squeeze %dma_wait3A_88 : memref<1x640xf32, #tpu.memory_space<vmem>> -> memref<640xf32, #tpu.memory_space<vmem>>
      %dma_wait3A_90 = tpu.memref_slice %arg7[%run_scoped3A_53, %mul3A_52] : memref<16x10240xf32, #tpu.memory_space<vmem_shared>> -> memref<1x640xf32, #tpu.memory_space<vmem_shared>>
      %dma_wait3A_91 = tpu.memref_squeeze %dma_wait3A_90 : memref<1x640xf32, #tpu.memory_space<vmem_shared>> -> memref<640xf32, #tpu.memory_space<vmem_shared>>
      %dma_wait3A_92 = arith.constant 0 : i32
      %dma_wait3A_93 = tpu.memref_slice %arg8[%run_scoped3A_54, %dma_wait3A_92] : memref<16x640xf32, #tpu.memory_space<vmem>> -> memref<1x640xf32, #tpu.memory_space<vmem>>
      %dma_wait3A_94 = tpu.memref_squeeze %dma_wait3A_93 : memref<1x640xf32, #tpu.memory_space<vmem>> -> memref<640xf32, #tpu.memory_space<vmem>>
      %dma_wait3A_95 = tpu.memref_slice %arg7[%run_scoped3A_53, %mul3A_52] : memref<16x10240xf32, #tpu.memory_space<vmem_shared>> -> memref<1x640xf32, #tpu.memory_space<vmem_shared>>
      %dma_wait3A_96 = tpu.memref_squeeze %dma_wait3A_95 : memref<1x640xf32, #tpu.memory_space<vmem_shared>> -> memref<640xf32, #tpu.memory_space<vmem_shared>>
      tpu.wait_dma2 semaphore(%run_scoped3A_78 : memref<!tpu.dma_semaphore, #tpu.memory_space<semaphore_mem>>) src(%dma_wait3A_96 : memref<640xf32, #tpu.memory_space<vmem_shared>>) dst(%dma_wait3A_94 : memref<640xf32, #tpu.memory_space<vmem>>)
      tpu.yield
    }) : () -> ()
    %mul3A_55 = arith.constant 640 : i32
    %mul3A_56 = arith.muli %arg1, %mul3A_55 : i32
    %run_scoped3A_57 = arith.constant 12 : i32
    %run_scoped3A_58 = arith.constant 12 : i32
    "tpu.region"() ({
      %run_scoped3A_78 = tpu.sem_alloc : memref<!tpu.dma_semaphore, #tpu.memory_space<semaphore_mem>>
      %dma_start3A = arith.constant 0 : i32
      %dma_start3A_79 = tpu.memref_slice %arg8[%run_scoped3A_58, %dma_start3A] : memref<16x640xf32, #tpu.memory_space<vmem>> -> memref<1x640xf32, #tpu.memory_space<vmem>>
      %dma_start3A_80 = tpu.memref_squeeze %dma_start3A_79 : memref<1x640xf32, #tpu.memory_space<vmem>> -> memref<640xf32, #tpu.memory_space<vmem>>
      %dma_start3A_81 = tpu.memref_slice %arg7[%run_scoped3A_57, %mul3A_56] : memref<16x10240xf32, #tpu.memory_space<vmem_shared>> -> memref<1x640xf32, #tpu.memory_space<vmem_shared>>
      %dma_start3A_82 = tpu.memref_squeeze %dma_start3A_81 : memref<1x640xf32, #tpu.memory_space<vmem_shared>> -> memref<640xf32, #tpu.memory_space<vmem_shared>>
      %dma_start3A_83 = arith.constant 0 : i32
      %dma_start3A_84 = tpu.memref_slice %arg8[%run_scoped3A_58, %dma_start3A_83] : memref<16x640xf32, #tpu.memory_space<vmem>> -> memref<1x640xf32, #tpu.memory_space<vmem>>
      %dma_start3A_85 = tpu.memref_squeeze %dma_start3A_84 : memref<1x640xf32, #tpu.memory_space<vmem>> -> memref<640xf32, #tpu.memory_space<vmem>>
      %dma_start3A_86 = tpu.memref_slice %arg7[%run_scoped3A_57, %mul3A_56] : memref<16x10240xf32, #tpu.memory_space<vmem_shared>> -> memref<1x640xf32, #tpu.memory_space<vmem_shared>>
      %dma_start3A_87 = tpu.memref_squeeze %dma_start3A_86 : memref<1x640xf32, #tpu.memory_space<vmem_shared>> -> memref<640xf32, #tpu.memory_space<vmem_shared>>
      tpu.enqueue_dma source(%dma_start3A_87 : memref<640xf32, #tpu.memory_space<vmem_shared>>) target(%dma_start3A_85 : memref<640xf32, #tpu.memory_space<vmem>>) target_semaphore(%run_scoped3A_78 : memref<!tpu.dma_semaphore, #tpu.memory_space<semaphore_mem>>)
      %dma_wait3A = arith.constant 0 : i32
      %dma_wait3A_88 = tpu.memref_slice %arg8[%run_scoped3A_58, %dma_wait3A] : memref<16x640xf32, #tpu.memory_space<vmem>> -> memref<1x640xf32, #tpu.memory_space<vmem>>
      %dma_wait3A_89 = tpu.memref_squeeze %dma_wait3A_88 : memref<1x640xf32, #tpu.memory_space<vmem>> -> memref<640xf32, #tpu.memory_space<vmem>>
      %dma_wait3A_90 = tpu.memref_slice %arg7[%run_scoped3A_57, %mul3A_56] : memref<16x10240xf32, #tpu.memory_space<vmem_shared>> -> memref<1x640xf32, #tpu.memory_space<vmem_shared>>
      %dma_wait3A_91 = tpu.memref_squeeze %dma_wait3A_90 : memref<1x640xf32, #tpu.memory_space<vmem_shared>> -> memref<640xf32, #tpu.memory_space<vmem_shared>>
      %dma_wait3A_92 = arith.constant 0 : i32
      %dma_wait3A_93 = tpu.memref_slice %arg8[%run_scoped3A_58, %dma_wait3A_92] : memref<16x640xf32, #tpu.memory_space<vmem>> -> memref<1x640xf32, #tpu.memory_space<vmem>>
      %dma_wait3A_94 = tpu.memref_squeeze %dma_wait3A_93 : memref<1x640xf32, #tpu.memory_space<vmem>> -> memref<640xf32, #tpu.memory_space<vmem>>
      %dma_wait3A_95 = tpu.memref_slice %arg7[%run_scoped3A_57, %mul3A_56] : memref<16x10240xf32, #tpu.memory_space<vmem_shared>> -> memref<1x640xf32, #tpu.memory_space<vmem_shared>>
      %dma_wait3A_96 = tpu.memref_squeeze %dma_wait3A_95 : memref<1x640xf32, #tpu.memory_space<vmem_shared>> -> memref<640xf32, #tpu.memory_space<vmem_shared>>
      tpu.wait_dma2 semaphore(%run_scoped3A_78 : memref<!tpu.dma_semaphore, #tpu.memory_space<semaphore_mem>>) src(%dma_wait3A_96 : memref<640xf32, #tpu.memory_space<vmem_shared>>) dst(%dma_wait3A_94 : memref<640xf32, #tpu.memory_space<vmem>>)
      tpu.yield
    }) : () -> ()
    %mul3A_59 = arith.constant 640 : i32
    %mul3A_60 = arith.muli %arg1, %mul3A_59 : i32
    %run_scoped3A_61 = arith.constant 13 : i32
    %run_scoped3A_62 = arith.constant 13 : i32
    "tpu.region"() ({
      %run_scoped3A_78 = tpu.sem_alloc : memref<!tpu.dma_semaphore, #tpu.memory_space<semaphore_mem>>
      %dma_start3A = arith.constant 0 : i32
      %dma_start3A_79 = tpu.memref_slice %arg8[%run_scoped3A_62, %dma_start3A] : memref<16x640xf32, #tpu.memory_space<vmem>> -> memref<1x640xf32, #tpu.memory_space<vmem>>
      %dma_start3A_80 = tpu.memref_squeeze %dma_start3A_79 : memref<1x640xf32, #tpu.memory_space<vmem>> -> memref<640xf32, #tpu.memory_space<vmem>>
      %dma_start3A_81 = tpu.memref_slice %arg7[%run_scoped3A_61, %mul3A_60] : memref<16x10240xf32, #tpu.memory_space<vmem_shared>> -> memref<1x640xf32, #tpu.memory_space<vmem_shared>>
      %dma_start3A_82 = tpu.memref_squeeze %dma_start3A_81 : memref<1x640xf32, #tpu.memory_space<vmem_shared>> -> memref<640xf32, #tpu.memory_space<vmem_shared>>
      %dma_start3A_83 = arith.constant 0 : i32
      %dma_start3A_84 = tpu.memref_slice %arg8[%run_scoped3A_62, %dma_start3A_83] : memref<16x640xf32, #tpu.memory_space<vmem>> -> memref<1x640xf32, #tpu.memory_space<vmem>>
      %dma_start3A_85 = tpu.memref_squeeze %dma_start3A_84 : memref<1x640xf32, #tpu.memory_space<vmem>> -> memref<640xf32, #tpu.memory_space<vmem>>
      %dma_start3A_86 = tpu.memref_slice %arg7[%run_scoped3A_61, %mul3A_60] : memref<16x10240xf32, #tpu.memory_space<vmem_shared>> -> memref<1x640xf32, #tpu.memory_space<vmem_shared>>
      %dma_start3A_87 = tpu.memref_squeeze %dma_start3A_86 : memref<1x640xf32, #tpu.memory_space<vmem_shared>> -> memref<640xf32, #tpu.memory_space<vmem_shared>>
      tpu.enqueue_dma source(%dma_start3A_87 : memref<640xf32, #tpu.memory_space<vmem_shared>>) target(%dma_start3A_85 : memref<640xf32, #tpu.memory_space<vmem>>) target_semaphore(%run_scoped3A_78 : memref<!tpu.dma_semaphore, #tpu.memory_space<semaphore_mem>>)
      %dma_wait3A = arith.constant 0 : i32
      %dma_wait3A_88 = tpu.memref_slice %arg8[%run_scoped3A_62, %dma_wait3A] : memref<16x640xf32, #tpu.memory_space<vmem>> -> memref<1x640xf32, #tpu.memory_space<vmem>>
      %dma_wait3A_89 = tpu.memref_squeeze %dma_wait3A_88 : memref<1x640xf32, #tpu.memory_space<vmem>> -> memref<640xf32, #tpu.memory_space<vmem>>
      %dma_wait3A_90 = tpu.memref_slice %arg7[%run_scoped3A_61, %mul3A_60] : memref<16x10240xf32, #tpu.memory_space<vmem_shared>> -> memref<1x640xf32, #tpu.memory_space<vmem_shared>>
      %dma_wait3A_91 = tpu.memref_squeeze %dma_wait3A_90 : memref<1x640xf32, #tpu.memory_space<vmem_shared>> -> memref<640xf32, #tpu.memory_space<vmem_shared>>
      %dma_wait3A_92 = arith.constant 0 : i32
      %dma_wait3A_93 = tpu.memref_slice %arg8[%run_scoped3A_62, %dma_wait3A_92] : memref<16x640xf32, #tpu.memory_space<vmem>> -> memref<1x640xf32, #tpu.memory_space<vmem>>
      %dma_wait3A_94 = tpu.memref_squeeze %dma_wait3A_93 : memref<1x640xf32, #tpu.memory_space<vmem>> -> memref<640xf32, #tpu.memory_space<vmem>>
      %dma_wait3A_95 = tpu.memref_slice %arg7[%run_scoped3A_61, %mul3A_60] : memref<16x10240xf32, #tpu.memory_space<vmem_shared>> -> memref<1x640xf32, #tpu.memory_space<vmem_shared>>
      %dma_wait3A_96 = tpu.memref_squeeze %dma_wait3A_95 : memref<1x640xf32, #tpu.memory_space<vmem_shared>> -> memref<640xf32, #tpu.memory_space<vmem_shared>>
      tpu.wait_dma2 semaphore(%run_scoped3A_78 : memref<!tpu.dma_semaphore, #tpu.memory_space<semaphore_mem>>) src(%dma_wait3A_96 : memref<640xf32, #tpu.memory_space<vmem_shared>>) dst(%dma_wait3A_94 : memref<640xf32, #tpu.memory_space<vmem>>)
      tpu.yield
    }) : () -> ()
    %mul3A_63 = arith.constant 640 : i32
    %mul3A_64 = arith.muli %arg1, %mul3A_63 : i32
    %run_scoped3A_65 = arith.constant 14 : i32
    %run_scoped3A_66 = arith.constant 14 : i32
    "tpu.region"() ({
      %run_scoped3A_78 = tpu.sem_alloc : memref<!tpu.dma_semaphore, #tpu.memory_space<semaphore_mem>>
      %dma_start3A = arith.constant 0 : i32
      %dma_start3A_79 = tpu.memref_slice %arg8[%run_scoped3A_66, %dma_start3A] : memref<16x640xf32, #tpu.memory_space<vmem>> -> memref<1x640xf32, #tpu.memory_space<vmem>>
      %dma_start3A_80 = tpu.memref_squeeze %dma_start3A_79 : memref<1x640xf32, #tpu.memory_space<vmem>> -> memref<640xf32, #tpu.memory_space<vmem>>
      %dma_start3A_81 = tpu.memref_slice %arg7[%run_scoped3A_65, %mul3A_64] : memref<16x10240xf32, #tpu.memory_space<vmem_shared>> -> memref<1x640xf32, #tpu.memory_space<vmem_shared>>
      %dma_start3A_82 = tpu.memref_squeeze %dma_start3A_81 : memref<1x640xf32, #tpu.memory_space<vmem_shared>> -> memref<640xf32, #tpu.memory_space<vmem_shared>>
      %dma_start3A_83 = arith.constant 0 : i32
      %dma_start3A_84 = tpu.memref_slice %arg8[%run_scoped3A_66, %dma_start3A_83] : memref<16x640xf32, #tpu.memory_space<vmem>> -> memref<1x640xf32, #tpu.memory_space<vmem>>
      %dma_start3A_85 = tpu.memref_squeeze %dma_start3A_84 : memref<1x640xf32, #tpu.memory_space<vmem>> -> memref<640xf32, #tpu.memory_space<vmem>>
      %dma_start3A_86 = tpu.memref_slice %arg7[%run_scoped3A_65, %mul3A_64] : memref<16x10240xf32, #tpu.memory_space<vmem_shared>> -> memref<1x640xf32, #tpu.memory_space<vmem_shared>>
      %dma_start3A_87 = tpu.memref_squeeze %dma_start3A_86 : memref<1x640xf32, #tpu.memory_space<vmem_shared>> -> memref<640xf32, #tpu.memory_space<vmem_shared>>
      tpu.enqueue_dma source(%dma_start3A_87 : memref<640xf32, #tpu.memory_space<vmem_shared>>) target(%dma_start3A_85 : memref<640xf32, #tpu.memory_space<vmem>>) target_semaphore(%run_scoped3A_78 : memref<!tpu.dma_semaphore, #tpu.memory_space<semaphore_mem>>)
      %dma_wait3A = arith.constant 0 : i32
      %dma_wait3A_88 = tpu.memref_slice %arg8[%run_scoped3A_66, %dma_wait3A] : memref<16x640xf32, #tpu.memory_space<vmem>> -> memref<1x640xf32, #tpu.memory_space<vmem>>
      %dma_wait3A_89 = tpu.memref_squeeze %dma_wait3A_88 : memref<1x640xf32, #tpu.memory_space<vmem>> -> memref<640xf32, #tpu.memory_space<vmem>>
      %dma_wait3A_90 = tpu.memref_slice %arg7[%run_scoped3A_65, %mul3A_64] : memref<16x10240xf32, #tpu.memory_space<vmem_shared>> -> memref<1x640xf32, #tpu.memory_space<vmem_shared>>
      %dma_wait3A_91 = tpu.memref_squeeze %dma_wait3A_90 : memref<1x640xf32, #tpu.memory_space<vmem_shared>> -> memref<640xf32, #tpu.memory_space<vmem_shared>>
      %dma_wait3A_92 = arith.constant 0 : i32
      %dma_wait3A_93 = tpu.memref_slice %arg8[%run_scoped3A_66, %dma_wait3A_92] : memref<16x640xf32, #tpu.memory_space<vmem>> -> memref<1x640xf32, #tpu.memory_space<vmem>>
      %dma_wait3A_94 = tpu.memref_squeeze %dma_wait3A_93 : memref<1x640xf32, #tpu.memory_space<vmem>> -> memref<640xf32, #tpu.memory_space<vmem>>
      %dma_wait3A_95 = tpu.memref_slice %arg7[%run_scoped3A_65, %mul3A_64] : memref<16x10240xf32, #tpu.memory_space<vmem_shared>> -> memref<1x640xf32, #tpu.memory_space<vmem_shared>>
      %dma_wait3A_96 = tpu.memref_squeeze %dma_wait3A_95 : memref<1x640xf32, #tpu.memory_space<vmem_shared>> -> memref<640xf32, #tpu.memory_space<vmem_shared>>
      tpu.wait_dma2 semaphore(%run_scoped3A_78 : memref<!tpu.dma_semaphore, #tpu.memory_space<semaphore_mem>>) src(%dma_wait3A_96 : memref<640xf32, #tpu.memory_space<vmem_shared>>) dst(%dma_wait3A_94 : memref<640xf32, #tpu.memory_space<vmem>>)
      tpu.yield
    }) : () -> ()
    %mul3A_67 = arith.constant 640 : i32
    %mul3A_68 = arith.muli %arg1, %mul3A_67 : i32
    %run_scoped3A_69 = arith.constant 15 : i32
    %run_scoped3A_70 = arith.constant 15 : i32
    "tpu.region"() ({
      %run_scoped3A_78 = tpu.sem_alloc : memref<!tpu.dma_semaphore, #tpu.memory_space<semaphore_mem>>
      %dma_start3A = arith.constant 0 : i32
      %dma_start3A_79 = tpu.memref_slice %arg8[%run_scoped3A_70, %dma_start3A] : memref<16x640xf32, #tpu.memory_space<vmem>> -> memref<1x640xf32, #tpu.memory_space<vmem>>
      %dma_start3A_80 = tpu.memref_squeeze %dma_start3A_79 : memref<1x640xf32, #tpu.memory_space<vmem>> -> memref<640xf32, #tpu.memory_space<vmem>>
      %dma_start3A_81 = tpu.memref_slice %arg7[%run_scoped3A_69, %mul3A_68] : memref<16x10240xf32, #tpu.memory_space<vmem_shared>> -> memref<1x640xf32, #tpu.memory_space<vmem_shared>>
      %dma_start3A_82 = tpu.memref_squeeze %dma_start3A_81 : memref<1x640xf32, #tpu.memory_space<vmem_shared>> -> memref<640xf32, #tpu.memory_space<vmem_shared>>
      %dma_start3A_83 = arith.constant 0 : i32
      %dma_start3A_84 = tpu.memref_slice %arg8[%run_scoped3A_70, %dma_start3A_83] : memref<16x640xf32, #tpu.memory_space<vmem>> -> memref<1x640xf32, #tpu.memory_space<vmem>>
      %dma_start3A_85 = tpu.memref_squeeze %dma_start3A_84 : memref<1x640xf32, #tpu.memory_space<vmem>> -> memref<640xf32, #tpu.memory_space<vmem>>
      %dma_start3A_86 = tpu.memref_slice %arg7[%run_scoped3A_69, %mul3A_68] : memref<16x10240xf32, #tpu.memory_space<vmem_shared>> -> memref<1x640xf32, #tpu.memory_space<vmem_shared>>
      %dma_start3A_87 = tpu.memref_squeeze %dma_start3A_86 : memref<1x640xf32, #tpu.memory_space<vmem_shared>> -> memref<640xf32, #tpu.memory_space<vmem_shared>>
      tpu.enqueue_dma source(%dma_start3A_87 : memref<640xf32, #tpu.memory_space<vmem_shared>>) target(%dma_start3A_85 : memref<640xf32, #tpu.memory_space<vmem>>) target_semaphore(%run_scoped3A_78 : memref<!tpu.dma_semaphore, #tpu.memory_space<semaphore_mem>>)
      %dma_wait3A = arith.constant 0 : i32
      %dma_wait3A_88 = tpu.memref_slice %arg8[%run_scoped3A_70, %dma_wait3A] : memref<16x640xf32, #tpu.memory_space<vmem>> -> memref<1x640xf32, #tpu.memory_space<vmem>>
      %dma_wait3A_89 = tpu.memref_squeeze %dma_wait3A_88 : memref<1x640xf32, #tpu.memory_space<vmem>> -> memref<640xf32, #tpu.memory_space<vmem>>
      %dma_wait3A_90 = tpu.memref_slice %arg7[%run_scoped3A_69, %mul3A_68] : memref<16x10240xf32, #tpu.memory_space<vmem_shared>> -> memref<1x640xf32, #tpu.memory_space<vmem_shared>>
      %dma_wait3A_91 = tpu.memref_squeeze %dma_wait3A_90 : memref<1x640xf32, #tpu.memory_space<vmem_shared>> -> memref<640xf32, #tpu.memory_space<vmem_shared>>
      %dma_wait3A_92 = arith.constant 0 : i32
      %dma_wait3A_93 = tpu.memref_slice %arg8[%run_scoped3A_70, %dma_wait3A_92] : memref<16x640xf32, #tpu.memory_space<vmem>> -> memref<1x640xf32, #tpu.memory_space<vmem>>
      %dma_wait3A_94 = tpu.memref_squeeze %dma_wait3A_93 : memref<1x640xf32, #tpu.memory_space<vmem>> -> memref<640xf32, #tpu.memory_space<vmem>>
      %dma_wait3A_95 = tpu.memref_slice %arg7[%run_scoped3A_69, %mul3A_68] : memref<16x10240xf32, #tpu.memory_space<vmem_shared>> -> memref<1x640xf32, #tpu.memory_space<vmem_shared>>
      %dma_wait3A_96 = tpu.memref_squeeze %dma_wait3A_95 : memref<1x640xf32, #tpu.memory_space<vmem_shared>> -> memref<640xf32, #tpu.memory_space<vmem_shared>>
      tpu.wait_dma2 semaphore(%run_scoped3A_78 : memref<!tpu.dma_semaphore, #tpu.memory_space<semaphore_mem>>) src(%dma_wait3A_96 : memref<640xf32, #tpu.memory_space<vmem_shared>>) dst(%dma_wait3A_94 : memref<640xf32, #tpu.memory_space<vmem>>)
      tpu.yield
    }) : () -> ()
    %scan3A_71 = arith.constant 0 : i32
    %scan3A_72 = arith.constant 40 : i32
    %scan3A_73 = arith.addi %scan3A_71, %scan3A_72 : i32
    %scan3A_74 = arith.constant 1 : i32
    scf.for %scan3A_78 = %scan3A_71 to %scan3A_73 step %scan3A_74  : i32 {
      %broadcast_in_dim3A_79 = arith.constant 0.000000e+00 : f32
      %broadcast_in_dim3A_80 = vector.broadcast %broadcast_in_dim3A_79 : f32 to vector<16xf32>
      %mul3A_81 = arith.constant 16 : i32
      %mul3A_82 = arith.muli %scan3A_78, %mul3A_81 : i32
      %get3A = arith.constant 0 : i32
      %get3A_83 = arith.index_cast %get3A : i32 to index
      %get3A_84 = arith.index_cast %mul3A_82 : i32 to index
      %get3A_85 = tpu.vector_load %arg8[%get3A_83, %get3A_84] {strides = array<i32>} : memref<16x640xf32, #tpu.memory_space<vmem>>, vector<16xf32>,
      %add3A_86 = arith.addf %broadcast_in_dim3A_80, %get3A_85 : vector<16xf32>
      %mul3A_87 = arith.constant 16 : i32
      %mul3A_88 = arith.muli %scan3A_78, %mul3A_87 : i32
      %get3A_89 = arith.constant 1 : i32
      %get3A_90 = arith.index_cast %get3A_89 : i32 to index
      %get3A_91 = arith.index_cast %mul3A_88 : i32 to index
      %get3A_92 = tpu.vector_load %arg8[%get3A_90, %get3A_91] {strides = array<i32>} : memref<16x640xf32, #tpu.memory_space<vmem>>, vector<16xf32>,
      %add3A_93 = arith.addf %add3A_86, %get3A_92 : vector<16xf32>
      %mul3A_94 = arith.constant 16 : i32
      %mul3A_95 = arith.muli %scan3A_78, %mul3A_94 : i32
      %get3A_96 = arith.constant 2 : i32
      %get3A_97 = arith.index_cast %get3A_96 : i32 to index
      %get3A_98 = arith.index_cast %mul3A_95 : i32 to index
      %get3A_99 = tpu.vector_load %arg8[%get3A_97, %get3A_98] {strides = array<i32>} : memref<16x640xf32, #tpu.memory_space<vmem>>, vector<16xf32>,
      %add3A_100 = arith.addf %add3A_93, %get3A_99 : vector<16xf32>
      %mul3A_101 = arith.constant 16 : i32
      %mul3A_102 = arith.muli %scan3A_78, %mul3A_101 : i32
      %get3A_103 = arith.constant 3 : i32
      %get3A_104 = arith.index_cast %get3A_103 : i32 to index
      %get3A_105 = arith.index_cast %mul3A_102 : i32 to index
      %get3A_106 = tpu.vector_load %arg8[%get3A_104, %get3A_105] {strides = array<i32>} : memref<16x640xf32, #tpu.memory_space<vmem>>, vector<16xf32>,
      %add3A_107 = arith.addf %add3A_100, %get3A_106 : vector<16xf32>
      %mul3A_108 = arith.constant 16 : i32
      %mul3A_109 = arith.muli %scan3A_78, %mul3A_108 : i32
      %get3A_110 = arith.constant 4 : i32
      %get3A_111 = arith.index_cast %get3A_110 : i32 to index
      %get3A_112 = arith.index_cast %mul3A_109 : i32 to index
      %get3A_113 = tpu.vector_load %arg8[%get3A_111, %get3A_112] {strides = array<i32>} : memref<16x640xf32, #tpu.memory_space<vmem>>, vector<16xf32>,
      %add3A_114 = arith.addf %add3A_107, %get3A_113 : vector<16xf32>
      %mul3A_115 = arith.constant 16 : i32
      %mul3A_116 = arith.muli %scan3A_78, %mul3A_115 : i32
      %get3A_117 = arith.constant 5 : i32
      %get3A_118 = arith.index_cast %get3A_117 : i32 to index
      %get3A_119 = arith.index_cast %mul3A_116 : i32 to index
      %get3A_120 = tpu.vector_load %arg8[%get3A_118, %get3A_119] {strides = array<i32>} : memref<16x640xf32, #tpu.memory_space<vmem>>, vector<16xf32>,
      %add3A_121 = arith.addf %add3A_114, %get3A_120 : vector<16xf32>
      %mul3A_122 = arith.constant 16 : i32
      %mul3A_123 = arith.muli %scan3A_78, %mul3A_122 : i32
      %get3A_124 = arith.constant 6 : i32
      %get3A_125 = arith.index_cast %get3A_124 : i32 to index
      %get3A_126 = arith.index_cast %mul3A_123 : i32 to index
      %get3A_127 = tpu.vector_load %arg8[%get3A_125, %get3A_126] {strides = array<i32>} : memref<16x640xf32, #tpu.memory_space<vmem>>, vector<16xf32>,
      %add3A_128 = arith.addf %add3A_121, %get3A_127 : vector<16xf32>
      %mul3A_129 = arith.constant 16 : i32
      %mul3A_130 = arith.muli %scan3A_78, %mul3A_129 : i32
      %get3A_131 = arith.constant 7 : i32
      %get3A_132 = arith.index_cast %get3A_131 : i32 to index
      %get3A_133 = arith.index_cast %mul3A_130 : i32 to index
      %get3A_134 = tpu.vector_load %arg8[%get3A_132, %get3A_133] {strides = array<i32>} : memref<16x640xf32, #tpu.memory_space<vmem>>, vector<16xf32>,
      %add3A_135 = arith.addf %add3A_128, %get3A_134 : vector<16xf32>
      %mul3A_136 = arith.constant 16 : i32
      %mul3A_137 = arith.muli %scan3A_78, %mul3A_136 : i32
      %get3A_138 = arith.constant 8 : i32
      %get3A_139 = arith.index_cast %get3A_138 : i32 to index
      %get3A_140 = arith.index_cast %mul3A_137 : i32 to index
      %get3A_141 = tpu.vector_load %arg8[%get3A_139, %get3A_140] {strides = array<i32>} : memref<16x640xf32, #tpu.memory_space<vmem>>, vector<16xf32>,
      %add3A_142 = arith.addf %add3A_135, %get3A_141 : vector<16xf32>
      %mul3A_143 = arith.constant 16 : i32
      %mul3A_144 = arith.muli %scan3A_78, %mul3A_143 : i32
      %get3A_145 = arith.constant 9 : i32
      %get3A_146 = arith.index_cast %get3A_145 : i32 to index
      %get3A_147 = arith.index_cast %mul3A_144 : i32 to index
      %get3A_148 = tpu.vector_load %arg8[%get3A_146, %get3A_147] {strides = array<i32>} : memref<16x640xf32, #tpu.memory_space<vmem>>, vector<16xf32>,
      %add3A_149 = arith.addf %add3A_142, %get3A_148 : vector<16xf32>
      %mul3A_150 = arith.constant 16 : i32
      %mul3A_151 = arith.muli %scan3A_78, %mul3A_150 : i32
      %get3A_152 = arith.constant 10 : i32
      %get3A_153 = arith.index_cast %get3A_152 : i32 to index
      %get3A_154 = arith.index_cast %mul3A_151 : i32 to index
      %get3A_155 = tpu.vector_load %arg8[%get3A_153, %get3A_154] {strides = array<i32>} : memref<16x640xf32, #tpu.memory_space<vmem>>, vector<16xf32>,
      %add3A_156 = arith.addf %add3A_149, %get3A_155 : vector<16xf32>
      %mul3A_157 = arith.constant 16 : i32
      %mul3A_158 = arith.muli %scan3A_78, %mul3A_157 : i32
      %get3A_159 = arith.constant 11 : i32
      %get3A_160 = arith.index_cast %get3A_159 : i32 to index
      %get3A_161 = arith.index_cast %mul3A_158 : i32 to index
      %get3A_162 = tpu.vector_load %arg8[%get3A_160, %get3A_161] {strides = array<i32>} : memref<16x640xf32, #tpu.memory_space<vmem>>, vector<16xf32>,
      %add3A_163 = arith.addf %add3A_156, %get3A_162 : vector<16xf32>
      %mul3A_164 = arith.constant 16 : i32
      %mul3A_165 = arith.muli %scan3A_78, %mul3A_164 : i32
      %get3A_166 = arith.constant 12 : i32
      %get3A_167 = arith.index_cast %get3A_166 : i32 to index
      %get3A_168 = arith.index_cast %mul3A_165 : i32 to index
      %get3A_169 = tpu.vector_load %arg8[%get3A_167, %get3A_168] {strides = array<i32>} : memref<16x640xf32, #tpu.memory_space<vmem>>, vector<16xf32>,
      %add3A_170 = arith.addf %add3A_163, %get3A_169 : vector<16xf32>
      %mul3A_171 = arith.constant 16 : i32
      %mul3A_172 = arith.muli %scan3A_78, %mul3A_171 : i32
      %get3A_173 = arith.constant 13 : i32
      %get3A_174 = arith.index_cast %get3A_173 : i32 to index
      %get3A_175 = arith.index_cast %mul3A_172 : i32 to index
      %get3A_176 = tpu.vector_load %arg8[%get3A_174, %get3A_175] {strides = array<i32>} : memref<16x640xf32, #tpu.memory_space<vmem>>, vector<16xf32>,
      %add3A_177 = arith.addf %add3A_170, %get3A_176 : vector<16xf32>
      %mul3A_178 = arith.constant 16 : i32
      %mul3A_179 = arith.muli %scan3A_78, %mul3A_178 : i32
      %get3A_180 = arith.constant 14 : i32
      %get3A_181 = arith.index_cast %get3A_180 : i32 to index
      %get3A_182 = arith.index_cast %mul3A_179 : i32 to index
      %get3A_183 = tpu.vector_load %arg8[%get3A_181, %get3A_182] {strides = array<i32>} : memref<16x640xf32, #tpu.memory_space<vmem>>, vector<16xf32>,
      %add3A_184 = arith.addf %add3A_177, %get3A_183 : vector<16xf32>
      %mul3A_185 = arith.constant 16 : i32
      %mul3A_186 = arith.muli %scan3A_78, %mul3A_185 : i32
      %get3A_187 = arith.constant 15 : i32
      %get3A_188 = arith.index_cast %get3A_187 : i32 to index
      %get3A_189 = arith.index_cast %mul3A_186 : i32 to index
      %get3A_190 = tpu.vector_load %arg8[%get3A_188, %get3A_189] {strides = array<i32>} : memref<16x640xf32, #tpu.memory_space<vmem>>, vector<16xf32>,
      %add3A_191 = arith.addf %add3A_184, %get3A_190 : vector<16xf32>
      %mul3A_192 = arith.constant 16 : i32
      %mul3A_193 = arith.muli %scan3A_78, %mul3A_192 : i32
      %swap3A = arith.index_cast %mul3A_193 : i32 to index
      %swap3A_194 = tpu.vector_load %arg6[%swap3A] {strides = array<i32>} : memref<10240xf32, #tpu.memory_space<vmem>>, vector<16xf32>,
      tpu.vector_store %arg6[%swap3A], %add3A_191 {strides = array<i32>} : memref<10240xf32, #tpu.memory_space<vmem>>, vector<16xf32>,
    }
    %scan3A_75 = arith.constant 40 : i32
    %mul3A_76 = arith.constant 640 : i32
    %mul3A_77 = arith.muli %arg1, %mul3A_76 : i32
    "tpu.region"() ({
      %run_scoped3A_78 = tpu.sem_alloc : memref<!tpu.dma_semaphore, #tpu.memory_space<semaphore_mem>>
      %dma_start3A = arith.constant 0 : i32
      %dma_start3A_79 = tpu.memref_slice %arg6[%dma_start3A] : memref<10240xf32, #tpu.memory_space<vmem>> -> memref<640xf32, #tpu.memory_space<vmem>>
      %dma_start3A_80 = tpu.memref_slice %arg4[%arg0, %mul3A_77] : memref<2x10240xf32, #tpu.memory_space<hbm>> -> memref<1x640xf32, #tpu.memory_space<hbm>>
      %dma_start3A_81 = tpu.memref_squeeze %dma_start3A_80 : memref<1x640xf32, #tpu.memory_space<hbm>> -> memref<640xf32, #tpu.memory_space<hbm>>
      %dma_start3A_82 = tpu.memref_slice %arg4[%arg0, %mul3A_77] : memref<2x10240xf32, #tpu.memory_space<hbm>> -> memref<1x640xf32, #tpu.memory_space<hbm>>
      %dma_start3A_83 = tpu.memref_squeeze %dma_start3A_82 : memref<1x640xf32, #tpu.memory_space<hbm>> -> memref<640xf32, #tpu.memory_space<hbm>>
      %dma_start3A_84 = arith.constant 0 : i32
      %dma_start3A_85 = tpu.memref_slice %arg6[%dma_start3A_84] : memref<10240xf32, #tpu.memory_space<vmem>> -> memref<640xf32, #tpu.memory_space<vmem>>
      tpu.enqueue_dma source(%dma_start3A_85 : memref<640xf32, #tpu.memory_space<vmem>>) target(%dma_start3A_83 : memref<640xf32, #tpu.memory_space<hbm>>) target_semaphore(%run_scoped3A_78 : memref<!tpu.dma_semaphore, #tpu.memory_space<semaphore_mem>>)
      %dma_wait3A = arith.constant 0 : i32
      %dma_wait3A_86 = tpu.memref_slice %arg6[%dma_wait3A] : memref<10240xf32, #tpu.memory_space<vmem>> -> memref<640xf32, #tpu.memory_space<vmem>>
      %dma_wait3A_87 = tpu.memref_slice %arg4[%arg0, %mul3A_77] : memref<2x10240xf32, #tpu.memory_space<hbm>> -> memref<1x640xf32, #tpu.memory_space<hbm>>
      %dma_wait3A_88 = tpu.memref_squeeze %dma_wait3A_87 : memref<1x640xf32, #tpu.memory_space<hbm>> -> memref<640xf32, #tpu.memory_space<hbm>>
      %dma_wait3A_89 = tpu.memref_slice %arg4[%arg0, %mul3A_77] : memref<2x10240xf32, #tpu.memory_space<hbm>> -> memref<1x640xf32, #tpu.memory_space<hbm>>
      %dma_wait3A_90 = tpu.memref_squeeze %dma_wait3A_89 : memref<1x640xf32, #tpu.memory_space<hbm>> -> memref<640xf32, #tpu.memory_space<hbm>>
      %dma_wait3A_91 = arith.constant 0 : i32
      %dma_wait3A_92 = tpu.memref_slice %arg6[%dma_wait3A_91] : memref<10240xf32, #tpu.memory_space<vmem>> -> memref<640xf32, #tpu.memory_space<vmem>>
      tpu.wait_dma2 semaphore(%run_scoped3A_78 : memref<!tpu.dma_semaphore, #tpu.memory_space<semaphore_mem>>) src(%dma_wait3A_92 : memref<640xf32, #tpu.memory_space<vmem>>) dst(%dma_wait3A_90 : memref<640xf32, #tpu.memory_space<hbm>>)
      tpu.yield
    }) : () -> ()
    return
  }
}

#map = affine_map<(d0, d1) -> (0, 0)>
#map1 = affine_map<(d0, d1) -> (0)>
#map2 = affine_map<(d0, d1) -> (0, 0, 0)>
module attributes {stable_mosaic.version = 14 : i64} {
  func.func @body(%arg0: i32, %arg1: i32, %arg2: memref<10240x16xf32, #tpu.memory_space<hbm>>, %arg3: memref<2x10240xf32, #tpu.memory_space<hbm>>, %arg4: memref<320000xi32, #tpu.memory_space<hbm>>, %arg5: memref<320000xi32, #tpu.memory_space<hbm>>, %arg6: memref<640x16xf32, #tpu.memory_space<hbm>>, %arg7: memref<2x10240x16xf32, #tpu.memory_space<hbm>>, %arg8: memref<1280x128xf32, #tpu.memory_space<hbm>>, %arg9: memref<10000xi32, #tpu.memory_space<vmem>>, %arg10: memref<10000xi32, #tpu.memory_space<vmem>>, %arg11: memref<2000x16xf32, #tpu.memory_space<vmem>>, %arg12: memref<2000x16xf32, #tpu.memory_space<vmem>>, %arg13: memref<640x16xf32, #tpu.memory_space<vmem>>, %arg14: memref<80x128xf32, #tpu.memory_space<vmem>>, %arg15: memref<2x640xf32, #tpu.memory_space<vmem>>, %arg16: memref<16xf32, #tpu.memory_space<vmem>>, %arg17: memref<10240x16xf32, #tpu.memory_space<vmem_shared>>, %arg18: memref<10240x16xf32, #tpu.memory_space<vmem_shared>>, %arg19: memref<!tpu.dma_semaphore, #tpu.memory_space<semaphore_mem>>, %arg20: memref<!tpu.dma_semaphore, #tpu.memory_space<semaphore_mem>>, %arg21: memref<!tpu.dma_semaphore, #tpu.memory_space<semaphore_mem>>, %arg22: memref<!tpu.dma_semaphore, #tpu.memory_space<semaphore_mem>>) attributes {dimension_semantics = [#tpu.dimension_semantics<core_parallel>, #tpu.dimension_semantics<subcore_parallel>], iteration_bounds = array<i64: 2, 16>, scalar_prefetch = 0 : i64, scratch_operands = 14 : i64, tpu.core_type = #tpu.core_type<sc_vector_subcore>, window_params = [{transform_indices = #map}, {transform_indices = #map}, {transform_indices = #map1}, {transform_indices = #map1}, {transform_indices = #map}, {transform_indices = #map2}, {transform_indices = #map}]} {
    %mul3A = arith.constant 16 : i32
    %mul3A_0 = arith.muli %arg0, %mul3A : i32
    %add3A = arith.addi %mul3A_0, %arg1 : i32
    %mul3A_1 = arith.constant 10000 : i32
    %mul3A_2 = arith.muli %add3A, %mul3A_1 : i32
    "tpu.region"() ({
      %run_scoped3A_131 = tpu.sem_alloc : memref<!tpu.dma_semaphore, #tpu.memory_space<semaphore_mem>>
      %dma_start3A_132 = tpu.memref_slice %arg4[%mul3A_2] : memref<320000xi32, #tpu.memory_space<hbm>> -> memref<10000xi32, #tpu.memory_space<hbm>>
      %dma_start3A_133 = tpu.memref_slice %arg4[%mul3A_2] : memref<320000xi32, #tpu.memory_space<hbm>> -> memref<10000xi32, #tpu.memory_space<hbm>>
      tpu.enqueue_dma source(%dma_start3A_133 : memref<10000xi32, #tpu.memory_space<hbm>>) target(%arg9 : memref<10000xi32, #tpu.memory_space<vmem>>) target_semaphore(%run_scoped3A_131 : memref<!tpu.dma_semaphore, #tpu.memory_space<semaphore_mem>>)
      %dma_wait3A_134 = tpu.memref_slice %arg4[%mul3A_2] : memref<320000xi32, #tpu.memory_space<hbm>> -> memref<10000xi32, #tpu.memory_space<hbm>>
      %dma_wait3A_135 = tpu.memref_slice %arg4[%mul3A_2] : memref<320000xi32, #tpu.memory_space<hbm>> -> memref<10000xi32, #tpu.memory_space<hbm>>
      tpu.wait_dma2 semaphore(%run_scoped3A_131 : memref<!tpu.dma_semaphore, #tpu.memory_space<semaphore_mem>>) src(%dma_wait3A_135 : memref<10000xi32, #tpu.memory_space<hbm>>) dst(%arg9 : memref<10000xi32, #tpu.memory_space<vmem>>)
      tpu.yield
    }) : () -> ()
    %mul3A_3 = arith.constant 10000 : i32
    %mul3A_4 = arith.muli %add3A, %mul3A_3 : i32
    "tpu.region"() ({
      %run_scoped3A_131 = tpu.sem_alloc : memref<!tpu.dma_semaphore, #tpu.memory_space<semaphore_mem>>
      %dma_start3A_132 = tpu.memref_slice %arg5[%mul3A_4] : memref<320000xi32, #tpu.memory_space<hbm>> -> memref<10000xi32, #tpu.memory_space<hbm>>
      %dma_start3A_133 = tpu.memref_slice %arg5[%mul3A_4] : memref<320000xi32, #tpu.memory_space<hbm>> -> memref<10000xi32, #tpu.memory_space<hbm>>
      tpu.enqueue_dma source(%dma_start3A_133 : memref<10000xi32, #tpu.memory_space<hbm>>) target(%arg10 : memref<10000xi32, #tpu.memory_space<vmem>>) target_semaphore(%run_scoped3A_131 : memref<!tpu.dma_semaphore, #tpu.memory_space<semaphore_mem>>)
      %dma_wait3A_134 = tpu.memref_slice %arg5[%mul3A_4] : memref<320000xi32, #tpu.memory_space<hbm>> -> memref<10000xi32, #tpu.memory_space<hbm>>
      %dma_wait3A_135 = tpu.memref_slice %arg5[%mul3A_4] : memref<320000xi32, #tpu.memory_space<hbm>> -> memref<10000xi32, #tpu.memory_space<hbm>>
      tpu.wait_dma2 semaphore(%run_scoped3A_131 : memref<!tpu.dma_semaphore, #tpu.memory_space<semaphore_mem>>) src(%dma_wait3A_135 : memref<10000xi32, #tpu.memory_space<hbm>>) dst(%arg10 : memref<10000xi32, #tpu.memory_space<vmem>>)
      tpu.yield
    }) : () -> ()
    %mul3A_5 = arith.constant 640 : i32
    %mul3A_6 = arith.muli %arg1, %mul3A_5 : i32
    "tpu.region"() ({
      %run_scoped3A_131 = tpu.sem_alloc : memref<!tpu.dma_semaphore, #tpu.memory_space<semaphore_mem>>
      %dma_start3A_132 = arith.constant 0 : i32
      %dma_start3A_133 = tpu.memref_slice %arg2[%mul3A_6, %dma_start3A_132] : memref<10240x16xf32, #tpu.memory_space<hbm>> -> memref<640x16xf32, #tpu.memory_space<hbm>>
      %dma_start3A_134 = arith.constant 0 : i32
      %dma_start3A_135 = tpu.memref_slice %arg2[%mul3A_6, %dma_start3A_134] : memref<10240x16xf32, #tpu.memory_space<hbm>> -> memref<640x16xf32, #tpu.memory_space<hbm>>
      tpu.enqueue_dma source(%dma_start3A_135 : memref<640x16xf32, #tpu.memory_space<hbm>>) target(%arg13 : memref<640x16xf32, #tpu.memory_space<vmem>>) target_semaphore(%run_scoped3A_131 : memref<!tpu.dma_semaphore, #tpu.memory_space<semaphore_mem>>)
      %dma_wait3A_136 = arith.constant 0 : i32
      %dma_wait3A_137 = tpu.memref_slice %arg2[%mul3A_6, %dma_wait3A_136] : memref<10240x16xf32, #tpu.memory_space<hbm>> -> memref<640x16xf32, #tpu.memory_space<hbm>>
      %dma_wait3A_138 = arith.constant 0 : i32
      %dma_wait3A_139 = tpu.memref_slice %arg2[%mul3A_6, %dma_wait3A_138] : memref<10240x16xf32, #tpu.memory_space<hbm>> -> memref<640x16xf32, #tpu.memory_space<hbm>>
      tpu.wait_dma2 semaphore(%run_scoped3A_131 : memref<!tpu.dma_semaphore, #tpu.memory_space<semaphore_mem>>) src(%dma_wait3A_139 : memref<640x16xf32, #tpu.memory_space<hbm>>) dst(%arg13 : memref<640x16xf32, #tpu.memory_space<vmem>>)
      tpu.yield
    }) : () -> ()
    %mul3A_7 = arith.constant 640 : i32
    %mul3A_8 = arith.muli %arg1, %mul3A_7 : i32
    %run_scoped3A = arith.constant 0 : i32
    %run_scoped3A_9 = arith.constant 0 : i32
    "tpu.region"() ({
      %run_scoped3A_131 = tpu.sem_alloc : memref<!tpu.dma_semaphore, #tpu.memory_space<semaphore_mem>>
      %dma_start3A_132 = arith.constant 0 : i32
      %dma_start3A_133 = tpu.memref_slice %arg15[%run_scoped3A_9, %dma_start3A_132] : memref<2x640xf32, #tpu.memory_space<vmem>> -> memref<1x640xf32, #tpu.memory_space<vmem>>
      %dma_start3A_134 = tpu.memref_squeeze %dma_start3A_133 : memref<1x640xf32, #tpu.memory_space<vmem>> -> memref<640xf32, #tpu.memory_space<vmem>>
      %dma_start3A_135 = tpu.memref_slice %arg3[%run_scoped3A, %mul3A_8] : memref<2x10240xf32, #tpu.memory_space<hbm>> -> memref<1x640xf32, #tpu.memory_space<hbm>>
      %dma_start3A_136 = tpu.memref_squeeze %dma_start3A_135 : memref<1x640xf32, #tpu.memory_space<hbm>> -> memref<640xf32, #tpu.memory_space<hbm>>
      %dma_start3A_137 = arith.constant 0 : i32
      %dma_start3A_138 = tpu.memref_slice %arg15[%run_scoped3A_9, %dma_start3A_137] : memref<2x640xf32, #tpu.memory_space<vmem>> -> memref<1x640xf32, #tpu.memory_space<vmem>>
      %dma_start3A_139 = tpu.memref_squeeze %dma_start3A_138 : memref<1x640xf32, #tpu.memory_space<vmem>> -> memref<640xf32, #tpu.memory_space<vmem>>
      %dma_start3A_140 = tpu.memref_slice %arg3[%run_scoped3A, %mul3A_8] : memref<2x10240xf32, #tpu.memory_space<hbm>> -> memref<1x640xf32, #tpu.memory_space<hbm>>
      %dma_start3A_141 = tpu.memref_squeeze %dma_start3A_140 : memref<1x640xf32, #tpu.memory_space<hbm>> -> memref<640xf32, #tpu.memory_space<hbm>>
      tpu.enqueue_dma source(%dma_start3A_141 : memref<640xf32, #tpu.memory_space<hbm>>) target(%dma_start3A_139 : memref<640xf32, #tpu.memory_space<vmem>>) target_semaphore(%run_scoped3A_131 : memref<!tpu.dma_semaphore, #tpu.memory_space<semaphore_mem>>)
      %dma_wait3A_142 = arith.constant 0 : i32
      %dma_wait3A_143 = tpu.memref_slice %arg15[%run_scoped3A_9, %dma_wait3A_142] : memref<2x640xf32, #tpu.memory_space<vmem>> -> memref<1x640xf32, #tpu.memory_space<vmem>>
      %dma_wait3A_144 = tpu.memref_squeeze %dma_wait3A_143 : memref<1x640xf32, #tpu.memory_space<vmem>> -> memref<640xf32, #tpu.memory_space<vmem>>
      %dma_wait3A_145 = tpu.memref_slice %arg3[%run_scoped3A, %mul3A_8] : memref<2x10240xf32, #tpu.memory_space<hbm>> -> memref<1x640xf32, #tpu.memory_space<hbm>>
      %dma_wait3A_146 = tpu.memref_squeeze %dma_wait3A_145 : memref<1x640xf32, #tpu.memory_space<hbm>> -> memref<640xf32, #tpu.memory_space<hbm>>
      %dma_wait3A_147 = arith.constant 0 : i32
      %dma_wait3A_148 = tpu.memref_slice %arg15[%run_scoped3A_9, %dma_wait3A_147] : memref<2x640xf32, #tpu.memory_space<vmem>> -> memref<1x640xf32, #tpu.memory_space<vmem>>
      %dma_wait3A_149 = tpu.memref_squeeze %dma_wait3A_148 : memref<1x640xf32, #tpu.memory_space<vmem>> -> memref<640xf32, #tpu.memory_space<vmem>>
      %dma_wait3A_150 = tpu.memref_slice %arg3[%run_scoped3A, %mul3A_8] : memref<2x10240xf32, #tpu.memory_space<hbm>> -> memref<1x640xf32, #tpu.memory_space<hbm>>
      %dma_wait3A_151 = tpu.memref_squeeze %dma_wait3A_150 : memref<1x640xf32, #tpu.memory_space<hbm>> -> memref<640xf32, #tpu.memory_space<hbm>>
      tpu.wait_dma2 semaphore(%run_scoped3A_131 : memref<!tpu.dma_semaphore, #tpu.memory_space<semaphore_mem>>) src(%dma_wait3A_151 : memref<640xf32, #tpu.memory_space<hbm>>) dst(%dma_wait3A_149 : memref<640xf32, #tpu.memory_space<vmem>>)
      tpu.yield
    }) : () -> ()
    %mul3A_10 = arith.constant 640 : i32
    %mul3A_11 = arith.muli %arg1, %mul3A_10 : i32
    %run_scoped3A_12 = arith.constant 1 : i32
    %run_scoped3A_13 = arith.constant 1 : i32
    "tpu.region"() ({
      %run_scoped3A_131 = tpu.sem_alloc : memref<!tpu.dma_semaphore, #tpu.memory_space<semaphore_mem>>
      %dma_start3A_132 = arith.constant 0 : i32
      %dma_start3A_133 = tpu.memref_slice %arg15[%run_scoped3A_13, %dma_start3A_132] : memref<2x640xf32, #tpu.memory_space<vmem>> -> memref<1x640xf32, #tpu.memory_space<vmem>>
      %dma_start3A_134 = tpu.memref_squeeze %dma_start3A_133 : memref<1x640xf32, #tpu.memory_space<vmem>> -> memref<640xf32, #tpu.memory_space<vmem>>
      %dma_start3A_135 = tpu.memref_slice %arg3[%run_scoped3A_12, %mul3A_11] : memref<2x10240xf32, #tpu.memory_space<hbm>> -> memref<1x640xf32, #tpu.memory_space<hbm>>
      %dma_start3A_136 = tpu.memref_squeeze %dma_start3A_135 : memref<1x640xf32, #tpu.memory_space<hbm>> -> memref<640xf32, #tpu.memory_space<hbm>>
      %dma_start3A_137 = arith.constant 0 : i32
      %dma_start3A_138 = tpu.memref_slice %arg15[%run_scoped3A_13, %dma_start3A_137] : memref<2x640xf32, #tpu.memory_space<vmem>> -> memref<1x640xf32, #tpu.memory_space<vmem>>
      %dma_start3A_139 = tpu.memref_squeeze %dma_start3A_138 : memref<1x640xf32, #tpu.memory_space<vmem>> -> memref<640xf32, #tpu.memory_space<vmem>>
      %dma_start3A_140 = tpu.memref_slice %arg3[%run_scoped3A_12, %mul3A_11] : memref<2x10240xf32, #tpu.memory_space<hbm>> -> memref<1x640xf32, #tpu.memory_space<hbm>>
      %dma_start3A_141 = tpu.memref_squeeze %dma_start3A_140 : memref<1x640xf32, #tpu.memory_space<hbm>> -> memref<640xf32, #tpu.memory_space<hbm>>
      tpu.enqueue_dma source(%dma_start3A_141 : memref<640xf32, #tpu.memory_space<hbm>>) target(%dma_start3A_139 : memref<640xf32, #tpu.memory_space<vmem>>) target_semaphore(%run_scoped3A_131 : memref<!tpu.dma_semaphore, #tpu.memory_space<semaphore_mem>>)
      %dma_wait3A_142 = arith.constant 0 : i32
      %dma_wait3A_143 = tpu.memref_slice %arg15[%run_scoped3A_13, %dma_wait3A_142] : memref<2x640xf32, #tpu.memory_space<vmem>> -> memref<1x640xf32, #tpu.memory_space<vmem>>
      %dma_wait3A_144 = tpu.memref_squeeze %dma_wait3A_143 : memref<1x640xf32, #tpu.memory_space<vmem>> -> memref<640xf32, #tpu.memory_space<vmem>>
      %dma_wait3A_145 = tpu.memref_slice %arg3[%run_scoped3A_12, %mul3A_11] : memref<2x10240xf32, #tpu.memory_space<hbm>> -> memref<1x640xf32, #tpu.memory_space<hbm>>
      %dma_wait3A_146 = tpu.memref_squeeze %dma_wait3A_145 : memref<1x640xf32, #tpu.memory_space<hbm>> -> memref<640xf32, #tpu.memory_space<hbm>>
      %dma_wait3A_147 = arith.constant 0 : i32
      %dma_wait3A_148 = tpu.memref_slice %arg15[%run_scoped3A_13, %dma_wait3A_147] : memref<2x640xf32, #tpu.memory_space<vmem>> -> memref<1x640xf32, #tpu.memory_space<vmem>>
      %dma_wait3A_149 = tpu.memref_squeeze %dma_wait3A_148 : memref<1x640xf32, #tpu.memory_space<vmem>> -> memref<640xf32, #tpu.memory_space<vmem>>
      %dma_wait3A_150 = tpu.memref_slice %arg3[%run_scoped3A_12, %mul3A_11] : memref<2x10240xf32, #tpu.memory_space<hbm>> -> memref<1x640xf32, #tpu.memory_space<hbm>>
      %dma_wait3A_151 = tpu.memref_squeeze %dma_wait3A_150 : memref<1x640xf32, #tpu.memory_space<hbm>> -> memref<640xf32, #tpu.memory_space<hbm>>
      tpu.wait_dma2 semaphore(%run_scoped3A_131 : memref<!tpu.dma_semaphore, #tpu.memory_space<semaphore_mem>>) src(%dma_wait3A_151 : memref<640xf32, #tpu.memory_space<hbm>>) dst(%dma_wait3A_149 : memref<640xf32, #tpu.memory_space<vmem>>)
      tpu.yield
    }) : () -> ()
    %scan3A = arith.constant 0 : i32
    %scan3A_14 = arith.constant 40 : i32
    %scan3A_15 = arith.addi %scan3A, %scan3A_14 : i32
    %scan3A_16 = arith.constant 1 : i32
    scf.for %scan3A_131 = %scan3A to %scan3A_15 step %scan3A_16  : i32 {
      %broadcast_in_dim3A = arith.constant 1.000000e+00 : f32
      %broadcast_in_dim3A_132 = vector.broadcast %broadcast_in_dim3A : f32 to vector<16xf32>
      %mul3A_133 = arith.constant 16 : i32
      %mul3A_134 = arith.muli %scan3A_131, %mul3A_133 : i32
      %get3A = arith.constant 0 : i32
      %get3A_135 = arith.index_cast %get3A : i32 to index
      %get3A_136 = arith.index_cast %mul3A_134 : i32 to index
      %get3A_137 = tpu.vector_load %arg15[%get3A_135, %get3A_136] {strides = array<i32>} : memref<2x640xf32, #tpu.memory_space<vmem>>, vector<16xf32>,
      %add3A_138 = arith.addf %broadcast_in_dim3A_132, %get3A_137 : vector<16xf32>
      %mul3A_139 = arith.constant 16 : i32
      %mul3A_140 = arith.muli %scan3A_131, %mul3A_139 : i32
      %get3A_141 = arith.constant 1 : i32
      %get3A_142 = arith.index_cast %get3A_141 : i32 to index
      %get3A_143 = arith.index_cast %mul3A_140 : i32 to index
      %get3A_144 = tpu.vector_load %arg15[%get3A_142, %get3A_143] {strides = array<i32>} : memref<2x640xf32, #tpu.memory_space<vmem>>, vector<16xf32>,
      %add3A_145 = arith.addf %add3A_138, %get3A_144 : vector<16xf32>
      %bitcast3A = vector.bitcast %add3A_145 : vector<16xf32> to vector<16xi32>
      %shift_right_arithmetic3A = arith.constant 1 : i32
      %shift_right_arithmetic3A_146 = vector.broadcast %shift_right_arithmetic3A : i32 to vector<16xi32>
      %shift_right_arithmetic3A_147 = arith.shrsi %bitcast3A, %shift_right_arithmetic3A_146 : vector<16xi32>
      %sub3A = arith.constant 1597463007 : i32
      %sub3A_148 = vector.broadcast %sub3A : i32 to vector<16xi32>
      %sub3A_149 = arith.subi %sub3A_148, %shift_right_arithmetic3A_147 : vector<16xi32>
      %bitcast3A_150 = vector.bitcast %sub3A_149 : vector<16xi32> to vector<16xf32>
      %mul3A_151 = arith.constant 5.000000e-01 : f32
      %mul3A_152 = vector.broadcast %mul3A_151 : f32 to vector<16xf32>
      %mul3A_153 = arith.mulf %mul3A_152, %add3A_145 : vector<16xf32>
      %mul3A_154 = arith.mulf %mul3A_153, %bitcast3A_150 : vector<16xf32>
      %mul3A_155 = arith.mulf %mul3A_154, %bitcast3A_150 : vector<16xf32>
      %sub3A_156 = arith.constant 1.500000e+00 : f32
      %sub3A_157 = vector.broadcast %sub3A_156 : f32 to vector<16xf32>
      %sub3A_158 = arith.subf %sub3A_157, %mul3A_155 : vector<16xf32>
      %mul3A_159 = arith.mulf %bitcast3A_150, %sub3A_158 : vector<16xf32>
      %mul3A_160 = arith.constant 5.000000e-01 : f32
      %mul3A_161 = vector.broadcast %mul3A_160 : f32 to vector<16xf32>
      %mul3A_162 = arith.mulf %mul3A_161, %add3A_145 : vector<16xf32>
      %mul3A_163 = arith.mulf %mul3A_162, %mul3A_159 : vector<16xf32>
      %mul3A_164 = arith.mulf %mul3A_163, %mul3A_159 : vector<16xf32>
      %sub3A_165 = arith.constant 1.500000e+00 : f32
      %sub3A_166 = vector.broadcast %sub3A_165 : f32 to vector<16xf32>
      %sub3A_167 = arith.subf %sub3A_166, %mul3A_164 : vector<16xf32>
      %mul3A_168 = arith.mulf %mul3A_159, %sub3A_167 : vector<16xf32>
      %mul3A_169 = arith.constant 5.000000e-01 : f32
      %mul3A_170 = vector.broadcast %mul3A_169 : f32 to vector<16xf32>
      %mul3A_171 = arith.mulf %mul3A_170, %add3A_145 : vector<16xf32>
      %mul3A_172 = arith.mulf %mul3A_171, %mul3A_168 : vector<16xf32>
      %mul3A_173 = arith.mulf %mul3A_172, %mul3A_168 : vector<16xf32>
      %sub3A_174 = arith.constant 1.500000e+00 : f32
      %sub3A_175 = vector.broadcast %sub3A_174 : f32 to vector<16xf32>
      %sub3A_176 = arith.subf %sub3A_175, %mul3A_173 : vector<16xf32>
      %mul3A_177 = arith.mulf %mul3A_168, %sub3A_176 : vector<16xf32>
      %swap3A = arith.constant 0 : index
      %swap3A_178 = tpu.vector_load %arg16[%swap3A] {strides = array<i32>} : memref<16xf32, #tpu.memory_space<vmem>>, vector<16xf32>,
      tpu.vector_store %arg16[%swap3A], %mul3A_177 {strides = array<i32>} : memref<16xf32, #tpu.memory_space<vmem>>, vector<16xf32>,
      %broadcast_in_dim3A_179 = arith.constant 0 : i32
      %broadcast_in_dim3A_180 = vector.broadcast %broadcast_in_dim3A_179 : i32 to vector<16xi32>
      %gather3A = tpu.vector_load_idx %arg16[%broadcast_in_dim3A_180] : memref<16xf32, #tpu.memory_space<vmem>>[vector<16xi32>], vector<16xf32>,
      %mul3A_181 = arith.constant 2 : i32
      %mul3A_182 = arith.muli %mul3A_181, %scan3A_131 : i32
      %add3A_183 = arith.constant 0 : i32
      %add3A_184 = arith.addi %mul3A_182, %add3A_183 : i32
      %swap3A_185 = arith.index_cast %add3A_184 : i32 to index
      %swap3A_186 = arith.constant 0 : index
      %swap3A_187 = tpu.vector_load %arg14[%swap3A_185, %swap3A_186] {strides = array<i32>} : memref<80x128xf32, #tpu.memory_space<vmem>>, vector<16xf32>,
      tpu.vector_store %arg14[%swap3A_185, %swap3A_186], %gather3A {strides = array<i32>} : memref<80x128xf32, #tpu.memory_space<vmem>>, vector<16xf32>,
      %mul3A_188 = arith.constant 16 : i32
      %mul3A_189 = arith.muli %scan3A_131, %mul3A_188 : i32
      %add3A_190 = arith.constant 0 : i32
      %add3A_191 = arith.addi %mul3A_189, %add3A_190 : i32
      %get3A_192 = arith.index_cast %add3A_191 : i32 to index
      %get3A_193 = arith.constant 0 : index
      %get3A_194 = tpu.vector_load %arg13[%get3A_192, %get3A_193] {strides = array<i32>} : memref<640x16xf32, #tpu.memory_space<vmem>>, vector<16xf32>,
      %mul3A_195 = arith.mulf %get3A_194, %gather3A : vector<16xf32>
      %swap3A_196 = arith.index_cast %add3A_191 : i32 to index
      %swap3A_197 = arith.constant 0 : index
      %swap3A_198 = tpu.vector_load %arg13[%swap3A_196, %swap3A_197] {strides = array<i32>} : memref<640x16xf32, #tpu.memory_space<vmem>>, vector<16xf32>,
      tpu.vector_store %arg13[%swap3A_196, %swap3A_197], %mul3A_195 {strides = array<i32>} : memref<640x16xf32, #tpu.memory_space<vmem>>, vector<16xf32>,
      %broadcast_in_dim3A_199 = arith.constant 1 : i32
      %broadcast_in_dim3A_200 = vector.broadcast %broadcast_in_dim3A_199 : i32 to vector<16xi32>
      %gather3A_201 = tpu.vector_load_idx %arg16[%broadcast_in_dim3A_200] : memref<16xf32, #tpu.memory_space<vmem>>[vector<16xi32>], vector<16xf32>,
      %mul3A_202 = arith.constant 2 : i32
      %mul3A_203 = arith.muli %mul3A_202, %scan3A_131 : i32
      %add3A_204 = arith.constant 0 : i32
      %add3A_205 = arith.addi %mul3A_203, %add3A_204 : i32
      %swap3A_206 = arith.index_cast %add3A_205 : i32 to index
      %swap3A_207 = arith.constant 16 : index
      %swap3A_208 = tpu.vector_load %arg14[%swap3A_206, %swap3A_207] {strides = array<i32>} : memref<80x128xf32, #tpu.memory_space<vmem>>, vector<16xf32>,
      tpu.vector_store %arg14[%swap3A_206, %swap3A_207], %gather3A_201 {strides = array<i32>} : memref<80x128xf32, #tpu.memory_space<vmem>>, vector<16xf32>,
      %mul3A_209 = arith.constant 16 : i32
      %mul3A_210 = arith.muli %scan3A_131, %mul3A_209 : i32
      %add3A_211 = arith.constant 1 : i32
      %add3A_212 = arith.addi %mul3A_210, %add3A_211 : i32
      %get3A_213 = arith.index_cast %add3A_212 : i32 to index
      %get3A_214 = arith.constant 0 : index
      %get3A_215 = tpu.vector_load %arg13[%get3A_213, %get3A_214] {strides = array<i32>} : memref<640x16xf32, #tpu.memory_space<vmem>>, vector<16xf32>,
      %mul3A_216 = arith.mulf %get3A_215, %gather3A_201 : vector<16xf32>
      %swap3A_217 = arith.index_cast %add3A_212 : i32 to index
      %swap3A_218 = arith.constant 0 : index
      %swap3A_219 = tpu.vector_load %arg13[%swap3A_217, %swap3A_218] {strides = array<i32>} : memref<640x16xf32, #tpu.memory_space<vmem>>, vector<16xf32>,
      tpu.vector_store %arg13[%swap3A_217, %swap3A_218], %mul3A_216 {strides = array<i32>} : memref<640x16xf32, #tpu.memory_space<vmem>>, vector<16xf32>,
      %broadcast_in_dim3A_220 = arith.constant 2 : i32
      %broadcast_in_dim3A_221 = vector.broadcast %broadcast_in_dim3A_220 : i32 to vector<16xi32>
      %gather3A_222 = tpu.vector_load_idx %arg16[%broadcast_in_dim3A_221] : memref<16xf32, #tpu.memory_space<vmem>>[vector<16xi32>], vector<16xf32>,
      %mul3A_223 = arith.constant 2 : i32
      %mul3A_224 = arith.muli %mul3A_223, %scan3A_131 : i32
      %add3A_225 = arith.constant 0 : i32
      %add3A_226 = arith.addi %mul3A_224, %add3A_225 : i32
      %swap3A_227 = arith.index_cast %add3A_226 : i32 to index
      %swap3A_228 = arith.constant 32 : index
      %swap3A_229 = tpu.vector_load %arg14[%swap3A_227, %swap3A_228] {strides = array<i32>} : memref<80x128xf32, #tpu.memory_space<vmem>>, vector<16xf32>,
      tpu.vector_store %arg14[%swap3A_227, %swap3A_228], %gather3A_222 {strides = array<i32>} : memref<80x128xf32, #tpu.memory_space<vmem>>, vector<16xf32>,
      %mul3A_230 = arith.constant 16 : i32
      %mul3A_231 = arith.muli %scan3A_131, %mul3A_230 : i32
      %add3A_232 = arith.constant 2 : i32
      %add3A_233 = arith.addi %mul3A_231, %add3A_232 : i32
      %get3A_234 = arith.index_cast %add3A_233 : i32 to index
      %get3A_235 = arith.constant 0 : index
      %get3A_236 = tpu.vector_load %arg13[%get3A_234, %get3A_235] {strides = array<i32>} : memref<640x16xf32, #tpu.memory_space<vmem>>, vector<16xf32>,
      %mul3A_237 = arith.mulf %get3A_236, %gather3A_222 : vector<16xf32>
      %swap3A_238 = arith.index_cast %add3A_233 : i32 to index
      %swap3A_239 = arith.constant 0 : index
      %swap3A_240 = tpu.vector_load %arg13[%swap3A_238, %swap3A_239] {strides = array<i32>} : memref<640x16xf32, #tpu.memory_space<vmem>>, vector<16xf32>,
      tpu.vector_store %arg13[%swap3A_238, %swap3A_239], %mul3A_237 {strides = array<i32>} : memref<640x16xf32, #tpu.memory_space<vmem>>, vector<16xf32>,
      %broadcast_in_dim3A_241 = arith.constant 3 : i32
      %broadcast_in_dim3A_242 = vector.broadcast %broadcast_in_dim3A_241 : i32 to vector<16xi32>
      %gather3A_243 = tpu.vector_load_idx %arg16[%broadcast_in_dim3A_242] : memref<16xf32, #tpu.memory_space<vmem>>[vector<16xi32>], vector<16xf32>,
      %mul3A_244 = arith.constant 2 : i32
      %mul3A_245 = arith.muli %mul3A_244, %scan3A_131 : i32
      %add3A_246 = arith.constant 0 : i32
      %add3A_247 = arith.addi %mul3A_245, %add3A_246 : i32
      %swap3A_248 = arith.index_cast %add3A_247 : i32 to index
      %swap3A_249 = arith.constant 48 : index
      %swap3A_250 = tpu.vector_load %arg14[%swap3A_248, %swap3A_249] {strides = array<i32>} : memref<80x128xf32, #tpu.memory_space<vmem>>, vector<16xf32>,
      tpu.vector_store %arg14[%swap3A_248, %swap3A_249], %gather3A_243 {strides = array<i32>} : memref<80x128xf32, #tpu.memory_space<vmem>>, vector<16xf32>,
      %mul3A_251 = arith.constant 16 : i32
      %mul3A_252 = arith.muli %scan3A_131, %mul3A_251 : i32
      %add3A_253 = arith.constant 3 : i32
      %add3A_254 = arith.addi %mul3A_252, %add3A_253 : i32
      %get3A_255 = arith.index_cast %add3A_254 : i32 to index
      %get3A_256 = arith.constant 0 : index
      %get3A_257 = tpu.vector_load %arg13[%get3A_255, %get3A_256] {strides = array<i32>} : memref<640x16xf32, #tpu.memory_space<vmem>>, vector<16xf32>,
      %mul3A_258 = arith.mulf %get3A_257, %gather3A_243 : vector<16xf32>
      %swap3A_259 = arith.index_cast %add3A_254 : i32 to index
      %swap3A_260 = arith.constant 0 : index
      %swap3A_261 = tpu.vector_load %arg13[%swap3A_259, %swap3A_260] {strides = array<i32>} : memref<640x16xf32, #tpu.memory_space<vmem>>, vector<16xf32>,
      tpu.vector_store %arg13[%swap3A_259, %swap3A_260], %mul3A_258 {strides = array<i32>} : memref<640x16xf32, #tpu.memory_space<vmem>>, vector<16xf32>,
      %broadcast_in_dim3A_262 = arith.constant 4 : i32
      %broadcast_in_dim3A_263 = vector.broadcast %broadcast_in_dim3A_262 : i32 to vector<16xi32>
      %gather3A_264 = tpu.vector_load_idx %arg16[%broadcast_in_dim3A_263] : memref<16xf32, #tpu.memory_space<vmem>>[vector<16xi32>], vector<16xf32>,
      %mul3A_265 = arith.constant 2 : i32
      %mul3A_266 = arith.muli %mul3A_265, %scan3A_131 : i32
      %add3A_267 = arith.constant 0 : i32
      %add3A_268 = arith.addi %mul3A_266, %add3A_267 : i32
      %swap3A_269 = arith.index_cast %add3A_268 : i32 to index
      %swap3A_270 = arith.constant 64 : index
      %swap3A_271 = tpu.vector_load %arg14[%swap3A_269, %swap3A_270] {strides = array<i32>} : memref<80x128xf32, #tpu.memory_space<vmem>>, vector<16xf32>,
      tpu.vector_store %arg14[%swap3A_269, %swap3A_270], %gather3A_264 {strides = array<i32>} : memref<80x128xf32, #tpu.memory_space<vmem>>, vector<16xf32>,
      %mul3A_272 = arith.constant 16 : i32
      %mul3A_273 = arith.muli %scan3A_131, %mul3A_272 : i32
      %add3A_274 = arith.constant 4 : i32
      %add3A_275 = arith.addi %mul3A_273, %add3A_274 : i32
      %get3A_276 = arith.index_cast %add3A_275 : i32 to index
      %get3A_277 = arith.constant 0 : index
      %get3A_278 = tpu.vector_load %arg13[%get3A_276, %get3A_277] {strides = array<i32>} : memref<640x16xf32, #tpu.memory_space<vmem>>, vector<16xf32>,
      %mul3A_279 = arith.mulf %get3A_278, %gather3A_264 : vector<16xf32>
      %swap3A_280 = arith.index_cast %add3A_275 : i32 to index
      %swap3A_281 = arith.constant 0 : index
      %swap3A_282 = tpu.vector_load %arg13[%swap3A_280, %swap3A_281] {strides = array<i32>} : memref<640x16xf32, #tpu.memory_space<vmem>>, vector<16xf32>,
      tpu.vector_store %arg13[%swap3A_280, %swap3A_281], %mul3A_279 {strides = array<i32>} : memref<640x16xf32, #tpu.memory_space<vmem>>, vector<16xf32>,
      %broadcast_in_dim3A_283 = arith.constant 5 : i32
      %broadcast_in_dim3A_284 = vector.broadcast %broadcast_in_dim3A_283 : i32 to vector<16xi32>
      %gather3A_285 = tpu.vector_load_idx %arg16[%broadcast_in_dim3A_284] : memref<16xf32, #tpu.memory_space<vmem>>[vector<16xi32>], vector<16xf32>,
      %mul3A_286 = arith.constant 2 : i32
      %mul3A_287 = arith.muli %mul3A_286, %scan3A_131 : i32
      %add3A_288 = arith.constant 0 : i32
      %add3A_289 = arith.addi %mul3A_287, %add3A_288 : i32
      %swap3A_290 = arith.index_cast %add3A_289 : i32 to index
      %swap3A_291 = arith.constant 80 : index
      %swap3A_292 = tpu.vector_load %arg14[%swap3A_290, %swap3A_291] {strides = array<i32>} : memref<80x128xf32, #tpu.memory_space<vmem>>, vector<16xf32>,
      tpu.vector_store %arg14[%swap3A_290, %swap3A_291], %gather3A_285 {strides = array<i32>} : memref<80x128xf32, #tpu.memory_space<vmem>>, vector<16xf32>,
      %mul3A_293 = arith.constant 16 : i32
      %mul3A_294 = arith.muli %scan3A_131, %mul3A_293 : i32
      %add3A_295 = arith.constant 5 : i32
      %add3A_296 = arith.addi %mul3A_294, %add3A_295 : i32
      %get3A_297 = arith.index_cast %add3A_296 : i32 to index
      %get3A_298 = arith.constant 0 : index
      %get3A_299 = tpu.vector_load %arg13[%get3A_297, %get3A_298] {strides = array<i32>} : memref<640x16xf32, #tpu.memory_space<vmem>>, vector<16xf32>,
      %mul3A_300 = arith.mulf %get3A_299, %gather3A_285 : vector<16xf32>
      %swap3A_301 = arith.index_cast %add3A_296 : i32 to index
      %swap3A_302 = arith.constant 0 : index
      %swap3A_303 = tpu.vector_load %arg13[%swap3A_301, %swap3A_302] {strides = array<i32>} : memref<640x16xf32, #tpu.memory_space<vmem>>, vector<16xf32>,
      tpu.vector_store %arg13[%swap3A_301, %swap3A_302], %mul3A_300 {strides = array<i32>} : memref<640x16xf32, #tpu.memory_space<vmem>>, vector<16xf32>,
      %broadcast_in_dim3A_304 = arith.constant 6 : i32
      %broadcast_in_dim3A_305 = vector.broadcast %broadcast_in_dim3A_304 : i32 to vector<16xi32>
      %gather3A_306 = tpu.vector_load_idx %arg16[%broadcast_in_dim3A_305] : memref<16xf32, #tpu.memory_space<vmem>>[vector<16xi32>], vector<16xf32>,
      %mul3A_307 = arith.constant 2 : i32
      %mul3A_308 = arith.muli %mul3A_307, %scan3A_131 : i32
      %add3A_309 = arith.constant 0 : i32
      %add3A_310 = arith.addi %mul3A_308, %add3A_309 : i32
      %swap3A_311 = arith.index_cast %add3A_310 : i32 to index
      %swap3A_312 = arith.constant 96 : index
      %swap3A_313 = tpu.vector_load %arg14[%swap3A_311, %swap3A_312] {strides = array<i32>} : memref<80x128xf32, #tpu.memory_space<vmem>>, vector<16xf32>,
      tpu.vector_store %arg14[%swap3A_311, %swap3A_312], %gather3A_306 {strides = array<i32>} : memref<80x128xf32, #tpu.memory_space<vmem>>, vector<16xf32>,
      %mul3A_314 = arith.constant 16 : i32
      %mul3A_315 = arith.muli %scan3A_131, %mul3A_314 : i32
      %add3A_316 = arith.constant 6 : i32
      %add3A_317 = arith.addi %mul3A_315, %add3A_316 : i32
      %get3A_318 = arith.index_cast %add3A_317 : i32 to index
      %get3A_319 = arith.constant 0 : index
      %get3A_320 = tpu.vector_load %arg13[%get3A_318, %get3A_319] {strides = array<i32>} : memref<640x16xf32, #tpu.memory_space<vmem>>, vector<16xf32>,
      %mul3A_321 = arith.mulf %get3A_320, %gather3A_306 : vector<16xf32>
      %swap3A_322 = arith.index_cast %add3A_317 : i32 to index
      %swap3A_323 = arith.constant 0 : index
      %swap3A_324 = tpu.vector_load %arg13[%swap3A_322, %swap3A_323] {strides = array<i32>} : memref<640x16xf32, #tpu.memory_space<vmem>>, vector<16xf32>,
      tpu.vector_store %arg13[%swap3A_322, %swap3A_323], %mul3A_321 {strides = array<i32>} : memref<640x16xf32, #tpu.memory_space<vmem>>, vector<16xf32>,
      %broadcast_in_dim3A_325 = arith.constant 7 : i32
      %broadcast_in_dim3A_326 = vector.broadcast %broadcast_in_dim3A_325 : i32 to vector<16xi32>
      %gather3A_327 = tpu.vector_load_idx %arg16[%broadcast_in_dim3A_326] : memref<16xf32, #tpu.memory_space<vmem>>[vector<16xi32>], vector<16xf32>,
      %mul3A_328 = arith.constant 2 : i32
      %mul3A_329 = arith.muli %mul3A_328, %scan3A_131 : i32
      %add3A_330 = arith.constant 0 : i32
      %add3A_331 = arith.addi %mul3A_329, %add3A_330 : i32
      %swap3A_332 = arith.index_cast %add3A_331 : i32 to index
      %swap3A_333 = arith.constant 112 : index
      %swap3A_334 = tpu.vector_load %arg14[%swap3A_332, %swap3A_333] {strides = array<i32>} : memref<80x128xf32, #tpu.memory_space<vmem>>, vector<16xf32>,
      tpu.vector_store %arg14[%swap3A_332, %swap3A_333], %gather3A_327 {strides = array<i32>} : memref<80x128xf32, #tpu.memory_space<vmem>>, vector<16xf32>,
      %mul3A_335 = arith.constant 16 : i32
      %mul3A_336 = arith.muli %scan3A_131, %mul3A_335 : i32
      %add3A_337 = arith.constant 7 : i32
      %add3A_338 = arith.addi %mul3A_336, %add3A_337 : i32
      %get3A_339 = arith.index_cast %add3A_338 : i32 to index
      %get3A_340 = arith.constant 0 : index
      %get3A_341 = tpu.vector_load %arg13[%get3A_339, %get3A_340] {strides = array<i32>} : memref<640x16xf32, #tpu.memory_space<vmem>>, vector<16xf32>,
      %mul3A_342 = arith.mulf %get3A_341, %gather3A_327 : vector<16xf32>
      %swap3A_343 = arith.index_cast %add3A_338 : i32 to index
      %swap3A_344 = arith.constant 0 : index
      %swap3A_345 = tpu.vector_load %arg13[%swap3A_343, %swap3A_344] {strides = array<i32>} : memref<640x16xf32, #tpu.memory_space<vmem>>, vector<16xf32>,
      tpu.vector_store %arg13[%swap3A_343, %swap3A_344], %mul3A_342 {strides = array<i32>} : memref<640x16xf32, #tpu.memory_space<vmem>>, vector<16xf32>,
      %broadcast_in_dim3A_346 = arith.constant 8 : i32
      %broadcast_in_dim3A_347 = vector.broadcast %broadcast_in_dim3A_346 : i32 to vector<16xi32>
      %gather3A_348 = tpu.vector_load_idx %arg16[%broadcast_in_dim3A_347] : memref<16xf32, #tpu.memory_space<vmem>>[vector<16xi32>], vector<16xf32>,
      %mul3A_349 = arith.constant 2 : i32
      %mul3A_350 = arith.muli %mul3A_349, %scan3A_131 : i32
      %add3A_351 = arith.constant 1 : i32
      %add3A_352 = arith.addi %mul3A_350, %add3A_351 : i32
      %swap3A_353 = arith.index_cast %add3A_352 : i32 to index
      %swap3A_354 = arith.constant 0 : index
      %swap3A_355 = tpu.vector_load %arg14[%swap3A_353, %swap3A_354] {strides = array<i32>} : memref<80x128xf32, #tpu.memory_space<vmem>>, vector<16xf32>,
      tpu.vector_store %arg14[%swap3A_353, %swap3A_354], %gather3A_348 {strides = array<i32>} : memref<80x128xf32, #tpu.memory_space<vmem>>, vector<16xf32>,
      %mul3A_356 = arith.constant 16 : i32
      %mul3A_357 = arith.muli %scan3A_131, %mul3A_356 : i32
      %add3A_358 = arith.constant 8 : i32
      %add3A_359 = arith.addi %mul3A_357, %add3A_358 : i32
      %get3A_360 = arith.index_cast %add3A_359 : i32 to index
      %get3A_361 = arith.constant 0 : index
      %get3A_362 = tpu.vector_load %arg13[%get3A_360, %get3A_361] {strides = array<i32>} : memref<640x16xf32, #tpu.memory_space<vmem>>, vector<16xf32>,
      %mul3A_363 = arith.mulf %get3A_362, %gather3A_348 : vector<16xf32>
      %swap3A_364 = arith.index_cast %add3A_359 : i32 to index
      %swap3A_365 = arith.constant 0 : index
      %swap3A_366 = tpu.vector_load %arg13[%swap3A_364, %swap3A_365] {strides = array<i32>} : memref<640x16xf32, #tpu.memory_space<vmem>>, vector<16xf32>,
      tpu.vector_store %arg13[%swap3A_364, %swap3A_365], %mul3A_363 {strides = array<i32>} : memref<640x16xf32, #tpu.memory_space<vmem>>, vector<16xf32>,
      %broadcast_in_dim3A_367 = arith.constant 9 : i32
      %broadcast_in_dim3A_368 = vector.broadcast %broadcast_in_dim3A_367 : i32 to vector<16xi32>
      %gather3A_369 = tpu.vector_load_idx %arg16[%broadcast_in_dim3A_368] : memref<16xf32, #tpu.memory_space<vmem>>[vector<16xi32>], vector<16xf32>,
      %mul3A_370 = arith.constant 2 : i32
      %mul3A_371 = arith.muli %mul3A_370, %scan3A_131 : i32
      %add3A_372 = arith.constant 1 : i32
      %add3A_373 = arith.addi %mul3A_371, %add3A_372 : i32
      %swap3A_374 = arith.index_cast %add3A_373 : i32 to index
      %swap3A_375 = arith.constant 16 : index
      %swap3A_376 = tpu.vector_load %arg14[%swap3A_374, %swap3A_375] {strides = array<i32>} : memref<80x128xf32, #tpu.memory_space<vmem>>, vector<16xf32>,
      tpu.vector_store %arg14[%swap3A_374, %swap3A_375], %gather3A_369 {strides = array<i32>} : memref<80x128xf32, #tpu.memory_space<vmem>>, vector<16xf32>,
      %mul3A_377 = arith.constant 16 : i32
      %mul3A_378 = arith.muli %scan3A_131, %mul3A_377 : i32
      %add3A_379 = arith.constant 9 : i32
      %add3A_380 = arith.addi %mul3A_378, %add3A_379 : i32
      %get3A_381 = arith.index_cast %add3A_380 : i32 to index
      %get3A_382 = arith.constant 0 : index
      %get3A_383 = tpu.vector_load %arg13[%get3A_381, %get3A_382] {strides = array<i32>} : memref<640x16xf32, #tpu.memory_space<vmem>>, vector<16xf32>,
      %mul3A_384 = arith.mulf %get3A_383, %gather3A_369 : vector<16xf32>
      %swap3A_385 = arith.index_cast %add3A_380 : i32 to index
      %swap3A_386 = arith.constant 0 : index
      %swap3A_387 = tpu.vector_load %arg13[%swap3A_385, %swap3A_386] {strides = array<i32>} : memref<640x16xf32, #tpu.memory_space<vmem>>, vector<16xf32>,
      tpu.vector_store %arg13[%swap3A_385, %swap3A_386], %mul3A_384 {strides = array<i32>} : memref<640x16xf32, #tpu.memory_space<vmem>>, vector<16xf32>,
      %broadcast_in_dim3A_388 = arith.constant 10 : i32
      %broadcast_in_dim3A_389 = vector.broadcast %broadcast_in_dim3A_388 : i32 to vector<16xi32>
      %gather3A_390 = tpu.vector_load_idx %arg16[%broadcast_in_dim3A_389] : memref<16xf32, #tpu.memory_space<vmem>>[vector<16xi32>], vector<16xf32>,
      %mul3A_391 = arith.constant 2 : i32
      %mul3A_392 = arith.muli %mul3A_391, %scan3A_131 : i32
      %add3A_393 = arith.constant 1 : i32
      %add3A_394 = arith.addi %mul3A_392, %add3A_393 : i32
      %swap3A_395 = arith.index_cast %add3A_394 : i32 to index
      %swap3A_396 = arith.constant 32 : index
      %swap3A_397 = tpu.vector_load %arg14[%swap3A_395, %swap3A_396] {strides = array<i32>} : memref<80x128xf32, #tpu.memory_space<vmem>>, vector<16xf32>,
      tpu.vector_store %arg14[%swap3A_395, %swap3A_396], %gather3A_390 {strides = array<i32>} : memref<80x128xf32, #tpu.memory_space<vmem>>, vector<16xf32>,
      %mul3A_398 = arith.constant 16 : i32
      %mul3A_399 = arith.muli %scan3A_131, %mul3A_398 : i32
      %add3A_400 = arith.constant 10 : i32
      %add3A_401 = arith.addi %mul3A_399, %add3A_400 : i32
      %get3A_402 = arith.index_cast %add3A_401 : i32 to index
      %get3A_403 = arith.constant 0 : index
      %get3A_404 = tpu.vector_load %arg13[%get3A_402, %get3A_403] {strides = array<i32>} : memref<640x16xf32, #tpu.memory_space<vmem>>, vector<16xf32>,
      %mul3A_405 = arith.mulf %get3A_404, %gather3A_390 : vector<16xf32>
      %swap3A_406 = arith.index_cast %add3A_401 : i32 to index
      %swap3A_407 = arith.constant 0 : index
      %swap3A_408 = tpu.vector_load %arg13[%swap3A_406, %swap3A_407] {strides = array<i32>} : memref<640x16xf32, #tpu.memory_space<vmem>>, vector<16xf32>,
      tpu.vector_store %arg13[%swap3A_406, %swap3A_407], %mul3A_405 {strides = array<i32>} : memref<640x16xf32, #tpu.memory_space<vmem>>, vector<16xf32>,
      %broadcast_in_dim3A_409 = arith.constant 11 : i32
      %broadcast_in_dim3A_410 = vector.broadcast %broadcast_in_dim3A_409 : i32 to vector<16xi32>
      %gather3A_411 = tpu.vector_load_idx %arg16[%broadcast_in_dim3A_410] : memref<16xf32, #tpu.memory_space<vmem>>[vector<16xi32>], vector<16xf32>,
      %mul3A_412 = arith.constant 2 : i32
      %mul3A_413 = arith.muli %mul3A_412, %scan3A_131 : i32
      %add3A_414 = arith.constant 1 : i32
      %add3A_415 = arith.addi %mul3A_413, %add3A_414 : i32
      %swap3A_416 = arith.index_cast %add3A_415 : i32 to index
      %swap3A_417 = arith.constant 48 : index
      %swap3A_418 = tpu.vector_load %arg14[%swap3A_416, %swap3A_417] {strides = array<i32>} : memref<80x128xf32, #tpu.memory_space<vmem>>, vector<16xf32>,
      tpu.vector_store %arg14[%swap3A_416, %swap3A_417], %gather3A_411 {strides = array<i32>} : memref<80x128xf32, #tpu.memory_space<vmem>>, vector<16xf32>,
      %mul3A_419 = arith.constant 16 : i32
      %mul3A_420 = arith.muli %scan3A_131, %mul3A_419 : i32
      %add3A_421 = arith.constant 11 : i32
      %add3A_422 = arith.addi %mul3A_420, %add3A_421 : i32
      %get3A_423 = arith.index_cast %add3A_422 : i32 to index
      %get3A_424 = arith.constant 0 : index
      %get3A_425 = tpu.vector_load %arg13[%get3A_423, %get3A_424] {strides = array<i32>} : memref<640x16xf32, #tpu.memory_space<vmem>>, vector<16xf32>,
      %mul3A_426 = arith.mulf %get3A_425, %gather3A_411 : vector<16xf32>
      %swap3A_427 = arith.index_cast %add3A_422 : i32 to index
      %swap3A_428 = arith.constant 0 : index
      %swap3A_429 = tpu.vector_load %arg13[%swap3A_427, %swap3A_428] {strides = array<i32>} : memref<640x16xf32, #tpu.memory_space<vmem>>, vector<16xf32>,
      tpu.vector_store %arg13[%swap3A_427, %swap3A_428], %mul3A_426 {strides = array<i32>} : memref<640x16xf32, #tpu.memory_space<vmem>>, vector<16xf32>,
      %broadcast_in_dim3A_430 = arith.constant 12 : i32
      %broadcast_in_dim3A_431 = vector.broadcast %broadcast_in_dim3A_430 : i32 to vector<16xi32>
      %gather3A_432 = tpu.vector_load_idx %arg16[%broadcast_in_dim3A_431] : memref<16xf32, #tpu.memory_space<vmem>>[vector<16xi32>], vector<16xf32>,
      %mul3A_433 = arith.constant 2 : i32
      %mul3A_434 = arith.muli %mul3A_433, %scan3A_131 : i32
      %add3A_435 = arith.constant 1 : i32
      %add3A_436 = arith.addi %mul3A_434, %add3A_435 : i32
      %swap3A_437 = arith.index_cast %add3A_436 : i32 to index
      %swap3A_438 = arith.constant 64 : index
      %swap3A_439 = tpu.vector_load %arg14[%swap3A_437, %swap3A_438] {strides = array<i32>} : memref<80x128xf32, #tpu.memory_space<vmem>>, vector<16xf32>,
      tpu.vector_store %arg14[%swap3A_437, %swap3A_438], %gather3A_432 {strides = array<i32>} : memref<80x128xf32, #tpu.memory_space<vmem>>, vector<16xf32>,
      %mul3A_440 = arith.constant 16 : i32
      %mul3A_441 = arith.muli %scan3A_131, %mul3A_440 : i32
      %add3A_442 = arith.constant 12 : i32
      %add3A_443 = arith.addi %mul3A_441, %add3A_442 : i32
      %get3A_444 = arith.index_cast %add3A_443 : i32 to index
      %get3A_445 = arith.constant 0 : index
      %get3A_446 = tpu.vector_load %arg13[%get3A_444, %get3A_445] {strides = array<i32>} : memref<640x16xf32, #tpu.memory_space<vmem>>, vector<16xf32>,
      %mul3A_447 = arith.mulf %get3A_446, %gather3A_432 : vector<16xf32>
      %swap3A_448 = arith.index_cast %add3A_443 : i32 to index
      %swap3A_449 = arith.constant 0 : index
      %swap3A_450 = tpu.vector_load %arg13[%swap3A_448, %swap3A_449] {strides = array<i32>} : memref<640x16xf32, #tpu.memory_space<vmem>>, vector<16xf32>,
      tpu.vector_store %arg13[%swap3A_448, %swap3A_449], %mul3A_447 {strides = array<i32>} : memref<640x16xf32, #tpu.memory_space<vmem>>, vector<16xf32>,
      %broadcast_in_dim3A_451 = arith.constant 13 : i32
      %broadcast_in_dim3A_452 = vector.broadcast %broadcast_in_dim3A_451 : i32 to vector<16xi32>
      %gather3A_453 = tpu.vector_load_idx %arg16[%broadcast_in_dim3A_452] : memref<16xf32, #tpu.memory_space<vmem>>[vector<16xi32>], vector<16xf32>,
      %mul3A_454 = arith.constant 2 : i32
      %mul3A_455 = arith.muli %mul3A_454, %scan3A_131 : i32
      %add3A_456 = arith.constant 1 : i32
      %add3A_457 = arith.addi %mul3A_455, %add3A_456 : i32
      %swap3A_458 = arith.index_cast %add3A_457 : i32 to index
      %swap3A_459 = arith.constant 80 : index
      %swap3A_460 = tpu.vector_load %arg14[%swap3A_458, %swap3A_459] {strides = array<i32>} : memref<80x128xf32, #tpu.memory_space<vmem>>, vector<16xf32>,
      tpu.vector_store %arg14[%swap3A_458, %swap3A_459], %gather3A_453 {strides = array<i32>} : memref<80x128xf32, #tpu.memory_space<vmem>>, vector<16xf32>,
      %mul3A_461 = arith.constant 16 : i32
      %mul3A_462 = arith.muli %scan3A_131, %mul3A_461 : i32
      %add3A_463 = arith.constant 13 : i32
      %add3A_464 = arith.addi %mul3A_462, %add3A_463 : i32
      %get3A_465 = arith.index_cast %add3A_464 : i32 to index
      %get3A_466 = arith.constant 0 : index
      %get3A_467 = tpu.vector_load %arg13[%get3A_465, %get3A_466] {strides = array<i32>} : memref<640x16xf32, #tpu.memory_space<vmem>>, vector<16xf32>,
      %mul3A_468 = arith.mulf %get3A_467, %gather3A_453 : vector<16xf32>
      %swap3A_469 = arith.index_cast %add3A_464 : i32 to index
      %swap3A_470 = arith.constant 0 : index
      %swap3A_471 = tpu.vector_load %arg13[%swap3A_469, %swap3A_470] {strides = array<i32>} : memref<640x16xf32, #tpu.memory_space<vmem>>, vector<16xf32>,
      tpu.vector_store %arg13[%swap3A_469, %swap3A_470], %mul3A_468 {strides = array<i32>} : memref<640x16xf32, #tpu.memory_space<vmem>>, vector<16xf32>,
      %broadcast_in_dim3A_472 = arith.constant 14 : i32
      %broadcast_in_dim3A_473 = vector.broadcast %broadcast_in_dim3A_472 : i32 to vector<16xi32>
      %gather3A_474 = tpu.vector_load_idx %arg16[%broadcast_in_dim3A_473] : memref<16xf32, #tpu.memory_space<vmem>>[vector<16xi32>], vector<16xf32>,
      %mul3A_475 = arith.constant 2 : i32
      %mul3A_476 = arith.muli %mul3A_475, %scan3A_131 : i32
      %add3A_477 = arith.constant 1 : i32
      %add3A_478 = arith.addi %mul3A_476, %add3A_477 : i32
      %swap3A_479 = arith.index_cast %add3A_478 : i32 to index
      %swap3A_480 = arith.constant 96 : index
      %swap3A_481 = tpu.vector_load %arg14[%swap3A_479, %swap3A_480] {strides = array<i32>} : memref<80x128xf32, #tpu.memory_space<vmem>>, vector<16xf32>,
      tpu.vector_store %arg14[%swap3A_479, %swap3A_480], %gather3A_474 {strides = array<i32>} : memref<80x128xf32, #tpu.memory_space<vmem>>, vector<16xf32>,
      %mul3A_482 = arith.constant 16 : i32
      %mul3A_483 = arith.muli %scan3A_131, %mul3A_482 : i32
      %add3A_484 = arith.constant 14 : i32
      %add3A_485 = arith.addi %mul3A_483, %add3A_484 : i32
      %get3A_486 = arith.index_cast %add3A_485 : i32 to index
      %get3A_487 = arith.constant 0 : index
      %get3A_488 = tpu.vector_load %arg13[%get3A_486, %get3A_487] {strides = array<i32>} : memref<640x16xf32, #tpu.memory_space<vmem>>, vector<16xf32>,
      %mul3A_489 = arith.mulf %get3A_488, %gather3A_474 : vector<16xf32>
      %swap3A_490 = arith.index_cast %add3A_485 : i32 to index
      %swap3A_491 = arith.constant 0 : index
      %swap3A_492 = tpu.vector_load %arg13[%swap3A_490, %swap3A_491] {strides = array<i32>} : memref<640x16xf32, #tpu.memory_space<vmem>>, vector<16xf32>,
      tpu.vector_store %arg13[%swap3A_490, %swap3A_491], %mul3A_489 {strides = array<i32>} : memref<640x16xf32, #tpu.memory_space<vmem>>, vector<16xf32>,
      %broadcast_in_dim3A_493 = arith.constant 15 : i32
      %broadcast_in_dim3A_494 = vector.broadcast %broadcast_in_dim3A_493 : i32 to vector<16xi32>
      %gather3A_495 = tpu.vector_load_idx %arg16[%broadcast_in_dim3A_494] : memref<16xf32, #tpu.memory_space<vmem>>[vector<16xi32>], vector<16xf32>,
      %mul3A_496 = arith.constant 2 : i32
      %mul3A_497 = arith.muli %mul3A_496, %scan3A_131 : i32
      %add3A_498 = arith.constant 1 : i32
      %add3A_499 = arith.addi %mul3A_497, %add3A_498 : i32
      %swap3A_500 = arith.index_cast %add3A_499 : i32 to index
      %swap3A_501 = arith.constant 112 : index
      %swap3A_502 = tpu.vector_load %arg14[%swap3A_500, %swap3A_501] {strides = array<i32>} : memref<80x128xf32, #tpu.memory_space<vmem>>, vector<16xf32>,
      tpu.vector_store %arg14[%swap3A_500, %swap3A_501], %gather3A_495 {strides = array<i32>} : memref<80x128xf32, #tpu.memory_space<vmem>>, vector<16xf32>,
      %mul3A_503 = arith.constant 16 : i32
      %mul3A_504 = arith.muli %scan3A_131, %mul3A_503 : i32
      %add3A_505 = arith.constant 15 : i32
      %add3A_506 = arith.addi %mul3A_504, %add3A_505 : i32
      %get3A_507 = arith.index_cast %add3A_506 : i32 to index
      %get3A_508 = arith.constant 0 : index
      %get3A_509 = tpu.vector_load %arg13[%get3A_507, %get3A_508] {strides = array<i32>} : memref<640x16xf32, #tpu.memory_space<vmem>>, vector<16xf32>,
      %mul3A_510 = arith.mulf %get3A_509, %gather3A_495 : vector<16xf32>
      %swap3A_511 = arith.index_cast %add3A_506 : i32 to index
      %swap3A_512 = arith.constant 0 : index
      %swap3A_513 = tpu.vector_load %arg13[%swap3A_511, %swap3A_512] {strides = array<i32>} : memref<640x16xf32, #tpu.memory_space<vmem>>, vector<16xf32>,
      tpu.vector_store %arg13[%swap3A_511, %swap3A_512], %mul3A_510 {strides = array<i32>} : memref<640x16xf32, #tpu.memory_space<vmem>>, vector<16xf32>,
    }
    %scan3A_17 = arith.constant 40 : i32
    %eq3A = arith.constant 0 : i32
    %eq3A_18 = arith.cmpi eq, %arg0, %eq3A : i32
    %convert_element_type3A = arith.extui %eq3A_18 : i1 to i32
    %cond3A = arith.constant 0 : i32
    %cond3A_19 = arith.cmpi ne, %convert_element_type3A, %cond3A : i32
    scf.if %cond3A_19 {
      %mul3A_131 = arith.constant 80 : i32
      %mul3A_132 = arith.muli %arg1, %mul3A_131 : i32
      "tpu.region"() ({
        %run_scoped3A_133 = tpu.sem_alloc : memref<!tpu.dma_semaphore, #tpu.memory_space<semaphore_mem>>
        %dma_start3A_134 = arith.constant 0 : i32
        %dma_start3A_135 = tpu.memref_slice %arg8[%mul3A_132, %dma_start3A_134] : memref<1280x128xf32, #tpu.memory_space<hbm>> -> memref<80x128xf32, #tpu.memory_space<hbm>>
        %dma_start3A_136 = arith.constant 0 : i32
        %dma_start3A_137 = tpu.memref_slice %arg8[%mul3A_132, %dma_start3A_136] : memref<1280x128xf32, #tpu.memory_space<hbm>> -> memref<80x128xf32, #tpu.memory_space<hbm>>
        tpu.enqueue_dma source(%arg14 : memref<80x128xf32, #tpu.memory_space<vmem>>) target(%dma_start3A_137 : memref<80x128xf32, #tpu.memory_space<hbm>>) target_semaphore(%run_scoped3A_133 : memref<!tpu.dma_semaphore, #tpu.memory_space<semaphore_mem>>)
        %dma_wait3A_138 = arith.constant 0 : i32
        %dma_wait3A_139 = tpu.memref_slice %arg8[%mul3A_132, %dma_wait3A_138] : memref<1280x128xf32, #tpu.memory_space<hbm>> -> memref<80x128xf32, #tpu.memory_space<hbm>>
        %dma_wait3A_140 = arith.constant 0 : i32
        %dma_wait3A_141 = tpu.memref_slice %arg8[%mul3A_132, %dma_wait3A_140] : memref<1280x128xf32, #tpu.memory_space<hbm>> -> memref<80x128xf32, #tpu.memory_space<hbm>>
        tpu.wait_dma2 semaphore(%run_scoped3A_133 : memref<!tpu.dma_semaphore, #tpu.memory_space<semaphore_mem>>) src(%arg14 : memref<80x128xf32, #tpu.memory_space<vmem>>) dst(%dma_wait3A_141 : memref<80x128xf32, #tpu.memory_space<hbm>>)
        tpu.yield
      }) : () -> ()
    } else {
    }
    %mul3A_20 = arith.constant 640 : i32
    %mul3A_21 = arith.muli %arg1, %mul3A_20 : i32
    "tpu.region"() ({
      %run_scoped3A_131 = tpu.sem_alloc : memref<!tpu.dma_semaphore, #tpu.memory_space<semaphore_mem>>
      %dma_start3A_132 = arith.constant 0 : i32
      %dma_start3A_133 = tpu.memref_slice %arg17[%mul3A_21, %dma_start3A_132] : memref<10240x16xf32, #tpu.memory_space<vmem_shared>> -> memref<640x16xf32, #tpu.memory_space<vmem_shared>>
      %dma_start3A_134 = arith.constant 0 : i32
      %dma_start3A_135 = tpu.memref_slice %arg17[%mul3A_21, %dma_start3A_134] : memref<10240x16xf32, #tpu.memory_space<vmem_shared>> -> memref<640x16xf32, #tpu.memory_space<vmem_shared>>
      tpu.enqueue_dma source(%arg13 : memref<640x16xf32, #tpu.memory_space<vmem>>) target(%dma_start3A_135 : memref<640x16xf32, #tpu.memory_space<vmem_shared>>) target_semaphore(%run_scoped3A_131 : memref<!tpu.dma_semaphore, #tpu.memory_space<semaphore_mem>>)
      %dma_wait3A_136 = arith.constant 0 : i32
      %dma_wait3A_137 = tpu.memref_slice %arg17[%mul3A_21, %dma_wait3A_136] : memref<10240x16xf32, #tpu.memory_space<vmem_shared>> -> memref<640x16xf32, #tpu.memory_space<vmem_shared>>
      %dma_wait3A_138 = arith.constant 0 : i32
      %dma_wait3A_139 = tpu.memref_slice %arg17[%mul3A_21, %dma_wait3A_138] : memref<10240x16xf32, #tpu.memory_space<vmem_shared>> -> memref<640x16xf32, #tpu.memory_space<vmem_shared>>
      tpu.wait_dma2 semaphore(%run_scoped3A_131 : memref<!tpu.dma_semaphore, #tpu.memory_space<semaphore_mem>>) src(%arg13 : memref<640x16xf32, #tpu.memory_space<vmem>>) dst(%dma_wait3A_139 : memref<640x16xf32, #tpu.memory_space<vmem_shared>>)
      tpu.yield
    }) : () -> ()
    %ne3A = arith.constant 0 : i32
    %ne3A_22 = arith.cmpi ne, %arg0, %ne3A : i32
    %convert_element_type3A_23 = arith.extui %ne3A_22 : i1 to i32
    %cond3A_24 = arith.constant 0 : i32
    %cond3A_25 = arith.cmpi ne, %convert_element_type3A_23, %cond3A_24 : i32
    scf.if %cond3A_25 {
      "tpu.region"() ({
        %run_scoped3A_131 = tpu.sem_alloc : memref<!tpu.dma_semaphore, #tpu.memory_space<semaphore_mem>>
        tpu.enqueue_dma source(%arg6 : memref<640x16xf32, #tpu.memory_space<hbm>>) target(%arg13 : memref<640x16xf32, #tpu.memory_space<vmem>>) target_semaphore(%run_scoped3A_131 : memref<!tpu.dma_semaphore, #tpu.memory_space<semaphore_mem>>)
        tpu.wait_dma2 semaphore(%run_scoped3A_131 : memref<!tpu.dma_semaphore, #tpu.memory_space<semaphore_mem>>) src(%arg6 : memref<640x16xf32, #tpu.memory_space<hbm>>) dst(%arg13 : memref<640x16xf32, #tpu.memory_space<vmem>>)
        tpu.yield
      }) : () -> ()
    } else {
    }
    %mul3A_26 = arith.constant 640 : i32
    %mul3A_27 = arith.muli %arg1, %mul3A_26 : i32
    "tpu.region"() ({
      %run_scoped3A_131 = tpu.sem_alloc : memref<!tpu.dma_semaphore, #tpu.memory_space<semaphore_mem>>
      %dma_start3A_132 = arith.constant 0 : i32
      %dma_start3A_133 = tpu.memref_slice %arg18[%mul3A_27, %dma_start3A_132] : memref<10240x16xf32, #tpu.memory_space<vmem_shared>> -> memref<640x16xf32, #tpu.memory_space<vmem_shared>>
      %dma_start3A_134 = arith.constant 0 : i32
      %dma_start3A_135 = tpu.memref_slice %arg18[%mul3A_27, %dma_start3A_134] : memref<10240x16xf32, #tpu.memory_space<vmem_shared>> -> memref<640x16xf32, #tpu.memory_space<vmem_shared>>
      tpu.enqueue_dma source(%arg13 : memref<640x16xf32, #tpu.memory_space<vmem>>) target(%dma_start3A_135 : memref<640x16xf32, #tpu.memory_space<vmem_shared>>) target_semaphore(%run_scoped3A_131 : memref<!tpu.dma_semaphore, #tpu.memory_space<semaphore_mem>>)
      %dma_wait3A_136 = arith.constant 0 : i32
      %dma_wait3A_137 = tpu.memref_slice %arg18[%mul3A_27, %dma_wait3A_136] : memref<10240x16xf32, #tpu.memory_space<vmem_shared>> -> memref<640x16xf32, #tpu.memory_space<vmem_shared>>
      %dma_wait3A_138 = arith.constant 0 : i32
      %dma_wait3A_139 = tpu.memref_slice %arg18[%mul3A_27, %dma_wait3A_138] : memref<10240x16xf32, #tpu.memory_space<vmem_shared>> -> memref<640x16xf32, #tpu.memory_space<vmem_shared>>
      tpu.wait_dma2 semaphore(%run_scoped3A_131 : memref<!tpu.dma_semaphore, #tpu.memory_space<semaphore_mem>>) src(%arg13 : memref<640x16xf32, #tpu.memory_space<vmem>>) dst(%dma_wait3A_139 : memref<640x16xf32, #tpu.memory_space<vmem_shared>>)
      tpu.yield
    }) : () -> ()
    %barrier3A = arith.constant 0 : index
    tpu.barrier barrier_id(%barrier3A)
    %dma_start3A = arith.constant 0 : i32
    %dma_start3A_28 = tpu.memref_slice %arg9[%dma_start3A] : memref<10000xi32, #tpu.memory_space<vmem>> -> memref<2000xi32, #tpu.memory_space<vmem>>
    %dma_start3A_29 = arith.constant 0 : i32
    %dma_start3A_30 = arith.constant 0 : i32
    %dma_start3A_31 = tpu.memref_slice %arg17[%dma_start3A_29, %dma_start3A_30] : memref<10240x16xf32, #tpu.memory_space<vmem_shared>> -> memref<10240x16xf32, #tpu.memory_space<vmem_shared>>
    tpu.enqueue_indirect_dma source(%dma_start3A_31 : memref<10240x16xf32, #tpu.memory_space<vmem_shared>>) target(%arg11 : memref<2000x16xf32, #tpu.memory_space<vmem>>) offsets(%dma_start3A_28 : memref<2000xi32, #tpu.memory_space<vmem>>) semaphore(%arg19 : memref<!tpu.dma_semaphore, #tpu.memory_space<semaphore_mem>>)
    %dma_start3A_32 = arith.constant 2000 : i32
    %dma_start3A_33 = tpu.memref_slice %arg9[%dma_start3A_32] : memref<10000xi32, #tpu.memory_space<vmem>> -> memref<2000xi32, #tpu.memory_space<vmem>>
    %dma_start3A_34 = arith.constant 0 : i32
    %dma_start3A_35 = arith.constant 0 : i32
    %dma_start3A_36 = tpu.memref_slice %arg17[%dma_start3A_34, %dma_start3A_35] : memref<10240x16xf32, #tpu.memory_space<vmem_shared>> -> memref<10240x16xf32, #tpu.memory_space<vmem_shared>>
    tpu.enqueue_indirect_dma source(%dma_start3A_36 : memref<10240x16xf32, #tpu.memory_space<vmem_shared>>) target(%arg12 : memref<2000x16xf32, #tpu.memory_space<vmem>>) offsets(%dma_start3A_33 : memref<2000xi32, #tpu.memory_space<vmem>>) semaphore(%arg20 : memref<!tpu.dma_semaphore, #tpu.memory_space<semaphore_mem>>)
    %dma_wait3A = arith.constant 0 : i32
    %dma_wait3A_37 = tpu.memref_slice %arg9[%dma_wait3A] : memref<10000xi32, #tpu.memory_space<vmem>> -> memref<2000xi32, #tpu.memory_space<vmem>>
    %dma_wait3A_38 = arith.constant 0 : i32
    %dma_wait3A_39 = arith.constant 0 : i32
    %dma_wait3A_40 = tpu.memref_slice %arg17[%dma_wait3A_38, %dma_wait3A_39] : memref<10240x16xf32, #tpu.memory_space<vmem_shared>> -> memref<10240x16xf32, #tpu.memory_space<vmem_shared>>
    tpu.wait_indirect_dma semaphore(%arg19 : memref<!tpu.dma_semaphore, #tpu.memory_space<semaphore_mem>>) src(%dma_wait3A_40 : memref<10240x16xf32, #tpu.memory_space<vmem_shared>>) dst(%arg11 : memref<2000x16xf32, #tpu.memory_space<vmem>>)
    %dma_start3A_41 = arith.constant 0 : i32
    %dma_start3A_42 = tpu.memref_slice %arg10[%dma_start3A_41] : memref<10000xi32, #tpu.memory_space<vmem>> -> memref<2000xi32, #tpu.memory_space<vmem>>
    %dma_start3A_43 = arith.constant 0 : i32
    %dma_start3A_44 = arith.constant 0 : i32
    %dma_start3A_45 = tpu.memref_slice %arg18[%dma_start3A_43, %dma_start3A_44] : memref<10240x16xf32, #tpu.memory_space<vmem_shared>> -> memref<10240x16xf32, #tpu.memory_space<vmem_shared>>
    tpu.enqueue_indirect_dma source(%arg11 : memref<2000x16xf32, #tpu.memory_space<vmem>>) target(%dma_start3A_45 : memref<10240x16xf32, #tpu.memory_space<vmem_shared>>) offsets(%dma_start3A_42 : memref<2000xi32, #tpu.memory_space<vmem>>) semaphore(%arg21 : memref<!tpu.dma_semaphore, #tpu.memory_space<semaphore_mem>>) {add = true}
    %dma_wait3A_46 = arith.constant 0 : i32
    %dma_wait3A_47 = tpu.memref_slice %arg10[%dma_wait3A_46] : memref<10000xi32, #tpu.memory_space<vmem>> -> memref<2000xi32, #tpu.memory_space<vmem>>
    %dma_wait3A_48 = arith.constant 0 : i32
    %dma_wait3A_49 = arith.constant 0 : i32
    %dma_wait3A_50 = tpu.memref_slice %arg18[%dma_wait3A_48, %dma_wait3A_49] : memref<10240x16xf32, #tpu.memory_space<vmem_shared>> -> memref<10240x16xf32, #tpu.memory_space<vmem_shared>>
    tpu.wait_indirect_dma semaphore(%arg21 : memref<!tpu.dma_semaphore, #tpu.memory_space<semaphore_mem>>) src(%arg11 : memref<2000x16xf32, #tpu.memory_space<vmem>>) dst(%dma_wait3A_50 : memref<10240x16xf32, #tpu.memory_space<vmem_shared>>)
    %dma_start3A_51 = arith.constant 4000 : i32
    %dma_start3A_52 = tpu.memref_slice %arg9[%dma_start3A_51] : memref<10000xi32, #tpu.memory_space<vmem>> -> memref<2000xi32, #tpu.memory_space<vmem>>
    %dma_start3A_53 = arith.constant 0 : i32
    %dma_start3A_54 = arith.constant 0 : i32
    %dma_start3A_55 = tpu.memref_slice %arg17[%dma_start3A_53, %dma_start3A_54] : memref<10240x16xf32, #tpu.memory_space<vmem_shared>> -> memref<10240x16xf32, #tpu.memory_space<vmem_shared>>
    tpu.enqueue_indirect_dma source(%dma_start3A_55 : memref<10240x16xf32, #tpu.memory_space<vmem_shared>>) target(%arg11 : memref<2000x16xf32, #tpu.memory_space<vmem>>) offsets(%dma_start3A_52 : memref<2000xi32, #tpu.memory_space<vmem>>) semaphore(%arg19 : memref<!tpu.dma_semaphore, #tpu.memory_space<semaphore_mem>>)
    %dma_wait3A_56 = arith.constant 2000 : i32
    %dma_wait3A_57 = tpu.memref_slice %arg9[%dma_wait3A_56] : memref<10000xi32, #tpu.memory_space<vmem>> -> memref<2000xi32, #tpu.memory_space<vmem>>
    %dma_wait3A_58 = arith.constant 0 : i32
    %dma_wait3A_59 = arith.constant 0 : i32
    %dma_wait3A_60 = tpu.memref_slice %arg17[%dma_wait3A_58, %dma_wait3A_59] : memref<10240x16xf32, #tpu.memory_space<vmem_shared>> -> memref<10240x16xf32, #tpu.memory_space<vmem_shared>>
    tpu.wait_indirect_dma semaphore(%arg20 : memref<!tpu.dma_semaphore, #tpu.memory_space<semaphore_mem>>) src(%dma_wait3A_60 : memref<10240x16xf32, #tpu.memory_space<vmem_shared>>) dst(%arg12 : memref<2000x16xf32, #tpu.memory_space<vmem>>)
    %dma_start3A_61 = arith.constant 2000 : i32
    %dma_start3A_62 = tpu.memref_slice %arg10[%dma_start3A_61] : memref<10000xi32, #tpu.memory_space<vmem>> -> memref<2000xi32, #tpu.memory_space<vmem>>
    %dma_start3A_63 = arith.constant 0 : i32
    %dma_start3A_64 = arith.constant 0 : i32
    %dma_start3A_65 = tpu.memref_slice %arg18[%dma_start3A_63, %dma_start3A_64] : memref<10240x16xf32, #tpu.memory_space<vmem_shared>> -> memref<10240x16xf32, #tpu.memory_space<vmem_shared>>
    tpu.enqueue_indirect_dma source(%arg12 : memref<2000x16xf32, #tpu.memory_space<vmem>>) target(%dma_start3A_65 : memref<10240x16xf32, #tpu.memory_space<vmem_shared>>) offsets(%dma_start3A_62 : memref<2000xi32, #tpu.memory_space<vmem>>) semaphore(%arg22 : memref<!tpu.dma_semaphore, #tpu.memory_space<semaphore_mem>>) {add = true}
    %dma_wait3A_66 = arith.constant 2000 : i32
    %dma_wait3A_67 = tpu.memref_slice %arg10[%dma_wait3A_66] : memref<10000xi32, #tpu.memory_space<vmem>> -> memref<2000xi32, #tpu.memory_space<vmem>>
    %dma_wait3A_68 = arith.constant 0 : i32
    %dma_wait3A_69 = arith.constant 0 : i32
    %dma_wait3A_70 = tpu.memref_slice %arg18[%dma_wait3A_68, %dma_wait3A_69] : memref<10240x16xf32, #tpu.memory_space<vmem_shared>> -> memref<10240x16xf32, #tpu.memory_space<vmem_shared>>
    tpu.wait_indirect_dma semaphore(%arg22 : memref<!tpu.dma_semaphore, #tpu.memory_space<semaphore_mem>>) src(%arg12 : memref<2000x16xf32, #tpu.memory_space<vmem>>) dst(%dma_wait3A_70 : memref<10240x16xf32, #tpu.memory_space<vmem_shared>>)
    %dma_start3A_71 = arith.constant 6000 : i32
    %dma_start3A_72 = tpu.memref_slice %arg9[%dma_start3A_71] : memref<10000xi32, #tpu.memory_space<vmem>> -> memref<2000xi32, #tpu.memory_space<vmem>>
    %dma_start3A_73 = arith.constant 0 : i32
    %dma_start3A_74 = arith.constant 0 : i32
    %dma_start3A_75 = tpu.memref_slice %arg17[%dma_start3A_73, %dma_start3A_74] : memref<10240x16xf32, #tpu.memory_space<vmem_shared>> -> memref<10240x16xf32, #tpu.memory_space<vmem_shared>>
    tpu.enqueue_indirect_dma source(%dma_start3A_75 : memref<10240x16xf32, #tpu.memory_space<vmem_shared>>) target(%arg12 : memref<2000x16xf32, #tpu.memory_space<vmem>>) offsets(%dma_start3A_72 : memref<2000xi32, #tpu.memory_space<vmem>>) semaphore(%arg20 : memref<!tpu.dma_semaphore, #tpu.memory_space<semaphore_mem>>)
    %dma_wait3A_76 = arith.constant 4000 : i32
    %dma_wait3A_77 = tpu.memref_slice %arg9[%dma_wait3A_76] : memref<10000xi32, #tpu.memory_space<vmem>> -> memref<2000xi32, #tpu.memory_space<vmem>>
    %dma_wait3A_78 = arith.constant 0 : i32
    %dma_wait3A_79 = arith.constant 0 : i32
    %dma_wait3A_80 = tpu.memref_slice %arg17[%dma_wait3A_78, %dma_wait3A_79] : memref<10240x16xf32, #tpu.memory_space<vmem_shared>> -> memref<10240x16xf32, #tpu.memory_space<vmem_shared>>
    tpu.wait_indirect_dma semaphore(%arg19 : memref<!tpu.dma_semaphore, #tpu.memory_space<semaphore_mem>>) src(%dma_wait3A_80 : memref<10240x16xf32, #tpu.memory_space<vmem_shared>>) dst(%arg11 : memref<2000x16xf32, #tpu.memory_space<vmem>>)
    %dma_start3A_81 = arith.constant 4000 : i32
    %dma_start3A_82 = tpu.memref_slice %arg10[%dma_start3A_81] : memref<10000xi32, #tpu.memory_space<vmem>> -> memref<2000xi32, #tpu.memory_space<vmem>>
    %dma_start3A_83 = arith.constant 0 : i32
    %dma_start3A_84 = arith.constant 0 : i32
    %dma_start3A_85 = tpu.memref_slice %arg18[%dma_start3A_83, %dma_start3A_84] : memref<10240x16xf32, #tpu.memory_space<vmem_shared>> -> memref<10240x16xf32, #tpu.memory_space<vmem_shared>>
    tpu.enqueue_indirect_dma source(%arg11 : memref<2000x16xf32, #tpu.memory_space<vmem>>) target(%dma_start3A_85 : memref<10240x16xf32, #tpu.memory_space<vmem_shared>>) offsets(%dma_start3A_82 : memref<2000xi32, #tpu.memory_space<vmem>>) semaphore(%arg21 : memref<!tpu.dma_semaphore, #tpu.memory_space<semaphore_mem>>) {add = true}
    %dma_wait3A_86 = arith.constant 4000 : i32
    %dma_wait3A_87 = tpu.memref_slice %arg10[%dma_wait3A_86] : memref<10000xi32, #tpu.memory_space<vmem>> -> memref<2000xi32, #tpu.memory_space<vmem>>
    %dma_wait3A_88 = arith.constant 0 : i32
    %dma_wait3A_89 = arith.constant 0 : i32
    %dma_wait3A_90 = tpu.memref_slice %arg18[%dma_wait3A_88, %dma_wait3A_89] : memref<10240x16xf32, #tpu.memory_space<vmem_shared>> -> memref<10240x16xf32, #tpu.memory_space<vmem_shared>>
    tpu.wait_indirect_dma semaphore(%arg21 : memref<!tpu.dma_semaphore, #tpu.memory_space<semaphore_mem>>) src(%arg11 : memref<2000x16xf32, #tpu.memory_space<vmem>>) dst(%dma_wait3A_90 : memref<10240x16xf32, #tpu.memory_space<vmem_shared>>)
    %dma_start3A_91 = arith.constant 8000 : i32
    %dma_start3A_92 = tpu.memref_slice %arg9[%dma_start3A_91] : memref<10000xi32, #tpu.memory_space<vmem>> -> memref<2000xi32, #tpu.memory_space<vmem>>
    %dma_start3A_93 = arith.constant 0 : i32
    %dma_start3A_94 = arith.constant 0 : i32
    %dma_start3A_95 = tpu.memref_slice %arg17[%dma_start3A_93, %dma_start3A_94] : memref<10240x16xf32, #tpu.memory_space<vmem_shared>> -> memref<10240x16xf32, #tpu.memory_space<vmem_shared>>
    tpu.enqueue_indirect_dma source(%dma_start3A_95 : memref<10240x16xf32, #tpu.memory_space<vmem_shared>>) target(%arg11 : memref<2000x16xf32, #tpu.memory_space<vmem>>) offsets(%dma_start3A_92 : memref<2000xi32, #tpu.memory_space<vmem>>) semaphore(%arg19 : memref<!tpu.dma_semaphore, #tpu.memory_space<semaphore_mem>>)
    %dma_wait3A_96 = arith.constant 6000 : i32
    %dma_wait3A_97 = tpu.memref_slice %arg9[%dma_wait3A_96] : memref<10000xi32, #tpu.memory_space<vmem>> -> memref<2000xi32, #tpu.memory_space<vmem>>
    %dma_wait3A_98 = arith.constant 0 : i32
    %dma_wait3A_99 = arith.constant 0 : i32
    %dma_wait3A_100 = tpu.memref_slice %arg17[%dma_wait3A_98, %dma_wait3A_99] : memref<10240x16xf32, #tpu.memory_space<vmem_shared>> -> memref<10240x16xf32, #tpu.memory_space<vmem_shared>>
    tpu.wait_indirect_dma semaphore(%arg20 : memref<!tpu.dma_semaphore, #tpu.memory_space<semaphore_mem>>) src(%dma_wait3A_100 : memref<10240x16xf32, #tpu.memory_space<vmem_shared>>) dst(%arg12 : memref<2000x16xf32, #tpu.memory_space<vmem>>)
    %dma_start3A_101 = arith.constant 6000 : i32
    %dma_start3A_102 = tpu.memref_slice %arg10[%dma_start3A_101] : memref<10000xi32, #tpu.memory_space<vmem>> -> memref<2000xi32, #tpu.memory_space<vmem>>
    %dma_start3A_103 = arith.constant 0 : i32
    %dma_start3A_104 = arith.constant 0 : i32
    %dma_start3A_105 = tpu.memref_slice %arg18[%dma_start3A_103, %dma_start3A_104] : memref<10240x16xf32, #tpu.memory_space<vmem_shared>> -> memref<10240x16xf32, #tpu.memory_space<vmem_shared>>
    tpu.enqueue_indirect_dma source(%arg12 : memref<2000x16xf32, #tpu.memory_space<vmem>>) target(%dma_start3A_105 : memref<10240x16xf32, #tpu.memory_space<vmem_shared>>) offsets(%dma_start3A_102 : memref<2000xi32, #tpu.memory_space<vmem>>) semaphore(%arg22 : memref<!tpu.dma_semaphore, #tpu.memory_space<semaphore_mem>>) {add = true}
    %dma_wait3A_106 = arith.constant 8000 : i32
    %dma_wait3A_107 = tpu.memref_slice %arg9[%dma_wait3A_106] : memref<10000xi32, #tpu.memory_space<vmem>> -> memref<2000xi32, #tpu.memory_space<vmem>>
    %dma_wait3A_108 = arith.constant 0 : i32
    %dma_wait3A_109 = arith.constant 0 : i32
    %dma_wait3A_110 = tpu.memref_slice %arg17[%dma_wait3A_108, %dma_wait3A_109] : memref<10240x16xf32, #tpu.memory_space<vmem_shared>> -> memref<10240x16xf32, #tpu.memory_space<vmem_shared>>
    tpu.wait_indirect_dma semaphore(%arg19 : memref<!tpu.dma_semaphore, #tpu.memory_space<semaphore_mem>>) src(%dma_wait3A_110 : memref<10240x16xf32, #tpu.memory_space<vmem_shared>>) dst(%arg11 : memref<2000x16xf32, #tpu.memory_space<vmem>>)
    %dma_start3A_111 = arith.constant 8000 : i32
    %dma_start3A_112 = tpu.memref_slice %arg10[%dma_start3A_111] : memref<10000xi32, #tpu.memory_space<vmem>> -> memref<2000xi32, #tpu.memory_space<vmem>>
    %dma_start3A_113 = arith.constant 0 : i32
    %dma_start3A_114 = arith.constant 0 : i32
    %dma_start3A_115 = tpu.memref_slice %arg18[%dma_start3A_113, %dma_start3A_114] : memref<10240x16xf32, #tpu.memory_space<vmem_shared>> -> memref<10240x16xf32, #tpu.memory_space<vmem_shared>>
    tpu.enqueue_indirect_dma source(%arg11 : memref<2000x16xf32, #tpu.memory_space<vmem>>) target(%dma_start3A_115 : memref<10240x16xf32, #tpu.memory_space<vmem_shared>>) offsets(%dma_start3A_112 : memref<2000xi32, #tpu.memory_space<vmem>>) semaphore(%arg21 : memref<!tpu.dma_semaphore, #tpu.memory_space<semaphore_mem>>) {add = true}
    %dma_wait3A_116 = arith.constant 6000 : i32
    %dma_wait3A_117 = tpu.memref_slice %arg10[%dma_wait3A_116] : memref<10000xi32, #tpu.memory_space<vmem>> -> memref<2000xi32, #tpu.memory_space<vmem>>
    %dma_wait3A_118 = arith.constant 0 : i32
    %dma_wait3A_119 = arith.constant 0 : i32
    %dma_wait3A_120 = tpu.memref_slice %arg18[%dma_wait3A_118, %dma_wait3A_119] : memref<10240x16xf32, #tpu.memory_space<vmem_shared>> -> memref<10240x16xf32, #tpu.memory_space<vmem_shared>>
    tpu.wait_indirect_dma semaphore(%arg22 : memref<!tpu.dma_semaphore, #tpu.memory_space<semaphore_mem>>) src(%arg12 : memref<2000x16xf32, #tpu.memory_space<vmem>>) dst(%dma_wait3A_120 : memref<10240x16xf32, #tpu.memory_space<vmem_shared>>)
    %dma_wait3A_121 = arith.constant 8000 : i32
    %dma_wait3A_122 = tpu.memref_slice %arg10[%dma_wait3A_121] : memref<10000xi32, #tpu.memory_space<vmem>> -> memref<2000xi32, #tpu.memory_space<vmem>>
    %dma_wait3A_123 = arith.constant 0 : i32
    %dma_wait3A_124 = arith.constant 0 : i32
    %dma_wait3A_125 = tpu.memref_slice %arg18[%dma_wait3A_123, %dma_wait3A_124] : memref<10240x16xf32, #tpu.memory_space<vmem_shared>> -> memref<10240x16xf32, #tpu.memory_space<vmem_shared>>
    tpu.wait_indirect_dma semaphore(%arg21 : memref<!tpu.dma_semaphore, #tpu.memory_space<semaphore_mem>>) src(%arg11 : memref<2000x16xf32, #tpu.memory_space<vmem>>) dst(%dma_wait3A_125 : memref<10240x16xf32, #tpu.memory_space<vmem_shared>>)
    %barrier3A_126 = arith.constant 0 : index
    tpu.barrier barrier_id(%barrier3A_126)
    %mul3A_127 = arith.constant 640 : i32
    %mul3A_128 = arith.muli %arg1, %mul3A_127 : i32
    "tpu.region"() ({
      %run_scoped3A_131 = tpu.sem_alloc : memref<!tpu.dma_semaphore, #tpu.memory_space<semaphore_mem>>
      %dma_start3A_132 = arith.constant 0 : i32
      %dma_start3A_133 = tpu.memref_slice %arg18[%mul3A_128, %dma_start3A_132] : memref<10240x16xf32, #tpu.memory_space<vmem_shared>> -> memref<640x16xf32, #tpu.memory_space<vmem_shared>>
      %dma_start3A_134 = arith.constant 0 : i32
      %dma_start3A_135 = tpu.memref_slice %arg18[%mul3A_128, %dma_start3A_134] : memref<10240x16xf32, #tpu.memory_space<vmem_shared>> -> memref<640x16xf32, #tpu.memory_space<vmem_shared>>
      tpu.enqueue_dma source(%dma_start3A_135 : memref<640x16xf32, #tpu.memory_space<vmem_shared>>) target(%arg13 : memref<640x16xf32, #tpu.memory_space<vmem>>) target_semaphore(%run_scoped3A_131 : memref<!tpu.dma_semaphore, #tpu.memory_space<semaphore_mem>>)
      %dma_wait3A_136 = arith.constant 0 : i32
      %dma_wait3A_137 = tpu.memref_slice %arg18[%mul3A_128, %dma_wait3A_136] : memref<10240x16xf32, #tpu.memory_space<vmem_shared>> -> memref<640x16xf32, #tpu.memory_space<vmem_shared>>
      %dma_wait3A_138 = arith.constant 0 : i32
      %dma_wait3A_139 = tpu.memref_slice %arg18[%mul3A_128, %dma_wait3A_138] : memref<10240x16xf32, #tpu.memory_space<vmem_shared>> -> memref<640x16xf32, #tpu.memory_space<vmem_shared>>
      tpu.wait_dma2 semaphore(%run_scoped3A_131 : memref<!tpu.dma_semaphore, #tpu.memory_space<semaphore_mem>>) src(%dma_wait3A_139 : memref<640x16xf32, #tpu.memory_space<vmem_shared>>) dst(%arg13 : memref<640x16xf32, #tpu.memory_space<vmem>>)
      tpu.yield
    }) : () -> ()
    %mul3A_129 = arith.constant 640 : i32
    %mul3A_130 = arith.muli %arg1, %mul3A_129 : i32
    "tpu.region"() ({
      %run_scoped3A_131 = tpu.sem_alloc : memref<!tpu.dma_semaphore, #tpu.memory_space<semaphore_mem>>
      %dma_start3A_132 = arith.constant 0 : i32
      %dma_start3A_133 = tpu.memref_slice %arg7[%arg0, %mul3A_130, %dma_start3A_132] : memref<2x10240x16xf32, #tpu.memory_space<hbm>> -> memref<1x640x16xf32, #tpu.memory_space<hbm>>
      %dma_start3A_134 = tpu.memref_squeeze %dma_start3A_133 : memref<1x640x16xf32, #tpu.memory_space<hbm>> -> memref<640x16xf32, #tpu.memory_space<hbm>>
      %dma_start3A_135 = arith.constant 0 : i32
      %dma_start3A_136 = tpu.memref_slice %arg7[%arg0, %mul3A_130, %dma_start3A_135] : memref<2x10240x16xf32, #tpu.memory_space<hbm>> -> memref<1x640x16xf32, #tpu.memory_space<hbm>>
      %dma_start3A_137 = tpu.memref_squeeze %dma_start3A_136 : memref<1x640x16xf32, #tpu.memory_space<hbm>> -> memref<640x16xf32, #tpu.memory_space<hbm>>
      tpu.enqueue_dma source(%arg13 : memref<640x16xf32, #tpu.memory_space<vmem>>) target(%dma_start3A_137 : memref<640x16xf32, #tpu.memory_space<hbm>>) target_semaphore(%run_scoped3A_131 : memref<!tpu.dma_semaphore, #tpu.memory_space<semaphore_mem>>)
      %dma_wait3A_138 = arith.constant 0 : i32
      %dma_wait3A_139 = tpu.memref_slice %arg7[%arg0, %mul3A_130, %dma_wait3A_138] : memref<2x10240x16xf32, #tpu.memory_space<hbm>> -> memref<1x640x16xf32, #tpu.memory_space<hbm>>
      %dma_wait3A_140 = tpu.memref_squeeze %dma_wait3A_139 : memref<1x640x16xf32, #tpu.memory_space<hbm>> -> memref<640x16xf32, #tpu.memory_space<hbm>>
      %dma_wait3A_141 = arith.constant 0 : i32
      %dma_wait3A_142 = tpu.memref_slice %arg7[%arg0, %mul3A_130, %dma_wait3A_141] : memref<2x10240x16xf32, #tpu.memory_space<hbm>> -> memref<1x640x16xf32, #tpu.memory_space<hbm>>
      %dma_wait3A_143 = tpu.memref_squeeze %dma_wait3A_142 : memref<1x640x16xf32, #tpu.memory_space<hbm>> -> memref<640x16xf32, #tpu.memory_space<hbm>>
      tpu.wait_dma2 semaphore(%run_scoped3A_131 : memref<!tpu.dma_semaphore, #tpu.memory_space<semaphore_mem>>) src(%arg13 : memref<640x16xf32, #tpu.memory_space<vmem>>) dst(%dma_wait3A_143 : memref<640x16xf32, #tpu.memory_space<hbm>>)
      tpu.yield
    }) : () -> ()
    return
  }
}

module attributes {stable_mosaic.version = 14 : i64} {
  func.func @_k2_body(%arg0: memref<10000x128xf32, #tpu.memory_space<vmem>>, %arg1: memref<128x16xf32, #tpu.memory_space<vmem>>, %arg2: memref<10240x16xf32, #tpu.memory_space<vmem>>) attributes {dimension_semantics = [], scalar_prefetch = 0 : i64, scratch_operands = 0 : i64, tpu.core_type = #tpu.core_type<tc>} {
    %get3A = arith.constant 0 : index
    %get3A_0 = arith.constant 0 : index
    %get3A_1 = vector.load %arg0[%get3A, %get3A_0] : memref<10000x128xf32, #tpu.memory_space<vmem>>, vector<10000x128xf32>
    %get3A_2 = arith.constant 0 : index
    %get3A_3 = arith.constant 0 : index
    %get3A_4 = vector.load %arg1[%get3A_2, %get3A_3] : memref<128x16xf32, #tpu.memory_space<vmem>>, vector<128x16xf32>
    %dot_general3A = arith.constant dense<0.000000e+00> : vector<10000x16xf32>
    %dot_general3A_5 = tpu.matmul %get3A_1, %get3A_4, %dot_general3A {dimension_numbers = #tpu.dot_dimension_numbers<[1], [0], [0], [1], [0, 0, 1, 1], [], []>, transpose_lhs_hint = false} : vector<10000x128xf32>, vector<128x16xf32>, vector<10000x16xf32> -> vector<10000x16xf32>
    %swap3A = arith.constant 0 : index
    %swap3A_6 = arith.constant 0 : index
    %swap3A_7 = vector.load %arg2[%swap3A, %swap3A_6] : memref<10240x16xf32, #tpu.memory_space<vmem>>, vector<10000x16xf32>
    tpu.vector_store %arg2[%swap3A, %swap3A_6], %dot_general3A_5 {strides = array<i32>} : memref<10240x16xf32, #tpu.memory_space<vmem>>, vector<10000x16xf32>,
    %broadcast_in_dim3A = arith.constant 0.000000e+00 : f32
    %broadcast_in_dim3A_8 = vector.broadcast %broadcast_in_dim3A : f32 to vector<240x16xf32>
    %swap3A_9 = arith.constant 10000 : index
    %swap3A_10 = arith.constant 0 : index
    %swap3A_11 = vector.load %arg2[%swap3A_9, %swap3A_10] : memref<10240x16xf32, #tpu.memory_space<vmem>>, vector<240x16xf32>
    tpu.vector_store %arg2[%swap3A_9, %swap3A_10], %broadcast_in_dim3A_8 {strides = array<i32>} : memref<10240x16xf32, #tpu.memory_space<vmem>>, vector<240x16xf32>,
    return
  }
}

module attributes {stable_mosaic.version = 14 : i64} {
  func.func @_k4_body(%arg0: i32, %arg1: memref<2x320x128xf32, #tpu.memory_space<vmem>>, %arg2: memref<320x128xf32, #tpu.memory_space<vmem>>, %arg3: memref<1x128xf32, #tpu.memory_space<vmem>>, %arg4: memref<320x128xf32, #tpu.memory_space<vmem>>) attributes {dimension_semantics = [#tpu.dimension_semantics<arbitrary>], iteration_bounds = array<i64: 4>, scalar_prefetch = 0 : i64, scratch_operands = 0 : i64, tpu.core_type = #tpu.core_type<tc>, window_params = [{transform_indices = @transform_0, window_bounds = array<i64: 2, 320, 128>}, {transform_indices = @transform_1, window_bounds = array<i64: 320, 128>}, {pipeline_mode = #tpu.pipeline_mode<synchronous>, transform_indices = @transform_2, window_bounds = array<i64: 1, 128>}, {transform_indices = @transform_3, window_bounds = array<i64: 320, 128>}]} {
    %get3A = arith.constant 0 : index
    %get3A_0 = arith.constant 0 : index
    %get3A_1 = arith.constant 0 : index
    %get3A_2 = vector.load %arg1[%get3A, %get3A_0, %get3A_1] : memref<2x320x128xf32, #tpu.memory_space<vmem>>, vector<1x320x128xf32>
    %get3A_3 = vector.shape_cast %get3A_2 : vector<1x320x128xf32> to vector<320x128xf32>
    %get3A_4 = arith.constant 1 : index
    %get3A_5 = arith.constant 0 : index
    %get3A_6 = arith.constant 0 : index
    %get3A_7 = vector.load %arg1[%get3A_4, %get3A_5, %get3A_6] : memref<2x320x128xf32, #tpu.memory_space<vmem>>, vector<1x320x128xf32>
    %get3A_8 = vector.shape_cast %get3A_7 : vector<1x320x128xf32> to vector<320x128xf32>
    %add3A = arith.addf %get3A_3, %get3A_8 : vector<320x128xf32>
    %get3A_9 = arith.constant 0 : index
    %get3A_10 = arith.constant 0 : index
    %get3A_11 = vector.load %arg2[%get3A_9, %get3A_10] : memref<320x128xf32, #tpu.memory_space<vmem>>, vector<320x128xf32>
    %mul3A = arith.mulf %add3A, %get3A_11 : vector<320x128xf32>
    %get3A_12 = arith.constant 0 : index
    %get3A_13 = arith.constant 0 : index
    %get3A_14 = vector.load %arg3[%get3A_12, %get3A_13] : memref<1x128xf32, #tpu.memory_space<vmem>>, vector<1x128xf32>
    %add3A_15 = vector.broadcast %get3A_14 : vector<1x128xf32> to vector<320x128xf32>
    %add3A_16 = arith.addf %mul3A, %add3A_15 : vector<320x128xf32>
    %max3A = arith.constant 0.000000e+00 : f32
    %max3A_17 = vector.broadcast %max3A : f32 to vector<320x128xf32>
    %max3A_18 = arith.maximumf %add3A_16, %max3A_17 : vector<320x128xf32>
    %get3A_19 = arith.constant 0 : index
    %get3A_20 = arith.constant 0 : index
    %get3A_21 = vector.load %arg2[%get3A_19, %get3A_20] : memref<320x128xf32, #tpu.memory_space<vmem>>, vector<320x128xf32>
    %mul3A_22 = arith.mulf %max3A_18, %get3A_21 : vector<320x128xf32>
    %swap3A = arith.constant 0 : index
    %swap3A_23 = arith.constant 0 : index
    %swap3A_24 = vector.load %arg4[%swap3A, %swap3A_23] : memref<320x128xf32, #tpu.memory_space<vmem>>, vector<320x128xf32>
    tpu.vector_store %arg4[%swap3A, %swap3A_23], %mul3A_22 {strides = array<i32>} : memref<320x128xf32, #tpu.memory_space<vmem>>, vector<320x128xf32>,
    return
  }
  func.func @transform_0(%arg0: i32) -> (i32, i32, i32) {
    %c0_i32 = arith.constant 0 : i32
    %c0_i32_0 = arith.constant 0 : i32
    %c0_i32_1 = arith.constant 0 : i32
    return %c0_i32, %arg0, %c0_i32_0 : i32, i32, i32
  }
  func.func @transform_1(%arg0: i32) -> (i32, i32) {
    %c0_i32 = arith.constant 0 : i32
    %c0_i32_0 = arith.constant 0 : i32
    return %arg0, %c0_i32 : i32, i32
  }
  func.func @transform_2(%arg0: i32) -> (i32, i32) {
    %c0_i32 = arith.constant 0 : i32
    %c0_i32_0 = arith.constant 0 : i32
    %c0_i32_1 = arith.constant 0 : i32
    return %c0_i32, %c0_i32_0 : i32, i32
  }
  func.func @transform_3(%arg0: i32) -> (i32, i32) {
    %c0_i32 = arith.constant 0 : i32
    %c0_i32_0 = arith.constant 0 : i32
    return %arg0, %c0_i32 : i32, i32
  }
}

module attributes {stable_mosaic.version = 14 : i64} {
  func.func @_k6_body(%arg0: i32, %arg1: memref<2x320x128xf32, #tpu.memory_space<vmem>>, %arg2: memref<320x128xf32, #tpu.memory_space<vmem>>, %arg3: memref<128x320xf32, #tpu.memory_space<vmem>>, %arg4: memref<1x320xf32, #tpu.memory_space<vmem>>, %arg5: memref<320x320xf32, #tpu.memory_space<vmem>>) attributes {dimension_semantics = [#tpu.dimension_semantics<arbitrary>], iteration_bounds = array<i64: 4>, scalar_prefetch = 0 : i64, scratch_operands = 0 : i64, tpu.core_type = #tpu.core_type<tc>, window_params = [{transform_indices = @transform_0, window_bounds = array<i64: 2, 320, 128>}, {transform_indices = @transform_1, window_bounds = array<i64: 320, 128>}, {pipeline_mode = #tpu.pipeline_mode<synchronous>, transform_indices = @transform_2, window_bounds = array<i64: 128, 320>}, {pipeline_mode = #tpu.pipeline_mode<synchronous>, transform_indices = @transform_3, window_bounds = array<i64: 1, 320>}, {transform_indices = @transform_4, window_bounds = array<i64: 320, 320>}]} {
    %get3A = arith.constant 0 : index
    %get3A_0 = arith.constant 0 : index
    %get3A_1 = arith.constant 0 : index
    %get3A_2 = vector.load %arg1[%get3A, %get3A_0, %get3A_1] : memref<2x320x128xf32, #tpu.memory_space<vmem>>, vector<1x320x128xf32>
    %get3A_3 = vector.shape_cast %get3A_2 : vector<1x320x128xf32> to vector<320x128xf32>
    %get3A_4 = arith.constant 1 : index
    %get3A_5 = arith.constant 0 : index
    %get3A_6 = arith.constant 0 : index
    %get3A_7 = vector.load %arg1[%get3A_4, %get3A_5, %get3A_6] : memref<2x320x128xf32, #tpu.memory_space<vmem>>, vector<1x320x128xf32>
    %get3A_8 = vector.shape_cast %get3A_7 : vector<1x320x128xf32> to vector<320x128xf32>
    %add3A = arith.addf %get3A_3, %get3A_8 : vector<320x128xf32>
    %get3A_9 = arith.constant 0 : index
    %get3A_10 = arith.constant 0 : index
    %get3A_11 = vector.load %arg2[%get3A_9, %get3A_10] : memref<320x128xf32, #tpu.memory_space<vmem>>, vector<320x128xf32>
    %mul3A = arith.mulf %add3A, %get3A_11 : vector<320x128xf32>
    %get3A_12 = arith.constant 0 : index
    %get3A_13 = arith.constant 0 : index
    %get3A_14 = vector.load %arg3[%get3A_12, %get3A_13] : memref<128x320xf32, #tpu.memory_space<vmem>>, vector<128x320xf32>
    %dot_general3A = arith.constant dense<0.000000e+00> : vector<320x320xf32>
    %dot_general3A_15 = tpu.matmul %mul3A, %get3A_14, %dot_general3A {dimension_numbers = #tpu.dot_dimension_numbers<[1], [0], [0], [1], [0, 0, 1, 1], [], []>, transpose_lhs_hint = false} : vector<320x128xf32>, vector<128x320xf32>, vector<320x320xf32> -> vector<320x320xf32>
    %get3A_16 = arith.constant 0 : index
    %get3A_17 = arith.constant 0 : index
    %get3A_18 = vector.load %arg4[%get3A_16, %get3A_17] : memref<1x320xf32, #tpu.memory_space<vmem>>, vector<1x320xf32>
    %add3A_19 = vector.broadcast %get3A_18 : vector<1x320xf32> to vector<320x320xf32>
    %add3A_20 = arith.addf %dot_general3A_15, %add3A_19 : vector<320x320xf32>
    %reshape3A = vector.shape_cast %add3A_20 : vector<320x320xf32> to vector<320x8x40xf32>
    %reduce_max3A = arith.constant dense<0xFF800000> : vector<320x8xf32>
    %reduce_max3A_21 = vector.multi_reduction <maximumf>, %reshape3A, %reduce_max3A [2] : vector<320x8x40xf32> to vector<320x8xf32>
    %broadcast_in_dim3A = vector.shape_cast %reduce_max3A_21 : vector<320x8xf32> to vector<320x8x1xf32>
    %sub3A = vector.broadcast %broadcast_in_dim3A : vector<320x8x1xf32> to vector<320x8x40xf32>
    %sub3A_22 = arith.subf %reshape3A, %sub3A : vector<320x8x40xf32>
    %exp3A = math.exp %sub3A_22 : vector<320x8x40xf32>
    %reduce_sum3A = arith.constant dense<0.000000e+00> : vector<320x8xf32>
    %reduce_sum3A_23 = vector.multi_reduction <add>, %exp3A, %reduce_sum3A [2] : vector<320x8x40xf32> to vector<320x8xf32>
    %broadcast_in_dim3A_24 = vector.shape_cast %reduce_sum3A_23 : vector<320x8xf32> to vector<320x8x1xf32>
    %log3A = math.log %broadcast_in_dim3A_24 : vector<320x8x1xf32>
    %sub3A_25 = vector.broadcast %log3A : vector<320x8x1xf32> to vector<320x8x40xf32>
    %sub3A_26 = arith.subf %sub3A_22, %sub3A_25 : vector<320x8x40xf32>
    %reshape3A_27 = vector.shape_cast %sub3A_26 : vector<320x8x40xf32> to vector<320x320xf32>
    %swap3A = arith.constant 0 : index
    %swap3A_28 = arith.constant 0 : index
    %swap3A_29 = vector.load %arg5[%swap3A, %swap3A_28] : memref<320x320xf32, #tpu.memory_space<vmem>>, vector<320x320xf32>
    tpu.vector_store %arg5[%swap3A, %swap3A_28], %reshape3A_27 {strides = array<i32>} : memref<320x320xf32, #tpu.memory_space<vmem>>, vector<320x320xf32>,
    return
  }
  func.func @transform_0(%arg0: i32) -> (i32, i32, i32) {
    %c0_i32 = arith.constant 0 : i32
    %c0_i32_0 = arith.constant 0 : i32
    %c0_i32_1 = arith.constant 0 : i32
    return %c0_i32, %arg0, %c0_i32_0 : i32, i32, i32
  }
  func.func @transform_1(%arg0: i32) -> (i32, i32) {
    %c0_i32 = arith.constant 0 : i32
    %c0_i32_0 = arith.constant 0 : i32
    return %arg0, %c0_i32 : i32, i32
  }
  func.func @transform_2(%arg0: i32) -> (i32, i32) {
    %c0_i32 = arith.constant 0 : i32
    %c0_i32_0 = arith.constant 0 : i32
    %c0_i32_1 = arith.constant 0 : i32
    return %c0_i32, %c0_i32_0 : i32, i32
  }
  func.func @transform_3(%arg0: i32) -> (i32, i32) {
    %c0_i32 = arith.constant 0 : i32
    %c0_i32_0 = arith.constant 0 : i32
    %c0_i32_1 = arith.constant 0 : i32
    return %c0_i32, %c0_i32_0 : i32, i32
  }
  func.func @transform_4(%arg0: i32) -> (i32, i32) {
    %c0_i32 = arith.constant 0 : i32
    %c0_i32_0 = arith.constant 0 : i32
    return %arg0, %c0_i32 : i32, i32
  }
}

</mosaic_0001>

<sc_bundles>
// kernel: kernel.11.cloned.1.call-start
scs
__scs_entry_jumppad:
0x0: {  	(pc) =	sbr.rel $0x88, $3  }
0x1: {  	(tag) =	ssettag $0x0;
	lr =	simm.s32 $0x1  }
0x2: {  	[smem:$0x3F9B] =	sst lr;
	_ =	strace $0xD0000000  }
0x3: {  	_ = 	snop  }
0x4: {  	_ = 	snop  }
0x5: {  	_ = 	snop  }
0x6: {  	_ = 	snop  }
0x7: {  	_ = 	snop  }
__scs_overlays_trampoline_lowered:
0x8: {  	[smem:$0x3FAA] =	sst s0  }
0x9: {  	[smem:$0x3FAB] =	sst s1  }
0xa: {  	[smem:$0x3FAC] =	sst s2  }
0xb: {  	[smem:$0x3FAD] =	sst s3  }
0xc: {  	[smem:$0x3FAE] =	sst s4  }
0xd: {  	[smem:$0x3FAF] =	sst s5  }
0xe: {  	[smem:$0x3FB0] =	sst s6  }
0xf: {  	[smem:$0x3FB1] =	sst s7  }
0x10: {  	[smem:$0x3FB2] =	sst s8  }
0x11: {  	[smem:$0x3FB3] =	sst s9;
	s0 =	simm.s32 @!p0 $0x0  }
0x12: {  	s1 =	sld [smem:$0x3F99];
	s0 =	simm.s32 @p0 $0x1  }
0x13: {  	[smem:$0x3FB4] =	sst s0;
	s0 =	simm.s32 @!p1 $0x0  }
0x14: {  	s2 =	sld [smem:$0x3F98];
	s0 =	simm.s32 @p1 $0x1  }
0x15: {  	[smem:$0x3FB5] =	sst s0;
	s0 =	simm.s32 @!p2 $0x0  }
0x16: {  	s3 =	sld [smem:$0x3FDB];
	s0 =	simm.s32 @p2 $0x1  }
0x17: {  	s4 =	simm.s32 $0x1BF5;
	[smem:$0x3FB7] =	sst s0  }
0x18: {  	s0 =	sld [smem:$0x3F9A];
	_ =	swait.ge [sflag:s4], $0x0  }
0x19: {  	s7 =	sld [smem:$0x3F9B]  }
0x1a: {  	s8 =	sadd.s32 $0xFFFFE003, lr  }
0x1b: {  	s9 =	sadd.s32 $0xFFFFFEF7, lr;
	s5 =	simm.s32 $0xFFFFFFFF;
	p2 =	slt.u32 s8, $0xFFFFF086  }
0x1c: {  	p1 =	slt.u32 s9, $0xF7A;
	s5 =	simm.s32 @!p2 $0x0  }
0x1d: {  	s5 =	simm.s32 @p1 $0x1;
	p0 =	seq.s32 s7, s2  }
0x1e: {  	s7 =	smul.u32 @!p0 $0xF7A, s2;
	p2 =	seq.s32 @!p0 s5, $0x0  }
0x1f: {  	s9 =	smul.u32 $0xF7A, s1;
	s8 =	simm.s32 @!p0 $0x1BF5;
	p2 =	por !p2, p0  }
0x20: {  	[sflag:s8] =	ssyncset.s32 @!p0 $0xFFFFF086;
	s6 =	sadd.s32 @!p0 s3, s7;
	s7 =	simm.s32 @!p0 $0x108  }
0x21: {  	s3 =	sadd.s32 s3, s9;
	s6 =	sadd.s32 @!p0 $0x88, s6;
	s7 =	simm.s32 @p2 $0x1082  }
0x22: {  	[simem:s7], [sflag:s8] =	dma.local @!p0 [hbm:s6], $0xF7A  }
0x23: {  	s9 =	sor.u32 $0xD0000000, s2;
	s6 =	simm.s32 $0x108;
	_ =	swait.ge @!p0 [sflag:s8], $0x0  }
0x24: {  	s3 =	sadd.s32 $0x88, s3;
	s6 =	simm.s32 @!p1 $0x1082;
	[sflag:s4] =	ssyncset.s32 $0xFFFFF086  }
0x25: {  	[simem:s6], [sflag:s4] =	dma.local [hbm:s3], $0xF7A  }
0x26: {  	[smem:$0x3F9B] =	sst s1;
	(tag) =	ssettag s2;
	_ =	strace s9  }
0x27: {  	s1 =	sld [smem:$0x3FAB]  }
0x28: {  	s2 =	sld [smem:$0x3FAC]  }
0x29: {  	s4 =	sld [smem:$0x3FAE]  }
0x2a: {  	p0 =	seq.s32 s5, $0x0;
	s5 =	sld [smem:$0x3FAF]  }
0x2b: {  	s6 =	sld [smem:$0x3FB0]  }
0x2c: {  	s7 =	sld [smem:$0x3FB1]  }
0x2d: {  	s3 =	simm.s32 $0x108;
	s8 =	sld [smem:$0x3FB2]  }
0x2e: {  	s3 =	simm.s32 @!p0 $0x1082;
	s9 =	sld [smem:$0x3FB3]  }
0x2f: {  	lr =	sadd.s32 s0, s3;
	s0 =	sld [smem:$0x3FAA]  }
0x30: {  	s3 =	sld [smem:$0x3FAD]  }
0x31: {  	[smem:$0x3FB6] =	sst s10  }
0x32: {  	s10 =	sld [smem:$0x3FB4];
	_ =	sdelay $0x3  }
0x33: {  	p0 =	seq.s32 s10, $0x1;
	s10 =	sld [smem:$0x3FB6];
	_ =	sdelay $0x3  }
0x34: {  	[smem:$0x3FB6] =	sst s10  }
0x35: {  	s10 =	sld [smem:$0x3FB5];
	_ =	sdelay $0x3  }
0x36: {  	p1 =	seq.s32 s10, $0x1;
	s10 =	sld [smem:$0x3FB6];
	_ =	sdelay $0x3  }
0x37: {  	[smem:$0x3FB6] =	sst s10  }
0x38: {  	s10 =	sld [smem:$0x3FB7]  }
0x39: {  	_ = 	snop;
	(pc) =	sbr.ind lr, $3  }
0x3a: {  	_ = 	snop  }
0x3b: {  	_ = 	snop  }
0x3c: {  	p2 =	seq.s32 s10, $0x1;
	s10 =	sld [smem:$0x3FB6]  }
0x3d: {  	_ =	shalt  }
0x3e: {  	_ =	shalt  }
0x3f: {  	_ =	shalt  }
0x40: {  	_ =	shalt  }
0x41: {  	_ =	shalt  }
0x42: {  	_ =	shalt  }
0x43: {  	_ =	shalt  }
0x44: {  	_ =	shalt  }
0x45: {  	_ =	shalt  }
0x46: {  	_ =	shalt  }
0x47: {  	_ =	shalt  }
0x48: {  	_ =	shalt  }
0x49: {  	_ =	shalt  }
0x4a: {  	_ =	shalt  }
0x4b: {  	_ =	shalt  }
0x4c: {  	_ =	shalt  }
0x4d: {  	_ =	shalt  }
0x4e: {  	_ =	shalt  }
0x4f: {  	_ =	shalt  }
0x50: {  	_ =	shalt  }
0x51: {  	_ =	shalt  }
0x52: {  	_ =	shalt  }
0x53: {  	_ =	shalt  }
0x54: {  	_ =	shalt  }
0x55: {  	_ =	shalt  }
0x56: {  	_ =	shalt  }
0x57: {  	_ =	shalt  }
0x58: {  	_ =	shalt  }
0x59: {  	_ =	shalt  }
0x5a: {  	_ =	shalt  }
0x5b: {  	_ =	shalt  }
0x5c: {  	_ =	shalt  }
0x5d: {  	_ =	shalt  }
0x5e: {  	_ =	shalt  }
0x5f: {  	_ =	shalt  }
0x60: {  	_ =	shalt  }
0x61: {  	_ =	shalt  }
0x62: {  	_ =	shalt  }
0x63: {  	_ =	shalt  }
0x64: {  	_ =	shalt  }
0x65: {  	_ =	shalt  }
0x66: {  	_ =	shalt  }
0x67: {  	_ =	shalt  }
0x68: {  	_ =	shalt  }
0x69: {  	_ =	shalt  }
0x6a: {  	_ =	shalt  }
0x6b: {  	_ =	shalt  }
0x6c: {  	_ =	shalt  }
0x6d: {  	_ =	shalt  }
0x6e: {  	_ =	shalt  }
0x6f: {  	_ =	shalt  }
0x70: {  	_ =	shalt  }
0x71: {  	_ =	shalt  }
0x72: {  	_ =	shalt  }
0x73: {  	_ =	shalt  }
0x74: {  	_ =	shalt  }
0x75: {  	_ =	shalt  }
0x76: {  	_ =	shalt  }
0x77: {  	_ =	shalt  }
0x78: {  	_ =	shalt  }
0x79: {  	_ =	shalt  }
0x7a: {  	_ =	shalt  }
0x7b: {  	_ =	shalt  }
0x7c: {  	_ =	shalt  }
0x7d: {  	_ =	shalt  }
0x7e: {  	_ =	shalt  }
0x7f: {  	_ =	shalt  }
0x80: {  	_ =	shalt  }
0x81: {  	_ =	shalt  }
0x82: {  	_ =	shalt  }
0x83: {  	_ =	shalt  }
0x84: {  	_ =	shalt  }
0x85: {  	_ =	shalt  }
0x86: {  	_ =	shalt  }
0x87: {  	_ =	shalt  }
.Lfunc_end0:
.L_simem_size_0:
called_computation.1_lowered:
.L_overlay_start_0:
0x88: {  	s2 =	sld [smem:$0x3FD9]  }
0x89: {  	s3 =	sld [smem:$0x3FFE];
	_ =	sdelay $0x1  }
0x8a: {  	s1 =	srdreg.scid  }
0x8b: {  	s0 =	sand.u32 $0x1, s1  }
0x8c: {  	s17 =	sshll.u32 s0, $0xA;
	s2 =	sadd.s32 s3, s2  }
0x8d: {  	s2 =	sadd.s32 s2, s17  }
0x8e: {  	[smem:$0x3FC2] =	sst s2  }
0x8f: {  	_ = 	snop  }
0x90: {  	s2 =	sld [smem:$0x3FD0];
	(tm) =	ssettm $0x1  }
0x91: {  	s18 =	sld [smem:$0x3FFB];
	_ =	sdelay $0x3  }
0x92: {  	_ =	strace s18  }
0x93: {  	s3 =	sld [smem:$0x3FFC];
	_ =	sdelay $0x3  }
0x94: {  	_ =	strace s3  }
0x95: {  	s3 =	sld [smem:$0x3FFD];
	_ =	sdelay $0x3  }
0x96: {  	_ =	strace s3  }
0x97: {  	_ =	strace $0x8FFFFFFF  }
0x98: {  	s19 =	sld [smem:$0x3FDB];
	_ =	sdelay $0x1  }
0x99: {  	s4 =	simm.s32 $_scs_section_size  }
0x9a: {  	s5 =	simm.s32 $_size__tile_overlayer_lowered;
	s6 =	simm.s32 $_tile_overlayer_lowered  }
0x9b: {  	s22 =	simm.s32 $0x1BFF;
	s21 =	sshll.u32 s6, $0x1;
	s3 =	sadd.s32 s4, s19  }
0x9c: {  	s7 =	simm.s32 $0x0;
	s20 =	sshll.u32 s5, $0x1;
	s5 =	sadd.s32 s21, s3  }
0x9d: {  	[timem:s7], [sflag:s22] =	dma.local [hbm:s5], s20  }
0x9e: {  	_ =	swait.ge [sflag:s22], s20  }
0x9f: {  	s4 =	ssub.s32 $0x0, s20;
	[sflag:s22] =	ssyncset.done $0x0  }
0xa0: {  	[sflag:s22] =	ssyncadd.s32 s4;
	_ =	sdelay $0x1  }
0xa1: {  	s23 =	simm.s32 $0x1B8B  }
0xa2: {  	_ =	swait.ge [sflag:s23], $0x1  }
0xa3: {  	[sflag:s23] =	ssyncset.done $0x0  }
0xa4: {  	s25 =	simm.s32 $0x1B8E;
	s24 =	sld [smem:$0x3FFE];
	[sflag:s23] =	ssyncadd.s32 $0xFFFFFFFF  }
0xa5: {  	s26 =	simm.s32 $execute0_lowered;
	[smem:$0x3FD2] =	sst s25  }
0xa6: {  	s5 =	sshll.u32 s26, $0x1;
	_ =	strace $0x80000049;
	[dreg:$0x1] =	wrdreg $0xFFFFFFFF  }
0xa7: {  	s28 =	simm.s32 $_size_execute0_lowered;
	s3 =	sadd.s32 s3, s5;
	[dreg:$0x0] =	wrdreg $0x0  }
0xa8: {  	s5 =	sshll.u32 s28, $0x1;
	[dreg:$0x2] =	wrdreg s3  }
0xa9: {  	[dreg:$0x3] =	wrdreg s5  }
0xaa: {  	[dreg:$0x4] =	wrdreg $0xC0  }
0xab: {  	_ =	task [dreg:s7], $0x5FFFF  }
0xac: {  	[dreg:$0x1] =	wrdreg $0xFFFFFFFF  }
0xad: {  	[dreg:$0x0] =	wrdreg $0x60  }
0xae: {  	[dreg:$0x2] =	wrdreg s24  }
0xaf: {  	[dreg:$0x3] =	wrdreg s2  }
0xb0: {  	[dreg:$0x4] =	wrdreg $0x19D300  }
0xb1: {  	[dreg:$0x5] =	wrdreg $0x1C5300  }
0xb2: {  	[dreg:$0x6] =	wrdreg $0x9  }
0xb3: {  	_ =	task.clear_ibuf [dreg:s7], $0x7FFFF;
	_ =	strace $0x90000049  }
0xb4: {  	s29 =	simm.s32 $0x9;
	_ =	strace $0x8000004B  }
0xb5: {  	_ =	swait.ge [sflag:s29], $0x1  }
0xb6: {  	[sflag:s29] =	ssyncadd.s32 $0xFFFFFFFF  }
0xb7: {  	_ =	strace $0x9000004B  }
0xb8: {  	_ =	sfence  }
0xb9: {  	s30 =	sld [smem:$0x0];
	_ =	sdelay $0x2  }
0xba: {  	s31 =	sshll.u32 s1, $0xD;
	s1 =	sshrl.u32 s1, $0x2  }
0xbb: {  	s3 =	sand.u32 $0x4000, s31;
	s1 =	sadd.s32 s1, s30  }
0xbc: {  	s0 =	sor.u32 s3, s0;
	s1 =	sshll.u32 s1, $0x11  }
0xbd: {  	s0 =	sor.u32 s1, s0  }
0xbe: {  	s0 =	sadd.s32 $0x8F2B, s0  }
0xbf: {  	[sflag:s0] =	ssyncadd.remote.s32 $0x1  }
0xc0: {  	_ =	sfence.sel $0xFFFF  }
0xc1: {  	[dreg:$0x0] =	wrdreg $0xFFFFFFFF;
	(pc) =	sbr.abs _section_cstart, $3  }
0xc2: {  	[dreg:$0x1] =	wrdreg $0xFFFFFFFF  }
0xc3: {  	_ =	task.clear_ibuf [dreg:s7], $0x2FFFF;
	_ =	strace $0x9FFFFFFF  }
0xc4: {  	(tm) =	ssettm $0x7FFFFFFF  }
0xc5: {  	_ =	shalt  }
tec
execute0_lowered:
.L_overlay_start_1:
0x0: {  	(tag) =	ssettag $0x1  }
0x1: {  	s0 =	rddreg [dreg:$0x0]  }
0x2: {  	s1 =	rddreg [dreg:$0x1]  }
0x3: {  	s2 =	rddreg [dreg:$0x2]  }
0x4: {  	s3 =	rddreg [dreg:$0x3];
	s9 =	stileid.u32  }
0x5: {  	s5 =	srdreg.scid;
	s4 =	simm.s32 $0x0;
	s16 =	simm.s32 $0x5  }
0x6: {  	s17 =	simm.s32 $0x2710;
	s18 =	simm.s32 $0x14820;
	s20 =	simm.s32 $0x19D20  }
0x7: {  	s21 =	simm.s32 $0x7D0;
	s22 =	simm.s32 $0x4E20;
	s28 =	simm.s32 $0x2  }
0x8: {  	s30 =	simm.s32 $0x4;
	s29 =	simm.s32 $0x0;
	s13 =	smul.u32 $0x2800, s9  }
0x9: {  	s19 =	sand.u32 $0x1, s5;
	[smem:$0x7FF] =	sst s4;
	s23 =	smul.u32 $0x280, s9  }
0xa: {  	s24 =	smul.u32 $0x500, s9;
	s6 =	sshll.u32 s19, $0x4;
	_ =	strace $0x8000004A  }
0xb: {  	s25 =	ssub.s32 $0x2, s19;
	s12 =	smul.u32 $0x28000, s19;
	p0 =	sne.s32 s19, $0x0  }
0xc: {  	s7 =	sshrl.u32 s13, $0x3;
	s6 =	sor.u32 s9, s6;
	s5 =	sshrl.u32 s23, $0x3  }
0xd: {  	s26 =	sshrl.u32 s25, $0x1;
	s23 =	simm.s32 $0xCB20;
	s8 =	sadd.s32 s7, s0  }
0xe: {  	s6 =	smul.u32 $0x4E2, s6;
	s10 =	sadd.s32 s5, s0;
	s5 =	sadd.s32 $0x15C00, s0  }
0xf: {  	s15 =	ssub.s32 s25, s26;
	s14 =	sadd.s32 s13, s12;
	s25 =	simm.s32 $0x3  }
0x10: {  	v0 =	vimm.s32 $0x1;
	v1 =	vimm.s32 $0x2;
	v2 =	vimm.s32 $0x3;
	s26 =	simm.s32 $0x4650;
	s8 =	sadd.s32 $0x16C00, s8;
	s9 =	sadd.s32 $0x16200, s10  }
0x11: {  	v3 =	vimm.s32 $0x4;
	v4 =	vimm.s32 $0x5;
	v5 =	vimm.s32 $0x6;
	s10 =	sadd.s32 $0x16700, s10;
	s31 =	sshrl.u32 s14, $0x3;
	s15 =	smax.u32 s15, $0x1  }
0x12: {  	v6 =	vimm.s32 $0x7;
	v7 =	vimm.s32 $0x8;
	v8 =	vimm.s32 $0x9;
	s11 =	sadd.s32 s6, s0;
	s0 =	sadd.s32 s24, s0;
	s14 =	sadd.s32 s1, s31  }
0x13: {  	v9 =	vimm.s32 $0xA;
	v10 =	vimm.s32 $0xB;
	v11 =	vimm.s32 $0xC;
	s24 =	simm.s32 $0x1;
	s6 =	sadd.s32 $0x2000, s11;
	s7 =	sadd.s32 $0xBE00, s11  }
0x14: {  	v12 =	vimm.s32 $0xD;
	v13 =	vimm.s32 $0xE;
	v14 =	vimm.s32 $0xF;
	s11 =	sadd.s32 s13, s2;
	s12 =	sadd.s32 $0x1BC00, s0;
	s13 =	sadd.s32 s13, s3  }
.LBB2_1:
0x15: {  	[tilespmem:s4], [sflag:$0x5] =	stream.linear.gather [hbm4b:s6+s4], $0x2710, $0x38;
	[tilespmem:$0x1ED30] =	vst v63  }
0x16: {  	_ =	swait.ge [sflag:s16], $0x2710  }
0x17: {  	[sflag:s16] =	ssyncset.done $0x0  }
0x18: {  	[sflag:s16] =	ssyncadd.s32 $0xFFFFD8F0  }
0x19: {  	[tilespmem:s17], [sflag:$0x5] =	stream.linear.gather [hbm4b:s7+s4], $0x2710, $0x38;
	[tilespmem:$0x1ED30] =	vst v63  }
0x1a: {  	_ =	swait.ge [sflag:s16], $0x2710  }
0x1b: {  	[sflag:s16] =	ssyncset.done $0x0  }
0x1c: {  	[sflag:s16] =	ssyncadd.s32 $0xFFFFD8F0  }
0x1d: {  	[tilespmem:s18], [sflag:$0x5] =	stream.linear.gather [hbm4b:s8+s4], $0x2800, $0x38;
	[tilespmem:$0x1ED30] =	vst v63  }
0x1e: {  	_ =	swait.ge [sflag:s16], $0x2800  }
0x1f: {  	[sflag:s16] =	ssyncset.done $0x0  }
0x20: {  	s0 =	simm.s32 $0x19820;
	[sflag:s16] =	ssyncadd.s32 $0xFFFFD800  }
0x21: {  	[tilespmem:s0], [sflag:$0x5] =	stream.linear.gather [hbm4b:s9+s4], $0x280, $0x38;
	[tilespmem:$0x1ED30] =	vst v63  }
0x22: {  	_ =	swait.ge [sflag:s16], $0x280  }
0x23: {  	[sflag:s16] =	ssyncset.done $0x0  }
0x24: {  	s31 =	simm.s32 $0x19AA0;
	[sflag:s16] =	ssyncadd.s32 $0xFFFFFD80  }
0x25: {  	[tilespmem:s31], [sflag:$0x5] =	stream.linear.gather [hbm4b:s10+s4], $0x280, $0x38;
	[tilespmem:$0x1ED30] =	vst v63  }
0x26: {  	_ =	swait.ge [sflag:s16], $0x280  }
0x27: {  	[sflag:s16] =	ssyncset.done $0x0  }
0x28: {  	[sflag:s16] =	ssyncadd.s32 $0xFFFFFD80  }
0x29: {  	v15 =	vld [tilespmem:s31+$0xFFFFFD80];
	_ =	sdelay $0x1  }
0x2a: {  	v16 =	vld [tilespmem:s31+$0x0];
	_ =	sdelay $0x2  }
0x2b: {  	v15 =	vadd.f32 $1.000000000e+00, v15;
	_ =	sdelay $0x1  }
0x2c: {  	v15 =	vadd.f32 v16, v15;
	_ =	sdelay $0x1  }
0x2d: {  	v16 =	vshra.s32 v15, $0x1;
	v15 =	vmul.f32 $5.000000000e-01, v15  }
0x2e: {  	v16 =	vsub.s32 $0x5F3759DF, v16  }
0x2f: {  	v17 =	vmul.f32 v16, v15;
	_ =	sdelay $0x1  }
0x30: {  	v17 =	vmul.f32 v16, v17;
	_ =	sdelay $0x1  }
0x31: {  	v17 =	vsub.f32 $1.500000000e+00, v17;
	_ =	sdelay $0x1  }
0x32: {  	v16 =	vmul.f32 v16, v17;
	_ =	sdelay $0x1  }
0x33: {  	v17 =	vmul.f32 v16, v15;
	_ =	sdelay $0x1  }
0x34: {  	v17 =	vmul.f32 v17, v16;
	_ =	sdelay $0x1  }
0x35: {  	v17 =	vsub.f32 $1.500000000e+00, v17;
	_ =	sdelay $0x1  }
0x36: {  	v16 =	vmul.f32 v17, v16;
	_ =	sdelay $0x1  }
0x37: {  	v15 =	vmul.f32 v16, v15;
	_ =	sdelay $0x1  }
0x38: {  	v15 =	vmul.f32 v15, v16;
	_ =	sdelay $0x1  }
0x39: {  	v15 =	vsub.f32 $1.500000000e+00, v15;
	_ =	sdelay $0x1  }
0x3a: {  	v15 =	vmul.f32 v15, v16;
	_ =	sdelay $0x1  }
0x3b: {  	[tilespmem:$0x19D20] =	vst v15  }
0x3c: {  	s0 =	simm.s32 $0x0;
	v15 =	vld.msk [tilespmem:s20+$0x0], $0xffff  }
0x3d: {  	v16 =	vld [tilespmem:s0+$0x14820];
	_ =	sdelay $0x4  }
0x3e: {  	v16 =	vmul.f32 v16, v15  }
0x3f: {  	[tilespmem:s0+$0x17020] =	vst v15  }
0x40: {  	v15 =	vld [tilespmem:s0+$0x14830];
	[tilespmem:s0+$0x14820] =	vst v16  }
0x41: {  	v16 =	vld.idx.msk [tilespmem:v0+s20+$0x0], $0xffff;
	_ =	sdelay $0x4  }
0x42: {  	v15 =	vmul.f32 v15, v16  }
0x43: {  	[tilespmem:s0+$0x17030] =	vst v16  }
0x44: {  	[tilespmem:s0+$0x14830] =	vst v15;
	v15 =	vld [tilespmem:s0+$0x14840]  }
0x45: {  	v16 =	vld.idx.msk [tilespmem:v1+s20+$0x0], $0xffff;
	_ =	sdelay $0x4  }
0x46: {  	v15 =	vmul.f32 v15, v16  }
0x47: {  	[tilespmem:s0+$0x17040] =	vst v16  }
0x48: {  	[tilespmem:s0+$0x14840] =	vst v15;
	v15 =	vld [tilespmem:s0+$0x14850]  }
0x49: {  	v16 =	vld.idx.msk [tilespmem:v2+s20+$0x0], $0xffff;
	_ =	sdelay $0x4  }
0x4a: {  	v15 =	vmul.f32 v15, v16  }
0x4b: {  	[tilespmem:s0+$0x17050] =	vst v16  }
0x4c: {  	[tilespmem:s0+$0x14850] =	vst v15;
	v15 =	vld [tilespmem:s0+$0x14860]  }
0x4d: {  	v16 =	vld.idx.msk [tilespmem:v3+s20+$0x0], $0xffff;
	_ =	sdelay $0x4  }
0x4e: {  	v15 =	vmul.f32 v15, v16  }
0x4f: {  	[tilespmem:s0+$0x17060] =	vst v16  }
0x50: {  	[tilespmem:s0+$0x14860] =	vst v15;
	v15 =	vld [tilespmem:s0+$0x14870]  }
0x51: {  	v16 =	vld.idx.msk [tilespmem:v4+s20+$0x0], $0xffff;
	_ =	sdelay $0x4  }
0x52: {  	v15 =	vmul.f32 v15, v16  }
0x53: {  	[tilespmem:s0+$0x17070] =	vst v16  }
0x54: {  	[tilespmem:s0+$0x14870] =	vst v15;
	v15 =	vld [tilespmem:s0+$0x14880]  }
0x55: {  	v16 =	vld.idx.msk [tilespmem:v5+s20+$0x0], $0xffff;
	_ =	sdelay $0x4  }
0x56: {  	v15 =	vmul.f32 v15, v16  }
0x57: {  	[tilespmem:s0+$0x17080] =	vst v16  }
0x58: {  	[tilespmem:s0+$0x14880] =	vst v15;
	v15 =	vld [tilespmem:s0+$0x14890]  }
0x59: {  	v16 =	vld.idx.msk [tilespmem:v6+s20+$0x0], $0xffff;
	_ =	sdelay $0x4  }
0x5a: {  	v15 =	vmul.f32 v15, v16  }
0x5b: {  	[tilespmem:s0+$0x17090] =	vst v16  }
0x5c: {  	[tilespmem:s0+$0x14890] =	vst v15;
	v15 =	vld [tilespmem:s0+$0x148A0]  }
0x5d: {  	v16 =	vld.idx.msk [tilespmem:v7+s20+$0x0], $0xffff;
	_ =	sdelay $0x4  }
0x5e: {  	v15 =	vmul.f32 v15, v16  }
0x5f: {  	[tilespmem:s0+$0x170A0] =	vst v16  }
0x60: {  	[tilespmem:s0+$0x148A0] =	vst v15;
	v15 =	vld [tilespmem:s0+$0x148B0]  }
0x61: {  	v16 =	vld.idx.msk [tilespmem:v8+s20+$0x0], $0xffff;
	_ =	sdelay $0x4  }
0x62: {  	v15 =	vmul.f32 v15, v16  }
0x63: {  	[tilespmem:s0+$0x170B0] =	vst v16  }
0x64: {  	[tilespmem:s0+$0x148B0] =	vst v15;
	v15 =	vld [tilespmem:s0+$0x148C0]  }
0x65: {  	v16 =	vld.idx.msk [tilespmem:v9+s20+$0x0], $0xffff;
	_ =	sdelay $0x4  }
0x66: {  	v15 =	vmul.f32 v15, v16  }
0x67: {  	[tilespmem:s0+$0x170C0] =	vst v16  }
0x68: {  	[tilespmem:s0+$0x148C0] =	vst v15;
	v15 =	vld [tilespmem:s0+$0x148D0]  }
0x69: {  	v16 =	vld.idx.msk [tilespmem:v10+s20+$0x0], $0xffff;
	_ =	sdelay $0x4  }
0x6a: {  	v15 =	vmul.f32 v15, v16  }
0x6b: {  	[tilespmem:s0+$0x170D0] =	vst v16  }
0x6c: {  	[tilespmem:s0+$0x148D0] =	vst v15;
	v15 =	vld [tilespmem:s0+$0x148E0]  }
0x6d: {  	v16 =	vld.idx.msk [tilespmem:v11+s20+$0x0], $0xffff;
	_ =	sdelay $0x4  }
0x6e: {  	v15 =	vmul.f32 v15, v16  }
0x6f: {  	[tilespmem:s0+$0x170E0] =	vst v16  }
0x70: {  	[tilespmem:s0+$0x148E0] =	vst v15;
	v15 =	vld [tilespmem:s0+$0x148F0]  }
0x71: {  	v16 =	vld.idx.msk [tilespmem:v12+s20+$0x0], $0xffff;
	_ =	sdelay $0x4  }
0x72: {  	v15 =	vmul.f32 v15, v16  }
0x73: {  	[tilespmem:s0+$0x170F0] =	vst v16  }
0x74: {  	[tilespmem:s0+$0x148F0] =	vst v15;
	v15 =	vld [tilespmem:s0+$0x14900]  }
0x75: {  	v16 =	vld.idx.msk [tilespmem:v13+s20+$0x0], $0xffff;
	_ =	sdelay $0x4  }
0x76: {  	v15 =	vmul.f32 v15, v16  }
0x77: {  	[tilespmem:s0+$0x17100] =	vst v16  }
0x78: {  	[tilespmem:s0+$0x14900] =	vst v15;
	v15 =	vld [tilespmem:s0+$0x14910]  }
0x79: {  	v16 =	vld.idx.msk [tilespmem:v14+s20+$0x0], $0xffff;
	_ =	sdelay $0x4  }
0x7a: {  	s1 =	simm.s32 $0x400;
	[tilespmem:s0+$0x17110] =	vst v16;
	v15 =	vmul.f32 v15, v16  }
.LBB2_2:
0x7b: {  	p1 =	sne.s32 s1, $0x9C00  }
0x7c: {  	s31 =	sadd.s32 $0x10, s31;
	s19 =	smov.u32 s1;
	s1 =	sadd.s32 $0x400, s1  }
0x7d: {  	[tilespmem:s0+$0x14910] =	vst v15  }
0x7e: {  	v15 =	vld [tilespmem:s31+$0xFFFFFD80];
	_ =	sdelay $0x1  }
0x7f: {  	v16 =	vld [tilespmem:s31+$0x0];
	_ =	sdelay $0x2  }
0x80: {  	v15 =	vadd.f32 $1.000000000e+00, v15;
	_ =	sdelay $0x1  }
0x81: {  	v15 =	vadd.f32 v16, v15;
	_ =	sdelay $0x1  }
0x82: {  	v16 =	vshra.s32 v15, $0x1;
	v15 =	vmul.f32 $5.000000000e-01, v15  }
0x83: {  	v16 =	vsub.s32 $0x5F3759DF, v16  }
0x84: {  	v17 =	vmul.f32 v16, v15;
	_ =	sdelay $0x1  }
0x85: {  	v17 =	vmul.f32 v16, v17;
	_ =	sdelay $0x1  }
0x86: {  	v17 =	vsub.f32 $1.500000000e+00, v17;
	_ =	sdelay $0x1  }
0x87: {  	v16 =	vmul.f32 v16, v17;
	_ =	sdelay $0x1  }
0x88: {  	v17 =	vmul.f32 v16, v15;
	_ =	sdelay $0x1  }
0x89: {  	v17 =	vmul.f32 v17, v16;
	_ =	sdelay $0x1  }
0x8a: {  	v17 =	vsub.f32 $1.500000000e+00, v17;
	_ =	sdelay $0x1  }
0x8b: {  	v16 =	vmul.f32 v17, v16;
	_ =	sdelay $0x1  }
0x8c: {  	v15 =	vmul.f32 v16, v15;
	_ =	sdelay $0x1  }
0x8d: {  	v15 =	vmul.f32 v15, v16;
	_ =	sdelay $0x1  }
0x8e: {  	v15 =	vsub.f32 $1.500000000e+00, v15;
	_ =	sdelay $0x1  }
0x8f: {  	v15 =	vmul.f32 v15, v16;
	_ =	sdelay $0x1  }
0x90: {  	s0 =	sshra.s32 s19, $0x2;
	[tilespmem:$0x19D20] =	vst v15  }
0x91: {  	v15 =	vld.msk [tilespmem:s20+$0x0], $0xffff  }
0x92: {  	v16 =	vld [tilespmem:s0+$0x14820];
	_ =	sdelay $0x4  }
0x93: {  	v16 =	vmul.f32 v16, v15  }
0x94: {  	[tilespmem:s0+$0x17020] =	vst v15  }
0x95: {  	[tilespmem:s0+$0x14820] =	vst v16;
	v15 =	vld [tilespmem:s0+$0x14830]  }
0x96: {  	v16 =	vld.idx.msk [tilespmem:v0+s20+$0x0], $0xffff;
	_ =	sdelay $0x5  }
0x97: {  	v15 =	vmul.f32 v15, v16  }
0x98: {  	[tilespmem:s0+$0x17030] =	vst v16  }
0x99: {  	[tilespmem:s0+$0x14830] =	vst v15;
	v15 =	vld [tilespmem:s0+$0x14840]  }
0x9a: {  	v16 =	vld.idx.msk [tilespmem:v1+s20+$0x0], $0xffff;
	_ =	sdelay $0x5  }
0x9b: {  	v15 =	vmul.f32 v15, v16  }
0x9c: {  	[tilespmem:s0+$0x17040] =	vst v16  }
0x9d: {  	[tilespmem:s0+$0x14840] =	vst v15;
	v15 =	vld [tilespmem:s0+$0x14850]  }
0x9e: {  	v16 =	vld.idx.msk [tilespmem:v2+s20+$0x0], $0xffff;
	_ =	sdelay $0x5  }
0x9f: {  	v15 =	vmul.f32 v15, v16  }
0xa0: {  	[tilespmem:s0+$0x17050] =	vst v16  }
0xa1: {  	[tilespmem:s0+$0x14850] =	vst v15;
	v15 =	vld [tilespmem:s0+$0x14860]  }
0xa2: {  	v16 =	vld.idx.msk [tilespmem:v3+s20+$0x0], $0xffff;
	_ =	sdelay $0x5  }
0xa3: {  	v15 =	vmul.f32 v15, v16  }
0xa4: {  	[tilespmem:s0+$0x17060] =	vst v16  }
0xa5: {  	[tilespmem:s0+$0x14860] =	vst v15;
	v15 =	vld [tilespmem:s0+$0x14870]  }
0xa6: {  	v16 =	vld.idx.msk [tilespmem:v4+s20+$0x0], $0xffff;
	_ =	sdelay $0x5  }
0xa7: {  	v15 =	vmul.f32 v15, v16  }
0xa8: {  	[tilespmem:s0+$0x17070] =	vst v16  }
0xa9: {  	[tilespmem:s0+$0x14870] =	vst v15;
	v15 =	vld [tilespmem:s0+$0x14880]  }
0xaa: {  	v16 =	vld.idx.msk [tilespmem:v5+s20+$0x0], $0xffff;
	_ =	sdelay $0x5  }
0xab: {  	v15 =	vmul.f32 v15, v16;
	[tilespmem:s0+$0x17080] =	vst v16;
	_ =	sdelay $0x1  }
0xac: {  	[tilespmem:s0+$0x14880] =	vst v15;
	v15 =	vld [tilespmem:s0+$0x14890]  }
0xad: {  	v16 =	vld.idx.msk [tilespmem:v6+s20+$0x0], $0xffff;
	_ =	sdelay $0x5  }
0xae: {  	v15 =	vmul.f32 v15, v16;
	[tilespmem:s0+$0x17090] =	vst v16;
	_ =	sdelay $0x1  }
0xaf: {  	[tilespmem:s0+$0x14890] =	vst v15;
	v15 =	vld [tilespmem:s0+$0x148A0]  }
0xb0: {  	v16 =	vld.idx.msk [tilespmem:v7+s20+$0x0], $0xffff;
	_ =	sdelay $0x5  }
0xb1: {  	v15 =	vmul.f32 v15, v16;
	[tilespmem:s0+$0x170A0] =	vst v16;
	_ =	sdelay $0x1  }
0xb2: {  	[tilespmem:s0+$0x148A0] =	vst v15;
	v15 =	vld [tilespmem:s0+$0x148B0]  }
0xb3: {  	v16 =	vld.idx.msk [tilespmem:v8+s20+$0x0], $0xffff;
	_ =	sdelay $0x5  }
0xb4: {  	v15 =	vmul.f32 v15, v16;
	[tilespmem:s0+$0x170B0] =	vst v16;
	_ =	sdelay $0x1  }
0xb5: {  	[tilespmem:s0+$0x148B0] =	vst v15;
	v15 =	vld [tilespmem:s0+$0x148C0]  }
0xb6: {  	v16 =	vld.idx.msk [tilespmem:v9+s20+$0x0], $0xffff;
	_ =	sdelay $0x5  }
0xb7: {  	v15 =	vmul.f32 v15, v16;
	[tilespmem:s0+$0x170C0] =	vst v16;
	_ =	sdelay $0x1  }
0xb8: {  	[tilespmem:s0+$0x148C0] =	vst v15;
	v15 =	vld [tilespmem:s0+$0x148D0]  }
0xb9: {  	v16 =	vld.idx.msk [tilespmem:v10+s20+$0x0], $0xffff;
	_ =	sdelay $0x5  }
0xba: {  	v15 =	vmul.f32 v15, v16;
	[tilespmem:s0+$0x170D0] =	vst v16;
	_ =	sdelay $0x1  }
0xbb: {  	[tilespmem:s0+$0x148D0] =	vst v15;
	v15 =	vld [tilespmem:s0+$0x148E0]  }
0xbc: {  	v16 =	vld.idx.msk [tilespmem:v11+s20+$0x0], $0xffff;
	_ =	sdelay $0x5  }
0xbd: {  	v15 =	vmul.f32 v15, v16;
	[tilespmem:s0+$0x170E0] =	vst v16;
	_ =	sdelay $0x1  }
0xbe: {  	[tilespmem:s0+$0x148E0] =	vst v15;
	v15 =	vld [tilespmem:s0+$0x148F0]  }
0xbf: {  	v16 =	vld.idx.msk [tilespmem:v12+s20+$0x0], $0xffff;
	_ =	sdelay $0x5  }
0xc0: {  	v15 =	vmul.f32 v15, v16;
	[tilespmem:s0+$0x170F0] =	vst v16;
	_ =	sdelay $0x1  }
0xc1: {  	[tilespmem:s0+$0x148F0] =	vst v15;
	v15 =	vld [tilespmem:s0+$0x14900]  }
0xc2: {  	v16 =	vld.idx.msk [tilespmem:v13+s20+$0x0], $0xffff;
	_ =	sdelay $0x5  }
0xc3: {  	v15 =	vmul.f32 v15, v16;
	[tilespmem:s0+$0x17100] =	vst v16;
	_ =	sdelay $0x1  }
0xc4: {  	[tilespmem:s0+$0x14900] =	vst v15;
	v15 =	vld [tilespmem:s0+$0x14910]  }
0xc5: {  	v16 =	vld.idx.msk [tilespmem:v14+s20+$0x0], $0xffff;
	_ =	sdelay $0x1  }
.Ltmp0:
0xc6: {  	(pc) =	sbr.rel @p1 .LBB2_2-.Ltmp0, $2  }
0xc7: {  	_ =	sdelay $0x2  }
0xc8: {  	v15 =	vmul.f32 v15, v16;
	[tilespmem:s0+$0x17110] =	vst v16  }
0xc9: {  	_ = 	snop  }
0xca: {  	s1 =	simm.s32 @p0 $0x5;
	[tilespmem:s0+$0x14910] =	vst v15;
	s0 =	simm.s32 @p0 $0x14820  }
0xcb: {  	[spmem:s11] =	stream.linear.scatter @p0 [tilespmem:s0], [sflag:$0x5], $0x2800, $0x38;
	[tilespmem:$0x1ED30] =	vst v63  }
0xcc: {  	_ =	swait.ge @p0 [sflag:s1], $0x2800  }
0xcd: {  	[sflag:s1] =	ssyncset.done @p0 $0x0  }
0xce: {  	[sflag:s1] =	ssyncadd.s32 @p0 $0xFFFFD800;
	s1 =	simm.s32 @p0 $0x0  }
0xcf: {  	[tilespmem:s0], [sflag:$0x5] =	stream.linear.gather @p0 [hbm4b:s5+s1], $0x2800, $0x38;
	[tilespmem:$0x1ED30] =	vst v63  }
0xd0: {  	s0 =	simm.s32 @!p0 $0x0;
	s1 =	simm.s32 @!p0 $0x17020  }
0xd1: {  	[hbm4b:s12+s0] =	stream.linear.scatter @!p0 [tilespmem:s1], [sflag:$0x5], $0x2800, $0x38;
	[tilespmem:$0x1ED30] =	vst v63  }
0xd2: {  	s0 =	simm.s32 @!p0 $0x5  }
0xd3: {  	_ =	swait.ge @!p0 [sflag:s0], $0x2800  }
0xd4: {  	[sflag:s0] =	ssyncset.done @!p0 $0x0  }
0xd5: {  	[sflag:s0] =	ssyncadd.s32 @!p0 $0xFFFFD800;
	s0 =	simm.s32 @!p0 $0x14820  }
0xd6: {  	[spmem:s11] =	stream.linear.scatter @!p0 [tilespmem:s0], [sflag:$0x5], $0x2800, $0x38;
	[tilespmem:$0x1ED30] =	vst v63  }
0xd7: {  	_ =	swait.ge [sflag:s16], $0x2800  }
0xd8: {  	[sflag:s16] =	ssyncset.done $0x0  }
0xd9: {  	[sflag:s16] =	ssyncadd.s32 $0xFFFFD800  }
0xda: {  	[spmem:s13] =	stream.linear.scatter [tilespmem:s18], [sflag:$0x5], $0x2800, $0x38;
	[tilespmem:$0x1ED30] =	vst v63  }
0xdb: {  	_ =	swait.ge [sflag:s16], $0x2800  }
0xdc: {  	[sflag:s16] =	ssyncset.done $0x0  }
0xdd: {  	[sflag:s16] =	ssyncadd.s32 $0xFFFFD800  }
0xde: {  	[bflag:$0x0] =	sbarrier.arrive $0xFFFF  }
0xdf: {  	[tilespmem:s22], [sflag:$0x1] =	stream.indirect.gather [spmem:s2], $0x10, s4, s21, $0xb8;
	[tilespmem:$0x1ED30] =	vst v63  }
0xe0: {  	_ = 	snop  }
0xe1: {  	[tilespmem:s23], [sflag:$0x2] =	stream.indirect.gather [spmem:s2], $0x10, s21, s21, $0xb8;
	[tilespmem:$0x1ED30] =	vst v63  }
0xe2: {  	_ =	swait.ge [sflag:s24], $0x7D00  }
0xe3: {  	[sflag:s24] =	ssyncset.done $0x0  }
0xe4: {  	[sflag:s24] =	ssyncadd.s32 $0xFFFF8300  }
0xe5: {  	[spmem:s3] =	stream.indirect.scatter.add.f32 [tilespmem:s22], [sflag:$0x3], $0x10, s17, s21, $0xb8;
	[tilespmem:$0x1ED30] =	vst v63  }
0xe6: {  	_ =	swait.ge [sflag:s25], $0x7D00  }
0xe7: {  	[sflag:s25] =	ssyncset.done $0x0  }
0xe8: {  	s1 =	simm.s32 $0xFA0;
	[sflag:s25] =	ssyncadd.s32 $0xFFFF8300  }
0xe9: {  	[tilespmem:s22], [sflag:$0x1] =	stream.indirect.gather [spmem:s2], $0x10, s1, s21, $0xb8;
	[tilespmem:$0x1ED30] =	vst v63  }
0xea: {  	_ =	swait.ge [sflag:s28], $0x7D00  }
0xeb: {  	[sflag:s28] =	ssyncset.done $0x0  }
0xec: {  	s19 =	simm.s32 $0x2EE0;
	[sflag:s28] =	ssyncadd.s32 $0xFFFF8300  }
0xed: {  	[spmem:s3] =	stream.indirect.scatter.add.f32 [tilespmem:s23], [sflag:$0x4], $0x10, s19, s21, $0xb8;
	[tilespmem:$0x1ED30] =	vst v63  }
0xee: {  	_ =	swait.ge [sflag:s30], $0x7D00  }
0xef: {  	[sflag:s30] =	ssyncset.done $0x0  }
0xf0: {  	s31 =	simm.s32 $0x1770;
	[sflag:s30] =	ssyncadd.s32 $0xFFFF8300  }
0xf1: {  	[tilespmem:s23], [sflag:$0x2] =	stream.indirect.gather [spmem:s2], $0x10, s31, s21, $0xb8;
	[tilespmem:$0x1ED30] =	vst v63  }
0xf2: {  	_ =	swait.ge [sflag:s24], $0x7D00  }
0xf3: {  	[sflag:s24] =	ssyncset.done $0x0  }
0xf4: {  	s1 =	simm.s32 $0x36B0;
	[sflag:s24] =	ssyncadd.s32 $0xFFFF8300  }
0xf5: {  	[spmem:s3] =	stream.indirect.scatter.add.f32 [tilespmem:s22], [sflag:$0x3], $0x10, s1, s21, $0xb8;
	[tilespmem:$0x1ED30] =	vst v63  }
0xf6: {  	_ =	swait.ge [sflag:s25], $0x7D00  }
0xf7: {  	[sflag:s25] =	ssyncset.done $0x0  }
0xf8: {  	s19 =	simm.s32 $0x1F40;
	[sflag:s25] =	ssyncadd.s32 $0xFFFF8300  }
0xf9: {  	[tilespmem:s22], [sflag:$0x1] =	stream.indirect.gather [spmem:s2], $0x10, s19, s21, $0xb8;
	[tilespmem:$0x1ED30] =	vst v63  }
0xfa: {  	_ =	swait.ge [sflag:s28], $0x7D00  }
0xfb: {  	[sflag:s28] =	ssyncset.done $0x0  }
0xfc: {  	s31 =	simm.s32 $0x3E80;
	[sflag:s28] =	ssyncadd.s32 $0xFFFF8300  }
0xfd: {  	[spmem:s3] =	stream.indirect.scatter.add.f32 [tilespmem:s23], [sflag:$0x4], $0x10, s31, s21, $0xb8;
	[tilespmem:$0x1ED30] =	vst v63  }
0xfe: {  	_ =	swait.ge [sflag:s24], $0x7D00  }
0xff: {  	[sflag:s24] =	ssyncset.done $0x0  }
0x100: {  	[sflag:s24] =	ssyncadd.s32 $0xFFFF8300  }
0x101: {  	[spmem:s3] =	stream.indirect.scatter.add.f32 [tilespmem:s22], [sflag:$0x3], $0x10, s26, s21, $0xb8;
	[tilespmem:$0x1ED30] =	vst v63  }
0x102: {  	_ =	swait.ge [sflag:s30], $0x7D00  }
0x103: {  	[sflag:s30] =	ssyncset.done $0x0  }
0x104: {  	[sflag:s30] =	ssyncadd.s32 $0xFFFF8300  }
0x105: {  	_ =	swait.ge [sflag:s25], $0x7D00  }
0x106: {  	[sflag:s25] =	ssyncset.done $0x0  }
0x107: {  	[sflag:s25] =	ssyncadd.s32 $0xFFFF8300  }
0x108: {  	[bflag:$0x0] =	sbarrier.arrive $0xFFFF  }
0x109: {  	[tilespmem:s18], [sflag:$0x5] =	stream.linear.gather [spmem:s13], $0x2800, $0x38;
	[tilespmem:$0x1ED30] =	vst v63  }
0x10a: {  	s29 =	sadd.s32 $0x1, s29;
	_ =	swait.ge [sflag:s16], $0x2800  }
0x10b: {  	p1 =	sne.s32 s29, s15;
	[sflag:s16] =	ssyncset.done $0x0  }
.Ltmp1:
0x10c: {  	[sflag:s16] =	ssyncadd.s32 $0xFFFFD800;
	(pc) =	sbr.rel @p1 .LBB2_1-.Ltmp1, $4  }
0x10d: {  	[hbm4b:s14+s4] =	stream.linear.scatter [tilespmem:s18], [sflag:$0x5], $0x2800, $0x38;
	[tilespmem:$0x1ED30] =	vst v63  }
0x10e: {  	_ =	swait.ge [sflag:s16], $0x2800  }
0x10f: {  	[sflag:s16] =	ssyncset.done $0x0  }
0x110: {  	[sflag:s16] =	ssyncadd.s32 $0xFFFFD800  }
0x111: {  	_ =	sfence.sel $0x180000  }
0x112: {  	[bflag:$0x0] =	sbarrier.arrive $0xFFFF  }
0x113: {  	_ =	strace $0x9000004A  }
0x114: {  	s0 =	stileid.u32;
	[bflag:$0x2] =	sbarrier.arrive $0xFFFF  }
0x115: {  	p0 =	sne.s32 s0, $0x0;
	s0 =	rddreg [dreg:$0x4]  }
0x116: {  	s0 =	sadd.s32 @!p0 $0x100000, s0  }
0x117: {  	[sflag:s0] =	ssyncadd.tile.s32 @!p0 $0x1;
	_ =	shalt  }
.Lfunc_end2:
_tile_overlayer_lowered:
.L_overlay_start_2:
0x118: {  	(tag) =	ssettag $0x2  }
0x119: {  	s0 =	rddreg [dreg:$0x0];
	s2 =	stileid.u32  }
0x11a: {  	s1 =	rddreg [dreg:$0x1];
	p0 =	sne.s32 s2, $0x0  }
0x11b: {  	s3 =	rddreg [dreg:$0x2];
	[bflag:$0x3] =	sbarrier.arrive $0xFFFF;
	s2 =	simm.s32 @!p0 $0x1C05  }
0x11c: {  	[timem:s3], [sflag:s2] =	dma.local @!p0 [hbm:s0], s1  }
0x11d: {  	s0 =	simm.s32 @!p0 $0x5  }
0x11e: {  	_ =	swait.ge @!p0 [sflag:s0], s1  }
0x11f: {  	s1 =	ssub.s32 @!p0 $0x0, s1;
	[sflag:s0] =	ssyncset.done @!p0 $0x0  }
0x120: {  	[sflag:s0] =	ssyncadd.s32 @!p0 s1  }
0x121: {  	[bflag:$0x3] =	sbarrier.arrive $0xFFFF  }
0x122: {  	_ =	shalt  }

// kernel: kernel.14.cloned.1.call-start
scs
__scs_entry_jumppad:
0x0: {  	(pc) =	sbr.rel $0x88, $3  }
0x1: {  	(tag) =	ssettag $0x0;
	lr =	simm.s32 $0x1  }
0x2: {  	[smem:$0x3F9B] =	sst lr;
	_ =	strace $0xD0000000  }
0x3: {  	_ = 	snop  }
0x4: {  	_ = 	snop  }
0x5: {  	_ = 	snop  }
0x6: {  	_ = 	snop  }
0x7: {  	_ = 	snop  }
__scs_overlays_trampoline_lowered:
0x8: {  	[smem:$0x3FAA] =	sst s0  }
0x9: {  	[smem:$0x3FAB] =	sst s1  }
0xa: {  	[smem:$0x3FAC] =	sst s2  }
0xb: {  	[smem:$0x3FAD] =	sst s3  }
0xc: {  	[smem:$0x3FAE] =	sst s4  }
0xd: {  	[smem:$0x3FAF] =	sst s5  }
0xe: {  	[smem:$0x3FB0] =	sst s6  }
0xf: {  	[smem:$0x3FB1] =	sst s7  }
0x10: {  	[smem:$0x3FB2] =	sst s8  }
0x11: {  	[smem:$0x3FB3] =	sst s9;
	s0 =	simm.s32 @!p0 $0x0  }
0x12: {  	s1 =	sld [smem:$0x3F99];
	s0 =	simm.s32 @p0 $0x1  }
0x13: {  	[smem:$0x3FB4] =	sst s0;
	s0 =	simm.s32 @!p1 $0x0  }
0x14: {  	s2 =	sld [smem:$0x3F98];
	s0 =	simm.s32 @p1 $0x1  }
0x15: {  	[smem:$0x3FB5] =	sst s0;
	s0 =	simm.s32 @!p2 $0x0  }
0x16: {  	s3 =	sld [smem:$0x3FDB];
	s0 =	simm.s32 @p2 $0x1  }
0x17: {  	s4 =	simm.s32 $0x1BF5;
	[smem:$0x3FB7] =	sst s0  }
0x18: {  	s0 =	sld [smem:$0x3F9A];
	_ =	swait.ge [sflag:s4], $0x0  }
0x19: {  	s7 =	sld [smem:$0x3F9B]  }
0x1a: {  	s8 =	sadd.s32 $0xFFFFE003, lr  }
0x1b: {  	s9 =	sadd.s32 $0xFFFFFEF7, lr;
	s5 =	simm.s32 $0xFFFFFFFF;
	p2 =	slt.u32 s8, $0xFFFFF086  }
0x1c: {  	p1 =	slt.u32 s9, $0xF7A;
	s5 =	simm.s32 @!p2 $0x0  }
0x1d: {  	s5 =	simm.s32 @p1 $0x1;
	p0 =	seq.s32 s7, s2  }
0x1e: {  	s7 =	smul.u32 @!p0 $0xF7A, s2;
	p2 =	seq.s32 @!p0 s5, $0x0  }
0x1f: {  	s9 =	smul.u32 $0xF7A, s1;
	s8 =	simm.s32 @!p0 $0x1BF5;
	p2 =	por !p2, p0  }
0x20: {  	[sflag:s8] =	ssyncset.s32 @!p0 $0xFFFFF086;
	s6 =	sadd.s32 @!p0 s3, s7;
	s7 =	simm.s32 @!p0 $0x108  }
0x21: {  	s3 =	sadd.s32 s3, s9;
	s6 =	sadd.s32 @!p0 $0x88, s6;
	s7 =	simm.s32 @p2 $0x1082  }
0x22: {  	[simem:s7], [sflag:s8] =	dma.local @!p0 [hbm:s6], $0xF7A  }
0x23: {  	s9 =	sor.u32 $0xD0000000, s2;
	s6 =	simm.s32 $0x108;
	_ =	swait.ge @!p0 [sflag:s8], $0x0  }
0x24: {  	s3 =	sadd.s32 $0x88, s3;
	s6 =	simm.s32 @!p1 $0x1082;
	[sflag:s4] =	ssyncset.s32 $0xFFFFF086  }
0x25: {  	[simem:s6], [sflag:s4] =	dma.local [hbm:s3], $0xF7A  }
0x26: {  	[smem:$0x3F9B] =	sst s1;
	(tag) =	ssettag s2;
	_ =	strace s9  }
0x27: {  	s1 =	sld [smem:$0x3FAB]  }
0x28: {  	s2 =	sld [smem:$0x3FAC]  }
0x29: {  	s4 =	sld [smem:$0x3FAE]  }
0x2a: {  	p0 =	seq.s32 s5, $0x0;
	s5 =	sld [smem:$0x3FAF]  }
0x2b: {  	s6 =	sld [smem:$0x3FB0]  }
0x2c: {  	s7 =	sld [smem:$0x3FB1]  }
0x2d: {  	s3 =	simm.s32 $0x108;
	s8 =	sld [smem:$0x3FB2]  }
0x2e: {  	s3 =	simm.s32 @!p0 $0x1082;
	s9 =	sld [smem:$0x3FB3]  }
0x2f: {  	lr =	sadd.s32 s0, s3;
	s0 =	sld [smem:$0x3FAA]  }
0x30: {  	s3 =	sld [smem:$0x3FAD]  }
0x31: {  	[smem:$0x3FB6] =	sst s10  }
0x32: {  	s10 =	sld [smem:$0x3FB4];
	_ =	sdelay $0x3  }
0x33: {  	p0 =	seq.s32 s10, $0x1;
	s10 =	sld [smem:$0x3FB6];
	_ =	sdelay $0x3  }
0x34: {  	[smem:$0x3FB6] =	sst s10  }
0x35: {  	s10 =	sld [smem:$0x3FB5];
	_ =	sdelay $0x3  }
0x36: {  	p1 =	seq.s32 s10, $0x1;
	s10 =	sld [smem:$0x3FB6];
	_ =	sdelay $0x3  }
0x37: {  	[smem:$0x3FB6] =	sst s10  }
0x38: {  	s10 =	sld [smem:$0x3FB7]  }
0x39: {  	_ = 	snop;
	(pc) =	sbr.ind lr, $3  }
0x3a: {  	_ = 	snop  }
0x3b: {  	_ = 	snop  }
0x3c: {  	p2 =	seq.s32 s10, $0x1;
	s10 =	sld [smem:$0x3FB6]  }
0x3d: {  	_ =	shalt  }
0x3e: {  	_ =	shalt  }
0x3f: {  	_ =	shalt  }
0x40: {  	_ =	shalt  }
0x41: {  	_ =	shalt  }
0x42: {  	_ =	shalt  }
0x43: {  	_ =	shalt  }
0x44: {  	_ =	shalt  }
0x45: {  	_ =	shalt  }
0x46: {  	_ =	shalt  }
0x47: {  	_ =	shalt  }
0x48: {  	_ =	shalt  }
0x49: {  	_ =	shalt  }
0x4a: {  	_ =	shalt  }
0x4b: {  	_ =	shalt  }
0x4c: {  	_ =	shalt  }
0x4d: {  	_ =	shalt  }
0x4e: {  	_ =	shalt  }
0x4f: {  	_ =	shalt  }
0x50: {  	_ =	shalt  }
0x51: {  	_ =	shalt  }
0x52: {  	_ =	shalt  }
0x53: {  	_ =	shalt  }
0x54: {  	_ =	shalt  }
0x55: {  	_ =	shalt  }
0x56: {  	_ =	shalt  }
0x57: {  	_ =	shalt  }
0x58: {  	_ =	shalt  }
0x59: {  	_ =	shalt  }
0x5a: {  	_ =	shalt  }
0x5b: {  	_ =	shalt  }
0x5c: {  	_ =	shalt  }
0x5d: {  	_ =	shalt  }
0x5e: {  	_ =	shalt  }
0x5f: {  	_ =	shalt  }
0x60: {  	_ =	shalt  }
0x61: {  	_ =	shalt  }
0x62: {  	_ =	shalt  }
0x63: {  	_ =	shalt  }
0x64: {  	_ =	shalt  }
0x65: {  	_ =	shalt  }
0x66: {  	_ =	shalt  }
0x67: {  	_ =	shalt  }
0x68: {  	_ =	shalt  }
0x69: {  	_ =	shalt  }
0x6a: {  	_ =	shalt  }
0x6b: {  	_ =	shalt  }
0x6c: {  	_ =	shalt  }
0x6d: {  	_ =	shalt  }
0x6e: {  	_ =	shalt  }
0x6f: {  	_ =	shalt  }
0x70: {  	_ =	shalt  }
0x71: {  	_ =	shalt  }
0x72: {  	_ =	shalt  }
0x73: {  	_ =	shalt  }
0x74: {  	_ =	shalt  }
0x75: {  	_ =	shalt  }
0x76: {  	_ =	shalt  }
0x77: {  	_ =	shalt  }
0x78: {  	_ =	shalt  }
0x79: {  	_ =	shalt  }
0x7a: {  	_ =	shalt  }
0x7b: {  	_ =	shalt  }
0x7c: {  	_ =	shalt  }
0x7d: {  	_ =	shalt  }
0x7e: {  	_ =	shalt  }
0x7f: {  	_ =	shalt  }
0x80: {  	_ =	shalt  }
0x81: {  	_ =	shalt  }
0x82: {  	_ =	shalt  }
0x83: {  	_ =	shalt  }
0x84: {  	_ =	shalt  }
0x85: {  	_ =	shalt  }
0x86: {  	_ =	shalt  }
0x87: {  	_ =	shalt  }
.Lfunc_end0:
.L_simem_size_0:
called_computation.2_lowered:
.L_overlay_start_0:
0x88: {  	s2 =	sld [smem:$0x3FD9]  }
0x89: {  	s3 =	sld [smem:$0x3FFE];
	_ =	sdelay $0x1  }
0x8a: {  	s1 =	srdreg.scid  }
0x8b: {  	s0 =	sand.u32 $0x1, s1  }
0x8c: {  	s17 =	sshll.u32 s0, $0xA;
	s2 =	sadd.s32 s3, s2  }
0x8d: {  	s2 =	sadd.s32 s2, s17  }
0x8e: {  	[smem:$0x3FC2] =	sst s2  }
0x8f: {  	_ = 	snop  }
0x90: {  	s2 =	sld [smem:$0x3FD0];
	(tm) =	ssettm $0x1  }
0x91: {  	s18 =	sld [smem:$0x3FFB];
	_ =	sdelay $0x3  }
0x92: {  	_ =	strace s18  }
0x93: {  	s3 =	sld [smem:$0x3FFC];
	_ =	sdelay $0x3  }
0x94: {  	_ =	strace s3  }
0x95: {  	s3 =	sld [smem:$0x3FFD];
	_ =	sdelay $0x3  }
0x96: {  	_ =	strace s3  }
0x97: {  	_ =	strace $0x8FFFFFFF  }
0x98: {  	s19 =	sld [smem:$0x3FDB];
	_ =	sdelay $0x1  }
0x99: {  	s4 =	simm.s32 $_scs_section_size  }
0x9a: {  	s5 =	simm.s32 $_size__tile_overlayer_lowered;
	s6 =	simm.s32 $_tile_overlayer_lowered  }
0x9b: {  	s22 =	simm.s32 $0x1BFF;
	s21 =	sshll.u32 s6, $0x1;
	s3 =	sadd.s32 s4, s19  }
0x9c: {  	s7 =	simm.s32 $0x0;
	s20 =	sshll.u32 s5, $0x1;
	s5 =	sadd.s32 s21, s3  }
0x9d: {  	[timem:s7], [sflag:s22] =	dma.local [hbm:s5], s20  }
0x9e: {  	_ =	swait.ge [sflag:s22], s20  }
0x9f: {  	s4 =	ssub.s32 $0x0, s20;
	[sflag:s22] =	ssyncset.done $0x0  }
0xa0: {  	[sflag:s22] =	ssyncadd.s32 s4;
	_ =	sdelay $0x1  }
0xa1: {  	s23 =	simm.s32 $0x1B8B  }
0xa2: {  	_ =	swait.ge [sflag:s23], $0x1  }
0xa3: {  	[sflag:s23] =	ssyncset.done $0x0  }
0xa4: {  	s25 =	simm.s32 $0x1B8E;
	s24 =	sld [smem:$0x3FFE];
	[sflag:s23] =	ssyncadd.s32 $0xFFFFFFFF  }
0xa5: {  	s26 =	simm.s32 $execute0_lowered;
	[smem:$0x3FD2] =	sst s25  }
0xa6: {  	s5 =	sshll.u32 s26, $0x1;
	_ =	strace $0x8000004C;
	[dreg:$0x1] =	wrdreg $0xFFFFFFFF  }
0xa7: {  	s28 =	simm.s32 $_size_execute0_lowered;
	s3 =	sadd.s32 s3, s5;
	[dreg:$0x0] =	wrdreg $0x0  }
0xa8: {  	s5 =	sshll.u32 s28, $0x1;
	[dreg:$0x2] =	wrdreg s3  }
0xa9: {  	[dreg:$0x3] =	wrdreg s5  }
0xaa: {  	[dreg:$0x4] =	wrdreg $0xC0  }
0xab: {  	_ =	task [dreg:s7], $0x5FFFF  }
0xac: {  	[dreg:$0x1] =	wrdreg $0xFFFFFFFF  }
0xad: {  	[dreg:$0x0] =	wrdreg $0x60  }
0xae: {  	[dreg:$0x2] =	wrdreg s24  }
0xaf: {  	[dreg:$0x3] =	wrdreg s2  }
0xb0: {  	[dreg:$0x4] =	wrdreg $0x170200  }
0xb1: {  	[dreg:$0x5] =	wrdreg $0x198200  }
0xb2: {  	[dreg:$0x6] =	wrdreg $0x9  }
0xb3: {  	_ =	task.clear_ibuf [dreg:s7], $0x7FFFF;
	_ =	strace $0x9000004C  }
0xb4: {  	s29 =	simm.s32 $0x9;
	_ =	strace $0x8000004E  }
0xb5: {  	_ =	swait.ge [sflag:s29], $0x1  }
0xb6: {  	[sflag:s29] =	ssyncadd.s32 $0xFFFFFFFF  }
0xb7: {  	_ =	strace $0x9000004E  }
0xb8: {  	_ =	sfence  }
0xb9: {  	s30 =	sld [smem:$0x0];
	_ =	sdelay $0x2  }
0xba: {  	s31 =	sshll.u32 s1, $0xD;
	s1 =	sshrl.u32 s1, $0x2  }
0xbb: {  	s3 =	sand.u32 $0x4000, s31;
	s1 =	sadd.s32 s1, s30  }
0xbc: {  	s0 =	sor.u32 s3, s0;
	s1 =	sshll.u32 s1, $0x11  }
0xbd: {  	s0 =	sor.u32 s1, s0  }
0xbe: {  	s0 =	sadd.s32 $0x8F2B, s0  }
0xbf: {  	[sflag:s0] =	ssyncadd.remote.s32 $0x1  }
0xc0: {  	_ =	sfence.sel $0xFFFF  }
0xc1: {  	[dreg:$0x0] =	wrdreg $0xFFFFFFFF;
	(pc) =	sbr.abs _section_cstart, $3  }
0xc2: {  	[dreg:$0x1] =	wrdreg $0xFFFFFFFF  }
0xc3: {  	_ =	task.clear_ibuf [dreg:s7], $0x2FFFF;
	_ =	strace $0x9FFFFFFF  }
0xc4: {  	(tm) =	ssettm $0x7FFFFFFF  }
0xc5: {  	_ =	shalt  }
tec
execute0_lowered:
.L_overlay_start_1:
0x0: {  	(tag) =	ssettag $0x1  }
0x1: {  	s0 =	srdreg.scid  }
0x2: {  	s31 =	sand.u32 $0x1, s0  }
0x3: {  	s1 =	stileid.u32;
	s0 =	sshll.u32 s31, $0x4  }
0x4: {  	s9 =	rddreg [dreg:$0x0];
	s0 =	sor.u32 s1, s0  }
0x5: {  	s2 =	rddreg [dreg:$0x2];
	s0 =	smul.u32 $0x4E2, s0  }
0x6: {  	s3 =	rddreg [dreg:$0x3];
	s4 =	simm.s32 $0x0;
	s5 =	simm.s32 $0x5  }
0x7: {  	[smem:$0x7FF] =	sst s4;
	s25 =	sadd.s32 $0x15C00, s9;
	s7 =	sadd.s32 s0, s9  }
0x8: {  	_ =	strace $0x8000004D;
	[dreg:$0x5] =	wrdreg s25;
	s6 =	sadd.s32 $0x2000, s7  }
0x9: {  	[tilespmem:s4], [sflag:$0x5] =	stream.linear.gather [hbm4b:s6+s4], $0x2710, $0x38;
	[tilespmem:$0x1C020] =	vst v63  }
0xa: {  	_ =	swait.ge [sflag:s5], $0x2710  }
0xb: {  	s8 =	simm.s32 $0x2710;
	[sflag:s5] =	ssyncset.done $0x0  }
0xc: {  	s26 =	smul.u32 $0x2800, s1;
	s7 =	sadd.s32 $0xBE00, s7;
	[sflag:s5] =	ssyncadd.s32 $0xFFFFD8F0  }
0xd: {  	[tilespmem:s8], [sflag:$0x5] =	stream.linear.gather [hbm4b:s7+s4], $0x2710, $0x38;
	[tilespmem:$0x1C020] =	vst v63  }
0xe: {  	s10 =	sshrl.u32 s26, $0x3;
	_ =	swait.ge [sflag:s5], $0x2710  }
0xf: {  	s9 =	sadd.s32 s10, s9;
	[sflag:s5] =	ssyncset.done $0x0  }
0x10: {  	s10 =	simm.s32 $0x14820;
	s9 =	sadd.s32 $0x16C00, s9;
	[sflag:s5] =	ssyncadd.s32 $0xFFFFD8F0  }
0x11: {  	[tilespmem:s10], [sflag:$0x5] =	stream.linear.gather [hbm4b:s9+s4], $0x2800, $0x38;
	[tilespmem:$0x1C020] =	vst v63  }
0x12: {  	_ =	swait.ge [sflag:s5], $0x2800  }
0x13: {  	[sflag:s5] =	ssyncset.done $0x0  }
0x14: {  	s11 =	sadd.s32 s26, s2;
	[dreg:$0x6] =	wrdreg s26;
	[sflag:s5] =	ssyncadd.s32 $0xFFFFD800  }
0x15: {  	[spmem:s11] =	stream.linear.scatter [tilespmem:s10], [sflag:$0x5], $0x2800, $0x38;
	[tilespmem:$0x1C020] =	vst v63  }
0x16: {  	p0 =	seq.s32 s31, $0x0;
	_ =	swait.ge [sflag:s5], $0x2800  }
0x17: {  	s12 =	simm.s32 @!p0 $0x5;
	s13 =	simm.s32 @!p0 $0x0;
	[sflag:s5] =	ssyncset.done $0x0  }
0x18: {  	s14 =	simm.s32 @!p0 $0x14820;
	s15 =	rddreg [dreg:$0x5];
	[sflag:s5] =	ssyncadd.s32 $0xFFFFD800  }
0x19: {  	[tilespmem:s14], [sflag:$0x5] =	stream.linear.gather @!p0 [hbm4b:s15+s13], $0x2800, $0x38;
	[tilespmem:$0x1C020] =	vst v63  }
0x1a: {  	_ =	swait.ge @!p0 [sflag:s12], $0x2800  }
0x1b: {  	[sflag:s12] =	ssyncset.done @!p0 $0x0  }
0x1c: {  	s15 =	sadd.s32 s26, s3;
	[sflag:s12] =	ssyncadd.s32 @!p0 $0xFFFFD800  }
0x1d: {  	[spmem:s15] =	stream.linear.scatter [tilespmem:s10], [sflag:$0x5], $0x2800, $0x38;
	[tilespmem:$0x1C020] =	vst v63  }
0x1e: {  	_ =	swait.ge [sflag:s5], $0x2800  }
0x1f: {  	[sflag:s5] =	ssyncset.done $0x0  }
0x20: {  	[sflag:s5] =	ssyncadd.s32 $0xFFFFD800  }
0x21: {  	s16 =	simm.s32 $0x7D0;
	s17 =	simm.s32 $0x4E20;
	[bflag:$0x0] =	sbarrier.arrive $0xFFFF  }
0x22: {  	[tilespmem:s17], [sflag:$0x1] =	stream.indirect.gather [spmem:s2], $0x10, s4, s16, $0xb8;
	[tilespmem:$0x1C020] =	vst v63  }
0x23: {  	s18 =	simm.s32 $0xCB20;
	s19 =	simm.s32 $0x1  }
0x24: {  	[tilespmem:s18], [sflag:$0x2] =	stream.indirect.gather [spmem:s2], $0x10, s16, s16, $0xb8;
	[tilespmem:$0x1C020] =	vst v63  }
0x25: {  	_ =	swait.ge [sflag:s19], $0x7D00  }
0x26: {  	[sflag:s19] =	ssyncset.done $0x0  }
0x27: {  	s20 =	simm.s32 $0x3;
	[sflag:s19] =	ssyncadd.s32 $0xFFFF8300  }
0x28: {  	[spmem:s3] =	stream.indirect.scatter.add.f32 [tilespmem:s17], [sflag:$0x3], $0x10, s8, s16, $0xb8;
	[tilespmem:$0x1C020] =	vst v63  }
0x29: {  	_ =	swait.ge [sflag:s20], $0x7D00  }
0x2a: {  	[sflag:s20] =	ssyncset.done $0x0  }
0x2b: {  	s21 =	simm.s32 $0xFA0;
	s22 =	simm.s32 $0x2;
	[sflag:s20] =	ssyncadd.s32 $0xFFFF8300  }
0x2c: {  	[tilespmem:s17], [sflag:$0x1] =	stream.indirect.gather [spmem:s2], $0x10, s21, s16, $0xb8;
	[tilespmem:$0x1C020] =	vst v63  }
0x2d: {  	_ =	swait.ge [sflag:s22], $0x7D00  }
0x2e: {  	[sflag:s22] =	ssyncset.done $0x0  }
0x2f: {  	s23 =	simm.s32 $0x2EE0;
	s24 =	simm.s32 $0x4;
	[sflag:s22] =	ssyncadd.s32 $0xFFFF8300  }
0x30: {  	[spmem:s3] =	stream.indirect.scatter.add.f32 [tilespmem:s18], [sflag:$0x4], $0x10, s23, s16, $0xb8;
	[tilespmem:$0x1C020] =	vst v63  }
0x31: {  	_ =	swait.ge [sflag:s24], $0x7D00  }
0x32: {  	[sflag:s24] =	ssyncset.done $0x0  }
0x33: {  	s25 =	simm.s32 $0x1770;
	[sflag:s24] =	ssyncadd.s32 $0xFFFF8300  }
0x34: {  	[tilespmem:s18], [sflag:$0x2] =	stream.indirect.gather [spmem:s2], $0x10, s25, s16, $0xb8;
	[tilespmem:$0x1C020] =	vst v63  }
0x35: {  	_ =	swait.ge [sflag:s19], $0x7D00  }
0x36: {  	[sflag:s19] =	ssyncset.done $0x0  }
0x37: {  	s26 =	simm.s32 $0x36B0;
	[sflag:s19] =	ssyncadd.s32 $0xFFFF8300  }
0x38: {  	[spmem:s3] =	stream.indirect.scatter.add.f32 [tilespmem:s17], [sflag:$0x3], $0x10, s26, s16, $0xb8;
	[tilespmem:$0x1C020] =	vst v63  }
0x39: {  	_ =	swait.ge [sflag:s20], $0x7D00  }
0x3a: {  	[sflag:s20] =	ssyncset.done $0x0  }
0x3b: {  	s28 =	simm.s32 $0x1F40;
	[sflag:s20] =	ssyncadd.s32 $0xFFFF8300  }
0x3c: {  	[tilespmem:s17], [sflag:$0x1] =	stream.indirect.gather [spmem:s2], $0x10, s28, s16, $0xb8;
	[tilespmem:$0x1C020] =	vst v63  }
0x3d: {  	_ =	swait.ge [sflag:s22], $0x7D00  }
0x3e: {  	[sflag:s22] =	ssyncset.done $0x0  }
0x3f: {  	s29 =	simm.s32 $0x3E80;
	[sflag:s22] =	ssyncadd.s32 $0xFFFF8300  }
0x40: {  	[spmem:s3] =	stream.indirect.scatter.add.f32 [tilespmem:s18], [sflag:$0x4], $0x10, s29, s16, $0xb8;
	[tilespmem:$0x1C020] =	vst v63  }
0x41: {  	_ =	swait.ge [sflag:s19], $0x7D00  }
0x42: {  	[sflag:s19] =	ssyncset.done $0x0  }
0x43: {  	s30 =	simm.s32 $0x4650;
	[sflag:s19] =	ssyncadd.s32 $0xFFFF8300  }
0x44: {  	[spmem:s3] =	stream.indirect.scatter.add.f32 [tilespmem:s17], [sflag:$0x3], $0x10, s30, s16, $0xb8;
	[tilespmem:$0x1C020] =	vst v63  }
0x45: {  	_ =	swait.ge [sflag:s24], $0x7D00  }
0x46: {  	[sflag:s24] =	ssyncset.done $0x0  }
0x47: {  	[sflag:s24] =	ssyncadd.s32 $0xFFFF8300  }
0x48: {  	_ =	swait.ge [sflag:s20], $0x7D00  }
0x49: {  	[sflag:s20] =	ssyncset.done $0x0  }
0x4a: {  	s0 =	ssub.s32 $0x2, s31;
	[sflag:s20] =	ssyncadd.s32 $0xFFFF8300  }
0x4b: {  	s31 =	smul.u32 $0x28000, s31;
	s1 =	sshrl.u32 s0, $0x1;
	[bflag:$0x0] =	sbarrier.arrive $0xFFFF  }
0x4c: {  	[tilespmem:s10], [sflag:$0x5] =	stream.linear.gather [spmem:s15], $0x2800, $0x38;
	[tilespmem:$0x1C020] =	vst v63  }
0x4d: {  	s0 =	ssub.s32 s0, s1;
	s1 =	rddreg [dreg:$0x6];
	_ =	swait.ge [sflag:s5], $0x2800  }
0x4e: {  	s1 =	sadd.s32 s1, s31;
	[sflag:s5] =	ssyncset.done $0x0  }
0x4f: {  	s0 =	smax.u32 s0, $0x1;
	s1 =	sshrl.u32 s1, $0x3;
	s31 =	rddreg [dreg:$0x1]  }
0x50: {  	s31 =	sadd.s32 s31, s1;
	s1 =	sadd.s32 $0xFFFFFFFF, s0  }
0x51: {  	p1 =	sne.s32 s1, $0x0  }
.Ltmp0:
0x52: {  	_ = 	snop;
	(pc) =	sbr.rel @!p1 .LBB2_2-.Ltmp0, $4  }
0x53: {  	[sflag:s5] =	ssyncadd.s32 $0xFFFFD800  }
0x54: {  	[hbm4b:s31+s4] =	stream.linear.scatter [tilespmem:s10], [sflag:$0x5], $0x2800, $0x38;
	[tilespmem:$0x1C020] =	vst v63  }
0x55: {  	_ =	swait.ge [sflag:s5], $0x2800  }
0x56: {  	[sflag:s5] =	ssyncset.done $0x0  }
.LBB2_1:
0x57: {  	[sflag:s5] =	ssyncadd.s32 $0xFFFFD800  }
0x58: {  	[tilespmem:s4], [sflag:$0x5] =	stream.linear.gather [hbm4b:s6+s4], $0x2710, $0x38;
	[tilespmem:$0x1C020] =	vst v63  }
0x59: {  	_ =	swait.ge [sflag:s5], $0x2710  }
0x5a: {  	[sflag:s5] =	ssyncset.done $0x0  }
0x5b: {  	[sflag:s5] =	ssyncadd.s32 $0xFFFFD8F0  }
0x5c: {  	[tilespmem:s8], [sflag:$0x5] =	stream.linear.gather [hbm4b:s7+s4], $0x2710, $0x38;
	[tilespmem:$0x1C020] =	vst v63  }
0x5d: {  	_ =	swait.ge [sflag:s5], $0x2710  }
0x5e: {  	[sflag:s5] =	ssyncset.done $0x0  }
0x5f: {  	[sflag:s5] =	ssyncadd.s32 $0xFFFFD8F0  }
0x60: {  	[tilespmem:s10], [sflag:$0x5] =	stream.linear.gather [hbm4b:s9+s4], $0x2800, $0x38;
	[tilespmem:$0x1C020] =	vst v63  }
0x61: {  	_ =	swait.ge [sflag:s5], $0x2800  }
0x62: {  	[sflag:s5] =	ssyncset.done $0x0  }
0x63: {  	[sflag:s5] =	ssyncadd.s32 $0xFFFFD800  }
0x64: {  	[spmem:s11] =	stream.linear.scatter [tilespmem:s10], [sflag:$0x5], $0x2800, $0x38;
	[tilespmem:$0x1C020] =	vst v63  }
0x65: {  	_ =	swait.ge [sflag:s5], $0x2800  }
0x66: {  	[sflag:s5] =	ssyncset.done $0x0  }
0x67: {  	s0 =	rddreg [dreg:$0x5];
	[sflag:s5] =	ssyncadd.s32 $0xFFFFD800  }
0x68: {  	[tilespmem:s14], [sflag:$0x5] =	stream.linear.gather @!p0 [hbm4b:s0+s13], $0x2800, $0x38;
	[tilespmem:$0x1C020] =	vst v63  }
0x69: {  	_ =	swait.ge @!p0 [sflag:s12], $0x2800  }
0x6a: {  	[sflag:s12] =	ssyncset.done @!p0 $0x0  }
0x6b: {  	[sflag:s12] =	ssyncadd.s32 @!p0 $0xFFFFD800  }
0x6c: {  	[spmem:s15] =	stream.linear.scatter [tilespmem:s10], [sflag:$0x5], $0x2800, $0x38;
	[tilespmem:$0x1C020] =	vst v63  }
0x6d: {  	_ =	swait.ge [sflag:s5], $0x2800  }
0x6e: {  	[sflag:s5] =	ssyncset.done $0x0  }
0x6f: {  	[sflag:s5] =	ssyncadd.s32 $0xFFFFD800  }
0x70: {  	[bflag:$0x0] =	sbarrier.arrive $0xFFFF  }
0x71: {  	[tilespmem:s17], [sflag:$0x1] =	stream.indirect.gather [spmem:s2], $0x10, s4, s16, $0xb8;
	[tilespmem:$0x1C020] =	vst v63  }
0x72: {  	_ = 	snop  }
0x73: {  	[tilespmem:s18], [sflag:$0x2] =	stream.indirect.gather [spmem:s2], $0x10, s16, s16, $0xb8;
	[tilespmem:$0x1C020] =	vst v63  }
0x74: {  	_ =	swait.ge [sflag:s19], $0x7D00  }
0x75: {  	[sflag:s19] =	ssyncset.done $0x0  }
0x76: {  	[sflag:s19] =	ssyncadd.s32 $0xFFFF8300  }
0x77: {  	[spmem:s3] =	stream.indirect.scatter.add.f32 [tilespmem:s17], [sflag:$0x3], $0x10, s8, s16, $0xb8;
	[tilespmem:$0x1C020] =	vst v63  }
0x78: {  	_ =	swait.ge [sflag:s20], $0x7D00  }
0x79: {  	[sflag:s20] =	ssyncset.done $0x0  }
0x7a: {  	[sflag:s20] =	ssyncadd.s32 $0xFFFF8300  }
0x7b: {  	[tilespmem:s17], [sflag:$0x1] =	stream.indirect.gather [spmem:s2], $0x10, s21, s16, $0xb8;
	[tilespmem:$0x1C020] =	vst v63  }
0x7c: {  	_ =	swait.ge [sflag:s22], $0x7D00  }
0x7d: {  	[sflag:s22] =	ssyncset.done $0x0  }
0x7e: {  	[sflag:s22] =	ssyncadd.s32 $0xFFFF8300  }
0x7f: {  	[spmem:s3] =	stream.indirect.scatter.add.f32 [tilespmem:s18], [sflag:$0x4], $0x10, s23, s16, $0xb8;
	[tilespmem:$0x1C020] =	vst v63  }
0x80: {  	_ =	swait.ge [sflag:s24], $0x7D00  }
0x81: {  	[sflag:s24] =	ssyncset.done $0x0  }
0x82: {  	[sflag:s24] =	ssyncadd.s32 $0xFFFF8300  }
0x83: {  	[tilespmem:s18], [sflag:$0x2] =	stream.indirect.gather [spmem:s2], $0x10, s25, s16, $0xb8;
	[tilespmem:$0x1C020] =	vst v63  }
0x84: {  	_ =	swait.ge [sflag:s19], $0x7D00  }
0x85: {  	[sflag:s19] =	ssyncset.done $0x0  }
0x86: {  	[sflag:s19] =	ssyncadd.s32 $0xFFFF8300  }
0x87: {  	[spmem:s3] =	stream.indirect.scatter.add.f32 [tilespmem:s17], [sflag:$0x3], $0x10, s26, s16, $0xb8;
	[tilespmem:$0x1C020] =	vst v63  }
0x88: {  	_ =	swait.ge [sflag:s20], $0x7D00  }
0x89: {  	[sflag:s20] =	ssyncset.done $0x0  }
0x8a: {  	[sflag:s20] =	ssyncadd.s32 $0xFFFF8300  }
0x8b: {  	[tilespmem:s17], [sflag:$0x1] =	stream.indirect.gather [spmem:s2], $0x10, s28, s16, $0xb8;
	[tilespmem:$0x1C020] =	vst v63  }
0x8c: {  	_ =	swait.ge [sflag:s22], $0x7D00  }
0x8d: {  	[sflag:s22] =	ssyncset.done $0x0  }
0x8e: {  	[sflag:s22] =	ssyncadd.s32 $0xFFFF8300  }
0x8f: {  	[spmem:s3] =	stream.indirect.scatter.add.f32 [tilespmem:s18], [sflag:$0x4], $0x10, s29, s16, $0xb8;
	[tilespmem:$0x1C020] =	vst v63  }
0x90: {  	_ =	swait.ge [sflag:s19], $0x7D00  }
0x91: {  	[sflag:s19] =	ssyncset.done $0x0  }
0x92: {  	[sflag:s19] =	ssyncadd.s32 $0xFFFF8300  }
0x93: {  	[spmem:s3] =	stream.indirect.scatter.add.f32 [tilespmem:s17], [sflag:$0x3], $0x10, s30, s16, $0xb8;
	[tilespmem:$0x1C020] =	vst v63  }
0x94: {  	_ =	swait.ge [sflag:s24], $0x7D00  }
0x95: {  	[sflag:s24] =	ssyncset.done $0x0  }
0x96: {  	[sflag:s24] =	ssyncadd.s32 $0xFFFF8300  }
0x97: {  	_ =	swait.ge [sflag:s20], $0x7D00  }
0x98: {  	[sflag:s20] =	ssyncset.done $0x0  }
0x99: {  	[sflag:s20] =	ssyncadd.s32 $0xFFFF8300  }
0x9a: {  	s1 =	sadd.s32 $0xFFFFFFFF, s1;
	[bflag:$0x0] =	sbarrier.arrive $0xFFFF  }
0x9b: {  	[tilespmem:s10], [sflag:$0x5] =	stream.linear.gather [spmem:s15], $0x2800, $0x38;
	[tilespmem:$0x1C020] =	vst v63  }
0x9c: {  	p1 =	sne.s32 s1, $0x0;
	_ =	swait.ge [sflag:s5], $0x2800  }
.Ltmp1:
0x9d: {  	[sflag:s5] =	ssyncset.done $0x0;
	(pc) =	sbr.rel @p1 .LBB2_1-.Ltmp1, $4  }
0x9e: {  	[sflag:s5] =	ssyncadd.s32 $0xFFFFD800  }
0x9f: {  	[hbm4b:s31+s4] =	stream.linear.scatter [tilespmem:s10], [sflag:$0x5], $0x2800, $0x38;
	[tilespmem:$0x1C020] =	vst v63  }
0xa0: {  	_ =	swait.ge [sflag:s5], $0x2800  }
0xa1: {  	[sflag:s5] =	ssyncset.done $0x0  }
.LBB2_2:
0xa2: {  	[sflag:s5] =	ssyncadd.s32 $0xFFFFD800  }
0xa3: {  	_ =	sfence.sel $0x180000  }
0xa4: {  	[bflag:$0x0] =	sbarrier.arrive $0xFFFF  }
0xa5: {  	_ =	strace $0x9000004D  }
0xa6: {  	s0 =	stileid.u32;
	[bflag:$0x2] =	sbarrier.arrive $0xFFFF  }
0xa7: {  	p0 =	sne.s32 s0, $0x0;
	s0 =	rddreg [dreg:$0x4]  }
0xa8: {  	s0 =	sadd.s32 @!p0 $0x100000, s0  }
0xa9: {  	[sflag:s0] =	ssyncadd.tile.s32 @!p0 $0x1;
	_ =	shalt  }
.Lfunc_end2:
_tile_overlayer_lowered:
.L_overlay_start_2:
0xaa: {  	(tag) =	ssettag $0x2  }
0xab: {  	s0 =	rddreg [dreg:$0x0];
	s2 =	stileid.u32  }
0xac: {  	s1 =	rddreg [dreg:$0x1];
	p0 =	sne.s32 s2, $0x0  }
0xad: {  	s3 =	rddreg [dreg:$0x2];
	[bflag:$0x3] =	sbarrier.arrive $0xFFFF;
	s2 =	simm.s32 @!p0 $0x1C05  }
0xae: {  	[timem:s3], [sflag:s2] =	dma.local @!p0 [hbm:s0], s1  }
0xaf: {  	s0 =	simm.s32 @!p0 $0x5  }
0xb0: {  	_ =	swait.ge @!p0 [sflag:s0], s1  }
0xb1: {  	s1 =	ssub.s32 @!p0 $0x0, s1;
	[sflag:s0] =	ssyncset.done @!p0 $0x0  }
0xb2: {  	[sflag:s0] =	ssyncadd.s32 @!p0 s1  }
0xb3: {  	[bflag:$0x3] =	sbarrier.arrive $0xFFFF  }
0xb4: {  	_ =	shalt  }

// kernel: kernel.8.cloned.1.call-start
scs
__scs_entry_jumppad:
0x0: {  	(pc) =	sbr.rel $0x88, $3  }
0x1: {  	(tag) =	ssettag $0x0;
	lr =	simm.s32 $0x1  }
0x2: {  	[smem:$0x3F9B] =	sst lr;
	_ =	strace $0xD0000000  }
0x3: {  	_ = 	snop  }
0x4: {  	_ = 	snop  }
0x5: {  	_ = 	snop  }
0x6: {  	_ = 	snop  }
0x7: {  	_ = 	snop  }
__scs_overlays_trampoline_lowered:
0x8: {  	[smem:$0x3FAA] =	sst s0  }
0x9: {  	[smem:$0x3FAB] =	sst s1  }
0xa: {  	[smem:$0x3FAC] =	sst s2  }
0xb: {  	[smem:$0x3FAD] =	sst s3  }
0xc: {  	[smem:$0x3FAE] =	sst s4  }
0xd: {  	[smem:$0x3FAF] =	sst s5  }
0xe: {  	[smem:$0x3FB0] =	sst s6  }
0xf: {  	[smem:$0x3FB1] =	sst s7  }
0x10: {  	[smem:$0x3FB2] =	sst s8  }
0x11: {  	[smem:$0x3FB3] =	sst s9;
	s0 =	simm.s32 @!p0 $0x0  }
0x12: {  	s1 =	sld [smem:$0x3F99];
	s0 =	simm.s32 @p0 $0x1  }
0x13: {  	[smem:$0x3FB4] =	sst s0;
	s0 =	simm.s32 @!p1 $0x0  }
0x14: {  	s2 =	sld [smem:$0x3F98];
	s0 =	simm.s32 @p1 $0x1  }
0x15: {  	[smem:$0x3FB5] =	sst s0;
	s0 =	simm.s32 @!p2 $0x0  }
0x16: {  	s3 =	sld [smem:$0x3FDB];
	s0 =	simm.s32 @p2 $0x1  }
0x17: {  	s4 =	simm.s32 $0x1BF5;
	[smem:$0x3FB7] =	sst s0  }
0x18: {  	s0 =	sld [smem:$0x3F9A];
	_ =	swait.ge [sflag:s4], $0x0  }
0x19: {  	s7 =	sld [smem:$0x3F9B]  }
0x1a: {  	s8 =	sadd.s32 $0xFFFFE003, lr  }
0x1b: {  	s9 =	sadd.s32 $0xFFFFFEF7, lr;
	s5 =	simm.s32 $0xFFFFFFFF;
	p2 =	slt.u32 s8, $0xFFFFF086  }
0x1c: {  	p1 =	slt.u32 s9, $0xF7A;
	s5 =	simm.s32 @!p2 $0x0  }
0x1d: {  	s5 =	simm.s32 @p1 $0x1;
	p0 =	seq.s32 s7, s2  }
0x1e: {  	s7 =	smul.u32 @!p0 $0xF7A, s2;
	p2 =	seq.s32 @!p0 s5, $0x0  }
0x1f: {  	s9 =	smul.u32 $0xF7A, s1;
	s8 =	simm.s32 @!p0 $0x1BF5;
	p2 =	por !p2, p0  }
0x20: {  	[sflag:s8] =	ssyncset.s32 @!p0 $0xFFFFF086;
	s6 =	sadd.s32 @!p0 s3, s7;
	s7 =	simm.s32 @!p0 $0x108  }
0x21: {  	s3 =	sadd.s32 s3, s9;
	s6 =	sadd.s32 @!p0 $0x88, s6;
	s7 =	simm.s32 @p2 $0x1082  }
0x22: {  	[simem:s7], [sflag:s8] =	dma.local @!p0 [hbm:s6], $0xF7A  }
0x23: {  	s9 =	sor.u32 $0xD0000000, s2;
	s6 =	simm.s32 $0x108;
	_ =	swait.ge @!p0 [sflag:s8], $0x0  }
0x24: {  	s3 =	sadd.s32 $0x88, s3;
	s6 =	simm.s32 @!p1 $0x1082;
	[sflag:s4] =	ssyncset.s32 $0xFFFFF086  }
0x25: {  	[simem:s6], [sflag:s4] =	dma.local [hbm:s3], $0xF7A  }
0x26: {  	[smem:$0x3F9B] =	sst s1;
	(tag) =	ssettag s2;
	_ =	strace s9  }
0x27: {  	s1 =	sld [smem:$0x3FAB]  }
0x28: {  	s2 =	sld [smem:$0x3FAC]  }
0x29: {  	s4 =	sld [smem:$0x3FAE]  }
0x2a: {  	p0 =	seq.s32 s5, $0x0;
	s5 =	sld [smem:$0x3FAF]  }
0x2b: {  	s6 =	sld [smem:$0x3FB0]  }
0x2c: {  	s7 =	sld [smem:$0x3FB1]  }
0x2d: {  	s3 =	simm.s32 $0x108;
	s8 =	sld [smem:$0x3FB2]  }
0x2e: {  	s3 =	simm.s32 @!p0 $0x1082;
	s9 =	sld [smem:$0x3FB3]  }
0x2f: {  	lr =	sadd.s32 s0, s3;
	s0 =	sld [smem:$0x3FAA]  }
0x30: {  	s3 =	sld [smem:$0x3FAD]  }
0x31: {  	[smem:$0x3FB6] =	sst s10  }
0x32: {  	s10 =	sld [smem:$0x3FB4];
	_ =	sdelay $0x3  }
0x33: {  	p0 =	seq.s32 s10, $0x1;
	s10 =	sld [smem:$0x3FB6];
	_ =	sdelay $0x3  }
0x34: {  	[smem:$0x3FB6] =	sst s10  }
0x35: {  	s10 =	sld [smem:$0x3FB5];
	_ =	sdelay $0x3  }
0x36: {  	p1 =	seq.s32 s10, $0x1;
	s10 =	sld [smem:$0x3FB6];
	_ =	sdelay $0x3  }
0x37: {  	[smem:$0x3FB6] =	sst s10  }
0x38: {  	s10 =	sld [smem:$0x3FB7]  }
0x39: {  	_ = 	snop;
	(pc) =	sbr.ind lr, $3  }
0x3a: {  	_ = 	snop  }
0x3b: {  	_ = 	snop  }
0x3c: {  	p2 =	seq.s32 s10, $0x1;
	s10 =	sld [smem:$0x3FB6]  }
0x3d: {  	_ =	shalt  }
0x3e: {  	_ =	shalt  }
0x3f: {  	_ =	shalt  }
0x40: {  	_ =	shalt  }
0x41: {  	_ =	shalt  }
0x42: {  	_ =	shalt  }
0x43: {  	_ =	shalt  }
0x44: {  	_ =	shalt  }
0x45: {  	_ =	shalt  }
0x46: {  	_ =	shalt  }
0x47: {  	_ =	shalt  }
0x48: {  	_ =	shalt  }
0x49: {  	_ =	shalt  }
0x4a: {  	_ =	shalt  }
0x4b: {  	_ =	shalt  }
0x4c: {  	_ =	shalt  }
0x4d: {  	_ =	shalt  }
0x4e: {  	_ =	shalt  }
0x4f: {  	_ =	shalt  }
0x50: {  	_ =	shalt  }
0x51: {  	_ =	shalt  }
0x52: {  	_ =	shalt  }
0x53: {  	_ =	shalt  }
0x54: {  	_ =	shalt  }
0x55: {  	_ =	shalt  }
0x56: {  	_ =	shalt  }
0x57: {  	_ =	shalt  }
0x58: {  	_ =	shalt  }
0x59: {  	_ =	shalt  }
0x5a: {  	_ =	shalt  }
0x5b: {  	_ =	shalt  }
0x5c: {  	_ =	shalt  }
0x5d: {  	_ =	shalt  }
0x5e: {  	_ =	shalt  }
0x5f: {  	_ =	shalt  }
0x60: {  	_ =	shalt  }
0x61: {  	_ =	shalt  }
0x62: {  	_ =	shalt  }
0x63: {  	_ =	shalt  }
0x64: {  	_ =	shalt  }
0x65: {  	_ =	shalt  }
0x66: {  	_ =	shalt  }
0x67: {  	_ =	shalt  }
0x68: {  	_ =	shalt  }
0x69: {  	_ =	shalt  }
0x6a: {  	_ =	shalt  }
0x6b: {  	_ =	shalt  }
0x6c: {  	_ =	shalt  }
0x6d: {  	_ =	shalt  }
0x6e: {  	_ =	shalt  }
0x6f: {  	_ =	shalt  }
0x70: {  	_ =	shalt  }
0x71: {  	_ =	shalt  }
0x72: {  	_ =	shalt  }
0x73: {  	_ =	shalt  }
0x74: {  	_ =	shalt  }
0x75: {  	_ =	shalt  }
0x76: {  	_ =	shalt  }
0x77: {  	_ =	shalt  }
0x78: {  	_ =	shalt  }
0x79: {  	_ =	shalt  }
0x7a: {  	_ =	shalt  }
0x7b: {  	_ =	shalt  }
0x7c: {  	_ =	shalt  }
0x7d: {  	_ =	shalt  }
0x7e: {  	_ =	shalt  }
0x7f: {  	_ =	shalt  }
0x80: {  	_ =	shalt  }
0x81: {  	_ =	shalt  }
0x82: {  	_ =	shalt  }
0x83: {  	_ =	shalt  }
0x84: {  	_ =	shalt  }
0x85: {  	_ =	shalt  }
0x86: {  	_ =	shalt  }
0x87: {  	_ =	shalt  }
.Lfunc_end0:
.L_simem_size_0:
called_computation_lowered:
.L_overlay_start_0:
0x88: {  	s2 =	sld [smem:$0x3FD9]  }
0x89: {  	s3 =	sld [smem:$0x3FFE];
	_ =	sdelay $0x1  }
0x8a: {  	s1 =	srdreg.scid  }
0x8b: {  	s0 =	sand.u32 $0x1, s1  }
0x8c: {  	s16 =	sshll.u32 s0, $0xA;
	s2 =	sadd.s32 s3, s2  }
0x8d: {  	s2 =	sadd.s32 s2, s16  }
0x8e: {  	[smem:$0x3FC2] =	sst s2  }
0x8f: {  	_ = 	snop  }
0x90: {  	(tm) =	ssettm $0x1  }
0x91: {  	s17 =	sld [smem:$0x3FFB];
	_ =	sdelay $0x3  }
0x92: {  	_ =	strace s17  }
0x93: {  	s2 =	sld [smem:$0x3FFC];
	_ =	sdelay $0x3  }
0x94: {  	_ =	strace s2  }
0x95: {  	s2 =	sld [smem:$0x3FFD];
	_ =	sdelay $0x3  }
0x96: {  	_ =	strace s2  }
0x97: {  	_ =	strace $0x8FFFFFFF  }
0x98: {  	s18 =	sld [smem:$0x3FDB];
	_ =	sdelay $0x1  }
0x99: {  	s19 =	simm.s32 $_scs_section_size  }
0x9a: {  	s4 =	simm.s32 $_size__tile_overlayer_lowered;
	s5 =	simm.s32 $_tile_overlayer_lowered  }
0x9b: {  	s22 =	simm.s32 $0x1BFF;
	s21 =	sshll.u32 s5, $0x1;
	s2 =	sadd.s32 s19, s18  }
0x9c: {  	s6 =	simm.s32 $0x0;
	s20 =	sshll.u32 s4, $0x1;
	s4 =	sadd.s32 s21, s2  }
0x9d: {  	[timem:s6], [sflag:s22] =	dma.local [hbm:s4], s20  }
0x9e: {  	_ =	swait.ge [sflag:s22], s20  }
0x9f: {  	s3 =	ssub.s32 $0x0, s20;
	[sflag:s22] =	ssyncset.done $0x0  }
0xa0: {  	[sflag:s22] =	ssyncadd.s32 s3;
	_ =	sdelay $0x1  }
0xa1: {  	s23 =	simm.s32 $0x1B8B  }
0xa2: {  	_ =	swait.ge [sflag:s23], $0x1  }
0xa3: {  	[sflag:s23] =	ssyncset.done $0x0  }
0xa4: {  	s25 =	simm.s32 $0x1B8E;
	s24 =	sld [smem:$0x3FFE];
	[sflag:s23] =	ssyncadd.s32 $0xFFFFFFFF  }
0xa5: {  	s26 =	simm.s32 $execute0_lowered;
	[smem:$0x3FD2] =	sst s25  }
0xa6: {  	s4 =	sshll.u32 s26, $0x1;
	_ =	strace $0x80000046;
	[dreg:$0x1] =	wrdreg $0xFFFFFFFF  }
0xa7: {  	s28 =	simm.s32 $_size_execute0_lowered;
	s2 =	sadd.s32 s2, s4;
	[dreg:$0x0] =	wrdreg $0x0  }
0xa8: {  	s4 =	sshll.u32 s28, $0x1;
	[dreg:$0x2] =	wrdreg s2  }
0xa9: {  	[dreg:$0x3] =	wrdreg s4  }
0xaa: {  	[dreg:$0x4] =	wrdreg $0xC0  }
0xab: {  	_ =	task [dreg:s6], $0x5FFFF  }
0xac: {  	[dreg:$0x1] =	wrdreg $0xFFFFFFFF  }
0xad: {  	[dreg:$0x0] =	wrdreg $0x60  }
0xae: {  	[dreg:$0x2] =	wrdreg s24  }
0xaf: {  	[dreg:$0x3] =	wrdreg $0x4F100  }
0xb0: {  	[dreg:$0x4] =	wrdreg $0x9  }
0xb1: {  	_ =	task.clear_ibuf [dreg:s6], $0x5FFFF;
	_ =	strace $0x90000046  }
0xb2: {  	s29 =	simm.s32 $0x9;
	_ =	strace $0x80000048  }
0xb3: {  	_ =	swait.ge [sflag:s29], $0x1  }
0xb4: {  	[sflag:s29] =	ssyncadd.s32 $0xFFFFFFFF  }
0xb5: {  	_ =	strace $0x90000048  }
0xb6: {  	_ =	sfence  }
0xb7: {  	s30 =	sld [smem:$0x0];
	_ =	sdelay $0x2  }
0xb8: {  	s31 =	sshll.u32 s1, $0xD;
	s1 =	sshrl.u32 s1, $0x2  }
0xb9: {  	s3 =	sand.u32 $0x4000, s31;
	s1 =	sadd.s32 s1, s30  }
0xba: {  	s0 =	sor.u32 s3, s0;
	s1 =	sshll.u32 s1, $0x11  }
0xbb: {  	s0 =	sor.u32 s1, s0  }
0xbc: {  	s0 =	sadd.s32 $0x8F2B, s0  }
0xbd: {  	[sflag:s0] =	ssyncadd.remote.s32 $0x1  }
0xbe: {  	_ =	sfence.sel $0xFFFF  }
0xbf: {  	[dreg:$0x0] =	wrdreg $0xFFFFFFFF;
	(pc) =	sbr.abs _section_cstart, $3  }
0xc0: {  	[dreg:$0x1] =	wrdreg $0xFFFFFFFF  }
0xc1: {  	_ =	task.clear_ibuf [dreg:s6], $0x2FFFF;
	_ =	strace $0x9FFFFFFF  }
0xc2: {  	(tm) =	ssettm $0x7FFFFFFF  }
0xc3: {  	_ =	shalt  }
tec
execute0_lowered:
.L_overlay_start_1:
0x0: {  	(tag) =	ssettag $0x1  }
0x1: {  	s0 =	srdreg.scid  }
0x2: {  	s8 =	stileid.u32;
	s4 =	rddreg [dreg:$0x0]  }
0x3: {  	s6 =	rddreg [dreg:$0x1];
	s2 =	simm.s32 $0x0;
	s24 =	simm.s32 $0x1  }
0x4: {  	s25 =	simm.s32 $0x2710;
	s26 =	simm.s32 $0x9A10;
	s28 =	simm.s32 $0x9C90  }
0x5: {  	s29 =	simm.s32 $0x0;
	s0 =	sand.u32 $0x1, s0;
	s7 =	smul.u32 $0x280, s8  }
0x6: {  	[smem:$0x7FF] =	sst s2;
	s1 =	sshll.u32 s0, $0x4;
	s3 =	smul.u32 $0x2800, s0  }
0x7: {  	s0 =	ssub.s32 $0x2, s0;
	s1 =	sor.u32 s8, s1;
	s8 =	smul.u32 $0xA000, s8  }
0x8: {  	_ =	strace $0x80000047;
	s9 =	sshrl.u32 s0, $0x1;
	s1 =	smul.u32 $0x4E2, s1  }
0x9: {  	s5 =	sadd.s32 s7, s3;
	s3 =	sadd.s32 $0x15C00, s4;
	s0 =	ssub.s32 s0, s9  }
0xa: {  	s5 =	sshrl.u32 s5, $0x3;
	s31 =	sshrl.u32 s8, $0x2;
	s1 =	sadd.s32 s1, s4  }
0xb: {  	s22 =	sadd.s32 s5, s4;
	s5 =	sadd.s32 s31, s6;
	s6 =	sadd.s32 s7, s6  }
0xc: {  	s23 =	smax.u32 s0, $0x1;
	s4 =	sadd.s32 $0xBE00, s1;
	s7 =	sadd.s32 $0x2800, s6  }
0xd: {  	s8 =	sadd.s32 $0x5000, s6;
	s9 =	sadd.s32 $0x7800, s6;
	s10 =	sadd.s32 $0xA000, s6  }
0xe: {  	s11 =	sadd.s32 $0xC800, s6;
	s12 =	sadd.s32 $0xF000, s6;
	s13 =	sadd.s32 $0x11800, s6  }
0xf: {  	s14 =	sadd.s32 $0x14000, s6;
	s15 =	sadd.s32 $0x16800, s6;
	s16 =	sadd.s32 $0x19000, s6  }
0x10: {  	s17 =	sadd.s32 $0x1B800, s6;
	s18 =	sadd.s32 $0x1E000, s6;
	s19 =	sadd.s32 $0x20800, s6  }
0x11: {  	v0 =	vimm.f32 $1.000000000e+00;
	s20 =	sadd.s32 $0x23000, s6;
	s21 =	sadd.s32 $0x25800, s6;
	s22 =	sadd.s32 $0x16200, s22  }
.LBB2_1:
0x12: {  	[tilespmem:s2], [sflag:$0x1] =	stream.linear.gather [hbm4b:s4+s2], $0x2710, $0x38;
	[tilespmem:$0x9F10] =	vst v63  }
0x13: {  	_ =	swait.ge [sflag:s24], $0x2710  }
0x14: {  	[sflag:s24] =	ssyncset.done $0x0  }
0x15: {  	[sflag:s24] =	ssyncadd.s32 $0xFFFFD8F0  }
0x16: {  	[tilespmem:s25], [sflag:$0x1] =	stream.linear.gather [hbm4b:s3+s2], $0x2800, $0x38;
	[tilespmem:$0x9F10] =	vst v63  }
0x17: {  	_ =	swait.ge [sflag:s24], $0x2800  }
0x18: {  	[sflag:s24] =	ssyncset.done $0x0  }
0x19: {  	s0 =	simm.s32 $0x0;
	[sflag:s24] =	ssyncadd.s32 $0xFFFFD800  }
.LBB2_2:
0x1a: {  	s1 =	sshra.s32 s0, $0x2  }
0x1b: {  	v1 =	vld [tilespmem:s1+$0x0];
	_ =	sdelay $0x7  }
0x1c: {  	[tilespmem:v1+s25+$0x0] =	vst.idx.add.f32.msk $0xffff, v0  }
0x1d: {  	v1 =	vld [tilespmem:s1+$0x10];
	_ =	sdelay $0x7  }
0x1e: {  	[tilespmem:v1+s25+$0x0] =	vst.idx.add.f32.msk $0xffff, v0  }
0x1f: {  	v1 =	vld [tilespmem:s1+$0x20];
	_ =	sdelay $0x7  }
0x20: {  	[tilespmem:v1+s25+$0x0] =	vst.idx.add.f32.msk $0xffff, v0  }
0x21: {  	v1 =	vld [tilespmem:s1+$0x30];
	_ =	sdelay $0x7  }
0x22: {  	[tilespmem:v1+s25+$0x0] =	vst.idx.add.f32.msk $0xffff, v0  }
0x23: {  	v1 =	vld [tilespmem:s1+$0x40];
	_ =	sdelay $0x7  }
0x24: {  	[tilespmem:v1+s25+$0x0] =	vst.idx.add.f32.msk $0xffff, v0  }
0x25: {  	v1 =	vld [tilespmem:s1+$0x50];
	_ =	sdelay $0x7  }
0x26: {  	[tilespmem:v1+s25+$0x0] =	vst.idx.add.f32.msk $0xffff, v0  }
0x27: {  	v1 =	vld [tilespmem:s1+$0x60];
	_ =	sdelay $0x7  }
0x28: {  	[tilespmem:v1+s25+$0x0] =	vst.idx.add.f32.msk $0xffff, v0  }
0x29: {  	v1 =	vld [tilespmem:s1+$0x70];
	_ =	sdelay $0x2  }
0x2a: {  	p0 =	sne.s32 s0, $0x9A00  }
.Ltmp0:
0x2b: {  	_ = 	snop;
	(pc) =	sbr.rel @p0 .LBB2_2-.Ltmp0, $2  }
0x2c: {  	_ =	sdelay $0x2  }
0x2d: {  	s0 =	sadd.s32 $0x200, s0;
	[tilespmem:v1+s25+$0x0] =	vst.idx.add.f32.msk $0xffff, v0  }
0x2e: {  	[spmem:s5] =	stream.linear.scatter [tilespmem:s25], [sflag:$0x1], $0x2800, $0x38;
	[tilespmem:$0x9F10] =	vst v63  }
0x2f: {  	_ =	swait.ge [sflag:s24], $0x2800  }
0x30: {  	[sflag:s24] =	ssyncset.done $0x0  }
0x31: {  	[sflag:s24] =	ssyncadd.s32 $0xFFFFD800  }
0x32: {  	s0 =	simm.s32 $0x7710;
	[bflag:$0x0] =	sbarrier.arrive $0xFFFF  }
0x33: {  	[tilespmem:s0], [sflag:$0x1] =	stream.linear.gather [spmem:s6], $0x280, $0x38;
	[tilespmem:$0x9F10] =	vst v63  }
0x34: {  	_ =	swait.ge [sflag:s24], $0x280  }
0x35: {  	[sflag:s24] =	ssyncset.done $0x0  }
0x36: {  	s1 =	simm.s32 $0x7990;
	[sflag:s24] =	ssyncadd.s32 $0xFFFFFD80  }
0x37: {  	[tilespmem:s1], [sflag:$0x1] =	stream.linear.gather [spmem:s7], $0x280, $0x38;
	[tilespmem:$0x9F10] =	vst v63  }
0x38: {  	_ =	swait.ge [sflag:s24], $0x280  }
0x39: {  	[sflag:s24] =	ssyncset.done $0x0  }
0x3a: {  	s1 =	simm.s32 $0x7C10;
	[sflag:s24] =	ssyncadd.s32 $0xFFFFFD80  }
0x3b: {  	[tilespmem:s1], [sflag:$0x1] =	stream.linear.gather [spmem:s8], $0x280, $0x38;
	[tilespmem:$0x9F10] =	vst v63  }
0x3c: {  	_ =	swait.ge [sflag:s24], $0x280  }
0x3d: {  	[sflag:s24] =	ssyncset.done $0x0  }
0x3e: {  	s1 =	simm.s32 $0x7E90;
	[sflag:s24] =	ssyncadd.s32 $0xFFFFFD80  }
0x3f: {  	[tilespmem:s1], [sflag:$0x1] =	stream.linear.gather [spmem:s9], $0x280, $0x38;
	[tilespmem:$0x9F10] =	vst v63  }
0x40: {  	_ =	swait.ge [sflag:s24], $0x280  }
0x41: {  	[sflag:s24] =	ssyncset.done $0x0  }
0x42: {  	s1 =	simm.s32 $0x8110;
	[sflag:s24] =	ssyncadd.s32 $0xFFFFFD80  }
0x43: {  	[tilespmem:s1], [sflag:$0x1] =	stream.linear.gather [spmem:s10], $0x280, $0x38;
	[tilespmem:$0x9F10] =	vst v63  }
0x44: {  	_ =	swait.ge [sflag:s24], $0x280  }
0x45: {  	[sflag:s24] =	ssyncset.done $0x0  }
0x46: {  	s1 =	simm.s32 $0x8390;
	[sflag:s24] =	ssyncadd.s32 $0xFFFFFD80  }
0x47: {  	[tilespmem:s1], [sflag:$0x1] =	stream.linear.gather [spmem:s11], $0x280, $0x38;
	[tilespmem:$0x9F10] =	vst v63  }
0x48: {  	_ =	swait.ge [sflag:s24], $0x280  }
0x49: {  	[sflag:s24] =	ssyncset.done $0x0  }
0x4a: {  	s1 =	simm.s32 $0x8610;
	[sflag:s24] =	ssyncadd.s32 $0xFFFFFD80  }
0x4b: {  	[tilespmem:s1], [sflag:$0x1] =	stream.linear.gather [spmem:s12], $0x280, $0x38;
	[tilespmem:$0x9F10] =	vst v63  }
0x4c: {  	_ =	swait.ge [sflag:s24], $0x280  }
0x4d: {  	[sflag:s24] =	ssyncset.done $0x0  }
0x4e: {  	s1 =	simm.s32 $0x8890;
	[sflag:s24] =	ssyncadd.s32 $0xFFFFFD80  }
0x4f: {  	[tilespmem:s1], [sflag:$0x1] =	stream.linear.gather [spmem:s13], $0x280, $0x38;
	[tilespmem:$0x9F10] =	vst v63  }
0x50: {  	_ =	swait.ge [sflag:s24], $0x280  }
0x51: {  	[sflag:s24] =	ssyncset.done $0x0  }
0x52: {  	s1 =	simm.s32 $0x8B10;
	[sflag:s24] =	ssyncadd.s32 $0xFFFFFD80  }
0x53: {  	[tilespmem:s1], [sflag:$0x1] =	stream.linear.gather [spmem:s14], $0x280, $0x38;
	[tilespmem:$0x9F10] =	vst v63  }
0x54: {  	_ =	swait.ge [sflag:s24], $0x280  }
0x55: {  	[sflag:s24] =	ssyncset.done $0x0  }
0x56: {  	s1 =	simm.s32 $0x8D90;
	[sflag:s24] =	ssyncadd.s32 $0xFFFFFD80  }
0x57: {  	[tilespmem:s1], [sflag:$0x1] =	stream.linear.gather [spmem:s15], $0x280, $0x38;
	[tilespmem:$0x9F10] =	vst v63  }
0x58: {  	_ =	swait.ge [sflag:s24], $0x280  }
0x59: {  	[sflag:s24] =	ssyncset.done $0x0  }
0x5a: {  	s1 =	simm.s32 $0x9010;
	[sflag:s24] =	ssyncadd.s32 $0xFFFFFD80  }
0x5b: {  	[tilespmem:s1], [sflag:$0x1] =	stream.linear.gather [spmem:s16], $0x280, $0x38;
	[tilespmem:$0x9F10] =	vst v63  }
0x5c: {  	_ =	swait.ge [sflag:s24], $0x280  }
0x5d: {  	[sflag:s24] =	ssyncset.done $0x0  }
0x5e: {  	s1 =	simm.s32 $0x9290;
	[sflag:s24] =	ssyncadd.s32 $0xFFFFFD80  }
0x5f: {  	[tilespmem:s1], [sflag:$0x1] =	stream.linear.gather [spmem:s17], $0x280, $0x38;
	[tilespmem:$0x9F10] =	vst v63  }
0x60: {  	_ =	swait.ge [sflag:s24], $0x280  }
0x61: {  	[sflag:s24] =	ssyncset.done $0x0  }
0x62: {  	s1 =	simm.s32 $0x9510;
	[sflag:s24] =	ssyncadd.s32 $0xFFFFFD80  }
0x63: {  	[tilespmem:s1], [sflag:$0x1] =	stream.linear.gather [spmem:s18], $0x280, $0x38;
	[tilespmem:$0x9F10] =	vst v63  }
0x64: {  	_ =	swait.ge [sflag:s24], $0x280  }
0x65: {  	[sflag:s24] =	ssyncset.done $0x0  }
0x66: {  	s1 =	simm.s32 $0x9790;
	[sflag:s24] =	ssyncadd.s32 $0xFFFFFD80  }
0x67: {  	[tilespmem:s1], [sflag:$0x1] =	stream.linear.gather [spmem:s19], $0x280, $0x38;
	[tilespmem:$0x9F10] =	vst v63  }
0x68: {  	_ =	swait.ge [sflag:s24], $0x280  }
0x69: {  	[sflag:s24] =	ssyncset.done $0x0  }
0x6a: {  	[sflag:s24] =	ssyncadd.s32 $0xFFFFFD80  }
0x6b: {  	[tilespmem:s26], [sflag:$0x1] =	stream.linear.gather [spmem:s20], $0x280, $0x38;
	[tilespmem:$0x9F10] =	vst v63  }
0x6c: {  	_ =	swait.ge [sflag:s24], $0x280  }
0x6d: {  	[sflag:s24] =	ssyncset.done $0x0  }
0x6e: {  	[sflag:s24] =	ssyncadd.s32 $0xFFFFFD80  }
0x6f: {  	[tilespmem:s28], [sflag:$0x1] =	stream.linear.gather [spmem:s21], $0x280, $0x38;
	[tilespmem:$0x9F10] =	vst v63  }
0x70: {  	_ =	swait.ge [sflag:s24], $0x280  }
0x71: {  	[sflag:s24] =	ssyncset.done $0x0  }
0x72: {  	s31 =	simm.s32 $0x0;
	[sflag:s24] =	ssyncadd.s32 $0xFFFFFD80  }
0x73: {  	v1 =	vld [tilespmem:s31+$0x7710];
	_ =	sdelay $0x1  }
0x74: {  	v2 =	vld [tilespmem:s31+$0x7990];
	_ =	sdelay $0x1  }
0x75: {  	v3 =	vld [tilespmem:s31+$0x7C10]  }
0x76: {  	v1 =	vadd.f32 $0.0e+00, v1  }
0x77: {  	v4 =	vld [tilespmem:s31+$0x7E90]  }
0x78: {  	v1 =	vadd.f32 v2, v1  }
0x79: {  	v2 =	vld [tilespmem:s31+$0x8110]  }
0x7a: {  	v1 =	vadd.f32 v3, v1  }
0x7b: {  	v3 =	vld [tilespmem:s31+$0x8390]  }
0x7c: {  	v1 =	vadd.f32 v4, v1  }
0x7d: {  	v4 =	vld [tilespmem:s31+$0x8610]  }
0x7e: {  	v1 =	vadd.f32 v2, v1  }
0x7f: {  	s30 =	simm.s32 $0x10;
	v2 =	vld [tilespmem:s31+$0x8890]  }
0x80: {  	v5 =	vld [tilespmem:s30+$0x7710];
	v1 =	vadd.f32 v3, v1  }
0x81: {  	v3 =	vld [tilespmem:s31+$0x8B10]  }
0x82: {  	v6 =	vld [tilespmem:s30+$0x7990];
	v1 =	vadd.f32 v4, v1  }
0x83: {  	v4 =	vld [tilespmem:s31+$0x8D90]  }
0x84: {  	v7 =	vld [tilespmem:s30+$0x7C10];
	v1 =	vadd.f32 v2, v1  }
0x85: {  	v2 =	vld [tilespmem:s31+$0x9010]  }
0x86: {  	v8 =	vld [tilespmem:s30+$0x7E90];
	v5 =	vadd.f32 $0.0e+00, v5;
	v1 =	vadd.f32 v3, v1  }
0x87: {  	v3 =	vld [tilespmem:s31+$0x9290]  }
0x88: {  	v9 =	vld [tilespmem:s30+$0x8110];
	v5 =	vadd.f32 v6, v5;
	v1 =	vadd.f32 v4, v1  }
0x89: {  	v6 =	vld [tilespmem:s31+$0x9510]  }
0x8a: {  	v10 =	vld [tilespmem:s30+$0x8390];
	v4 =	vadd.f32 v7, v5;
	v1 =	vadd.f32 v2, v1  }
0x8b: {  	v7 =	vld [tilespmem:s31+$0x9790]  }
0x8c: {  	v2 =	vadd.f32 v8, v4;
	v4 =	vld [tilespmem:s30+$0x8610];
	v3 =	vadd.f32 v3, v1  }
0x8d: {  	v1 =	vld [tilespmem:s31+$0x9A10]  }
0x8e: {  	v5 =	vld [tilespmem:s30+$0x8890];
	v8 =	vadd.f32 v9, v2;
	v63 =	vadd.f32 v6, v3  }
0x8f: {  	v2 =	vld [tilespmem:s31+$0x9C90]  }
0x90: {  	s0 =	simm.s32 $0xC0;
	s1 =	simm.s32 $0x20;
	v6 =	vadd.f32 v10, v8;
	v3 =	vld [tilespmem:s30+$0x8B10];
	v7 =	vadd.f32 v7, v63  }
.LBB2_4:
0x91: {  	p0 =	sne.s32 s0, $0x9C0;
	v8 =	vld [tilespmem:s1+$0x7710]  }
0x92: {  	v4 =	vadd.f32 v4, v6;
	v6 =	vld [tilespmem:s30+$0x8D90];
	v1 =	vadd.f32 v1, v7  }
0x93: {  	v7 =	vld [tilespmem:s1+$0x7990]  }
0x94: {  	v4 =	vadd.f32 v5, v4;
	v5 =	vld [tilespmem:s30+$0x9010];
	v1 =	vadd.f32 v2, v1  }
0x95: {  	v2 =	vld [tilespmem:s1+$0x7C10]  }
0x96: {  	v8 =	vadd.f32 $0.0e+00, v8;
	v3 =	vadd.f32 v3, v4;
	v4 =	vld [tilespmem:s30+$0x9290];
	[tilespmem:s31+$0x2710] =	vst v1;
	s31 =	smov.u32 s30;
	s30 =	smov.u32 s1  }
0x97: {  	v1 =	vld [tilespmem:s30+$0x7E90]  }
0x98: {  	v7 =	vadd.f32 v7, v8;
	v3 =	vadd.f32 v6, v3;
	v6 =	vld [tilespmem:s31+$0x9510]  }
0x99: {  	v8 =	vld [tilespmem:s30+$0x8110]  }
0x9a: {  	v2 =	vadd.f32 v2, v7;
	v3 =	vadd.f32 v5, v3;
	v7 =	vld [tilespmem:s31+$0x9790]  }
0x9b: {  	v9 =	vld [tilespmem:s30+$0x8390]  }
.Ltmp1:
0x9c: {  	v2 =	vadd.f32 v1, v2;
	v3 =	vadd.f32 v4, v3;
	v1 =	vld [tilespmem:s31+$0x9A10];
	(pc) =	sbr.rel @p0 .LBB2_4-.Ltmp1, $4  }
0x9d: {  	v4 =	vld [tilespmem:s30+$0x8610]  }
0x9e: {  	v8 =	vadd.f32 v8, v2;
	v10 =	vadd.f32 v6, v3;
	v2 =	vld [tilespmem:s31+$0x9C90]  }
0x9f: {  	v5 =	vld [tilespmem:s30+$0x8890]  }
0xa0: {  	s1 =	sshra.s32 s0, $0x2;
	s0 =	sadd.s32 $0x40, s0;
	v6 =	vadd.f32 v9, v8;
	v3 =	vld [tilespmem:s30+$0x8B10];
	v7 =	vadd.f32 v7, v10  }
0xa1: {  	v8 =	vld [tilespmem:s1+$0x7710]  }
0xa2: {  	v9 =	vld [tilespmem:s30+$0x8D90];
	v1 =	vadd.f32 v1, v7  }
0xa3: {  	v49 =	vld [tilespmem:s1+$0x7990]  }
0xa4: {  	v10 =	vld [tilespmem:s30+$0x9010];
	v4 =	vadd.f32 v4, v6;
	v1 =	vadd.f32 v2, v1  }
0xa5: {  	v2 =	vld [tilespmem:s1+$0x7C10]  }
0xa6: {  	v50 =	vld [tilespmem:s30+$0x9290];
	v4 =	vadd.f32 v5, v4;
	v51 =	vadd.f32 $0.0e+00, v8;
	[tilespmem:s31+$0x2710] =	vst v1  }
0xa7: {  	v1 =	vld [tilespmem:s1+$0x7E90]  }
0xa8: {  	v3 =	vadd.f32 v3, v4;
	v52 =	vadd.f32 v49, v51  }
0xa9: {  	v53 =	vld [tilespmem:s1+$0x8110]  }
0xaa: {  	v54 =	vld [tilespmem:s30+$0x9510];
	v3 =	vadd.f32 v9, v3;
	v2 =	vadd.f32 v2, v52  }
0xab: {  	v55 =	vld [tilespmem:s1+$0x8390]  }
0xac: {  	v56 =	vld [tilespmem:s30+$0x9790];
	v3 =	vadd.f32 v10, v3;
	v1 =	vadd.f32 v1, v2  }
0xad: {  	v2 =	vld [tilespmem:s1+$0x8610]  }
0xae: {  	v57 =	vld [tilespmem:s30+$0x9A10];
	v3 =	vadd.f32 v50, v3;
	v1 =	vadd.f32 v53, v1  }
0xaf: {  	v58 =	vld [tilespmem:s1+$0x8890]  }
0xb0: {  	v59 =	vld [tilespmem:s30+$0x9C90];
	v3 =	vadd.f32 v54, v3;
	v1 =	vadd.f32 v55, v1  }
0xb1: {  	v60 =	vld [tilespmem:s1+$0x8B10]  }
0xb2: {  	v3 =	vadd.f32 v56, v3;
	v1 =	vadd.f32 v2, v1  }
0xb3: {  	v2 =	vld [tilespmem:s1+$0x8D90]  }
0xb4: {  	v3 =	vadd.f32 v57, v3;
	v1 =	vadd.f32 v58, v1  }
0xb5: {  	v61 =	vld [tilespmem:s1+$0x9010]  }
0xb6: {  	v3 =	vadd.f32 v59, v3;
	v1 =	vadd.f32 v60, v1  }
0xb7: {  	v62 =	vld [tilespmem:s1+$0x9290]  }
0xb8: {  	[tilespmem:s30+$0x2710] =	vst v3;
	v1 =	vadd.f32 v2, v1  }
0xb9: {  	v2 =	vld [tilespmem:s1+$0x9510]  }
0xba: {  	v1 =	vadd.f32 v61, v1  }
0xbb: {  	v3 =	vld [tilespmem:s1+$0x9790]  }
0xbc: {  	v1 =	vadd.f32 v62, v1  }
0xbd: {  	v63 =	vld [tilespmem:s1+$0x9A10]  }
0xbe: {  	v1 =	vadd.f32 v2, v1  }
0xbf: {  	v2 =	vld [tilespmem:s1+$0x9C90]  }
0xc0: {  	v1 =	vadd.f32 v3, v1;
	_ =	sdelay $0x1  }
0xc1: {  	v1 =	vadd.f32 v63, v1;
	_ =	sdelay $0x1  }
0xc2: {  	s29 =	sadd.s32 $0x1, s29;
	v1 =	vadd.f32 v2, v1  }
0xc3: {  	p0 =	sne.s32 s29, s23  }
.Ltmp2:
0xc4: {  	[tilespmem:s1+$0x2710] =	vst v1;
	(pc) =	sbr.rel @p0 .LBB2_1-.Ltmp2, $4  }
0xc5: {  	[hbm4b:s22+s2] =	stream.linear.scatter [tilespmem:s25], [sflag:$0x1], $0x280, $0x38;
	[tilespmem:$0x9F10] =	vst v63  }
0xc6: {  	_ =	swait.ge [sflag:s24], $0x280  }
0xc7: {  	[sflag:s24] =	ssyncset.done $0x0  }
0xc8: {  	[sflag:s24] =	ssyncadd.s32 $0xFFFFFD80  }
0xc9: {  	_ =	sfence.sel $0x180000  }
0xca: {  	[bflag:$0x0] =	sbarrier.arrive $0xFFFF  }
0xcb: {  	_ =	strace $0x90000047  }
0xcc: {  	s0 =	stileid.u32;
	[bflag:$0x2] =	sbarrier.arrive $0xFFFF  }
0xcd: {  	p0 =	sne.s32 s0, $0x0;
	s0 =	rddreg [dreg:$0x2]  }
0xce: {  	s0 =	sadd.s32 @!p0 $0x100000, s0  }
0xcf: {  	[sflag:s0] =	ssyncadd.tile.s32 @!p0 $0x1;
	_ =	shalt  }
.Lfunc_end2:
_tile_overlayer_lowered:
.L_overlay_start_2:
0xd0: {  	(tag) =	ssettag $0x2  }
0xd1: {  	s0 =	rddreg [dreg:$0x0];
	s2 =	stileid.u32  }
0xd2: {  	s1 =	rddreg [dreg:$0x1];
	p0 =	sne.s32 s2, $0x0  }
0xd3: {  	s3 =	rddreg [dreg:$0x2];
	[bflag:$0x3] =	sbarrier.arrive $0xFFFF;
	s2 =	simm.s32 @!p0 $0x1C01  }
0xd4: {  	[timem:s3], [sflag:s2] =	dma.local @!p0 [hbm:s0], s1  }
0xd5: {  	s0 =	simm.s32 @!p0 $0x1  }
0xd6: {  	_ =	swait.ge @!p0 [sflag:s0], s1  }
0xd7: {  	s1 =	ssub.s32 @!p0 $0x0, s1;
	[sflag:s0] =	ssyncset.done @!p0 $0x0  }
0xd8: {  	[sflag:s0] =	ssyncadd.s32 @!p0 s1  }
0xd9: {  	[bflag:$0x3] =	sbarrier.arrive $0xFFFF  }
0xda: {  	_ =	shalt  }

</sc_bundles>
